<compile_context>
chip_gen: v7x
topology: tpu7x:2x2x1
jax: 0.10.2.dev20260603
libtpu: 0.0.44.dev20260713+nightly
codegen_flags: <defaults>
</compile_context>

<pallas_src>
import functools

import jax
import jax.numpy as jnp
from jax import lax
from jax.experimental import pallas as pl
from jax.experimental.pallas import tpu as pltpu
from jax.experimental.pallas import tpu_sc as plsc

_NW = 32


def _make_gather(B0, T, K, D, unroll=32):
    FS = 8
    NSLAB = D // FS
    NQ = _NW // NSLAB
    TOK = T // NQ
    IMG_BLK = 8
    NBLK = B0 // IMG_BLK
    NGRP = IMG_BLK * (TOK // 16)
    mesh = plsc.VectorSubcoreMesh(core_axis_name="c", subcore_axis_name="s")

    @functools.partial(
        pl.kernel,
        mesh=mesh,
        compiler_params=pltpu.CompilerParams(needs_layout_passes=False),
        out_type=jax.ShapeDtypeStruct((B0, D, T), jnp.float32),
        scratch_types=[
            pltpu.VMEM((FS, K), jnp.float32),
            pltpu.VMEM((IMG_BLK, TOK), jnp.int32),
            pltpu.VMEM((IMG_BLK, TOK), jnp.int32),
            pltpu.VMEM((IMG_BLK, FS, TOK), jnp.float32),
            pltpu.VMEM((IMG_BLK, FS, TOK), jnp.float32),
            [pltpu.SemaphoreType.DMA] * 2,
            [pltpu.SemaphoreType.DMA] * 2,
            pltpu.SemaphoreType.DMA,
        ],
    )
    def gather_kernel(
        idx_hbm, ct_hbm, out_hbm, trows, idx0, idx1, ob0, ob1, isems, osems, tsem
    ):
        wid = lax.axis_index("s") * 2 + lax.axis_index("c")
        slab = wid // NQ
        f0 = slab * FS
        t0 = (wid % NQ) * TOK
        tdesc = pltpu.async_copy(ct_hbm.at[pl.ds(f0, FS)], trows, tsem)

        idx_bufs = (idx0, idx1)
        obufs = (ob0, ob1)

        def idx_src(img0):
            return idx_hbm.at[pl.ds(img0, IMG_BLK), pl.ds(t0, TOK)]

        def out_dst(img0):
            return out_hbm.at[
                pl.ds(img0, IMG_BLK), pl.ds(f0, FS), pl.ds(t0, TOK)
            ]

        def compute(idx_v, obuf):
            @plsc.parallel_loop(0, NGRP, unroll=unroll)
            def _grp(i, _idx_v=idx_v, _obuf=obuf):
                il = i >> 4
                g = i & 15
                iv = _idx_v[il, pl.ds(g * 16, 16)]
                zero = jnp.zeros_like(iv)
                for fl in range(FS):
                    _obuf[il, fl, pl.ds(g * 16, 16)] = plsc.load_gather(
                        trows, [zero + fl, iv]
                    )

        def step(blk, b, wait_out):
            nxt = jnp.minimum((blk + 1) * IMG_BLK, B0 - IMG_BLK)
            pltpu.async_copy(idx_src(nxt), idx_bufs[1 - b], isems[1 - b])
            pltpu.make_async_copy(idx_src(0), idx_bufs[b], isems[b]).wait()
            if wait_out:
                pltpu.make_async_copy(obufs[b], out_dst(0), osems[b]).wait()
            compute(idx_bufs[b], obufs[b])
            pltpu.async_copy(obufs[b], out_dst(blk * IMG_BLK), osems[b])

        pltpu.async_copy(idx_src(0), idx_bufs[0], isems[0])
        tdesc.wait()
        step(0, 0, False)
        step(1, 1, False)

        @pl.loop(1, NBLK // 2)
        def _pair(p):
            blk = p * 2
            step(blk, 0, True)
            step(blk + 1, 1, True)

        pltpu.make_async_copy(idx_src(0), idx_bufs[0], isems[0]).wait()
        pltpu.make_async_copy(obufs[0], out_dst(0), osems[0]).wait()
        pltpu.make_async_copy(obufs[1], out_dst(0), osems[1]).wait()

    return gather_kernel


def kernel(indices, codebook):
    B0, T = indices.shape
    K, D = codebook.shape
    ct = codebook.T
    out = _make_gather(B0, T, K, D)(indices, ct)
    return out.transpose(0, 2, 1)

# --- scband reference (transcript-rebuilt; emitter-appended) ---
"""Pipeline reference for scband-kmeans-quantization-67121748902069 (READ-ONLY COPY).

The authoritative reference and input builder live on the scoring server;
editing this copy changes nothing except your own understanding.
"""

import jax, jax.numpy as jnp
import numpy as np


def setup_inputs(seed: int = 0) -> dict:
    key = jax.random.key(seed)
    k1, k2 = jax.random.split(key)
    # centroid indices for a batch of 256 images, 1024 tokens each; k=8192 clusters
    indices = jax.random.randint(k1, (256, 1024), 0, 8192, dtype=jnp.int32)
    # learned/fitted codebook: [k, code_dim] = [8192, 64]
    codebook = jax.random.normal(k2, (8192, 64), dtype=jnp.float32)
    return {"indices": indices, "codebook": codebook}


def reference(indices, codebook):
    # KMeansQuantization.reconstruct: codebook[indices]
    # gather rows of the codebook -> shape (...indices_shape, code_dim)
    return jnp.take(codebook, indices, axis=0)

if __name__ == "__main__":
    import jax
    _d = setup_inputs()
    print(jax.jit(kernel)(*tuple(_d.values())))

</pallas_src>

<mosaic_0001>
#map = affine_map<(d0, d1) -> (0, 0)>
#map1 = affine_map<(d0, d1) -> (0, 0, 0)>
module attributes {stable_mosaic.version = 14 : i64} {
  func.func @gather_kernel(%arg0: i32, %arg1: i32, %arg2: memref<256x1024xi32, #tpu.memory_space<hbm>>, %arg3: memref<64x8192xf32, #tpu.memory_space<hbm>>, %arg4: memref<256x64x1024xf32, #tpu.memory_space<hbm>>, %arg5: memref<8x8192xf32, #tpu.memory_space<vmem>>, %arg6: memref<8x256xi32, #tpu.memory_space<vmem>>, %arg7: memref<8x256xi32, #tpu.memory_space<vmem>>, %arg8: memref<8x8x256xf32, #tpu.memory_space<vmem>>, %arg9: memref<8x8x256xf32, #tpu.memory_space<vmem>>, %arg10: memref<!tpu.dma_semaphore, #tpu.memory_space<semaphore_mem>>, %arg11: memref<!tpu.dma_semaphore, #tpu.memory_space<semaphore_mem>>, %arg12: memref<!tpu.dma_semaphore, #tpu.memory_space<semaphore_mem>>, %arg13: memref<!tpu.dma_semaphore, #tpu.memory_space<semaphore_mem>>, %arg14: memref<!tpu.dma_semaphore, #tpu.memory_space<semaphore_mem>>) attributes {dimension_semantics = [#tpu.dimension_semantics<core_parallel>, #tpu.dimension_semantics<subcore_parallel>], iteration_bounds = array<i64: 2, 16>, scalar_prefetch = 0 : i64, scratch_operands = 10 : i64, tpu.core_type = #tpu.core_type<sc_vector_subcore>, window_params = [{transform_indices = #map}, {transform_indices = #map}, {transform_indices = #map1}]} {
    %mul3A = arith.constant 2 : i32
    %mul3A_0 = arith.muli %arg1, %mul3A : i32
    %add3A = arith.addi %mul3A_0, %arg0 : i32
    %jit3A = arith.constant 4 : i32
    %div3A = arith.divsi %add3A, %jit3A : i32
    %sign3A = arith.constant 0 : i32
    %sign3A_1 = arith.cmpi sgt, %add3A, %sign3A : i32
    %sign3A_2 = arith.extui %sign3A_1 : i1 to i32
    %sign3A_3 = arith.constant 0 : i32
    %sign3A_4 = arith.cmpi slt, %add3A, %sign3A_3 : i32
    %sign3A_5 = arith.extui %sign3A_4 : i1 to i32
    %sign3A_6 = arith.subi %sign3A_2, %sign3A_5 : i32
    %sign3A_7 = arith.constant 0 : i32
    %sign3A_8 = arith.cmpi sgt, %jit3A, %sign3A_7 : i32
    %sign3A_9 = arith.extui %sign3A_8 : i1 to i32
    %sign3A_10 = arith.constant 0 : i32
    %sign3A_11 = arith.cmpi slt, %jit3A, %sign3A_10 : i32
    %sign3A_12 = arith.extui %sign3A_11 : i1 to i32
    %sign3A_13 = arith.subi %sign3A_9, %sign3A_12 : i32
    %ne3A = arith.cmpi ne, %sign3A_6, %sign3A_13 : i32
    %rem3A = arith.remsi %add3A, %jit3A : i32
    %ne3A_14 = arith.constant 0 : i32
    %ne3A_15 = arith.cmpi ne, %rem3A, %ne3A_14 : i32
    %and3A = arith.andi %ne3A, %ne3A_15 : i1
    %sub3A = arith.constant 1 : i32
    %sub3A_16 = arith.subi %div3A, %sub3A : i32
    %select_n3A = arith.select %and3A, %sub3A_16, %div3A : i32
    %mul3A_17 = arith.constant 8 : i32
    %mul3A_18 = arith.muli %select_n3A, %mul3A_17 : i32
    %jit3A_19 = arith.constant 4 : i32
    %eq3A = arith.constant 0 : i32
    %eq3A_20 = arith.cmpi eq, %jit3A_19, %eq3A : i32
    %jit3A_21 = arith.constant 1 : i32
    %select_n3A_22 = arith.select %eq3A_20, %jit3A_21, %jit3A_19 : i32
    %rem3A_23 = arith.remsi %add3A, %select_n3A_22 : i32
    %ne3A_24 = arith.constant 0 : i32
    %ne3A_25 = arith.cmpi ne, %rem3A_23, %ne3A_24 : i32
    %lt3A = arith.constant 0 : i32
    %lt3A_26 = arith.cmpi slt, %rem3A_23, %lt3A : i32
    %lt3A_27 = arith.constant 0 : i32
    %lt3A_28 = arith.cmpi slt, %select_n3A_22, %lt3A_27 : i32
    %ne3A_29 = arith.xori %lt3A_26, %lt3A_28 : i1
    %and3A_30 = arith.andi %ne3A_29, %ne3A_25 : i1
    %add3A_31 = arith.addi %rem3A_23, %select_n3A_22 : i32
    %select_n3A_32 = arith.select %and3A_30, %add3A_31, %rem3A_23 : i32
    %mul3A_33 = arith.constant 256 : i32
    %mul3A_34 = arith.muli %select_n3A_32, %mul3A_33 : i32
    %dma_start3A = arith.constant 0 : i32
    %dma_start3A_35 = tpu.memref_slice %arg3[%mul3A_18, %dma_start3A] : memref<64x8192xf32, #tpu.memory_space<hbm>> -> memref<8x8192xf32, #tpu.memory_space<hbm>>
    %dma_start3A_36 = arith.constant 0 : i32
    %dma_start3A_37 = tpu.memref_slice %arg3[%mul3A_18, %dma_start3A_36] : memref<64x8192xf32, #tpu.memory_space<hbm>> -> memref<8x8192xf32, #tpu.memory_space<hbm>>
    tpu.enqueue_dma source(%dma_start3A_37 : memref<8x8192xf32, #tpu.memory_space<hbm>>) target(%arg5 : memref<8x8192xf32, #tpu.memory_space<vmem>>) target_semaphore(%arg14 : memref<!tpu.dma_semaphore, #tpu.memory_space<semaphore_mem>>)
    %dma_start3A_38 = arith.constant 0 : i32
    %dma_start3A_39 = tpu.memref_slice %arg2[%dma_start3A_38, %mul3A_34] : memref<256x1024xi32, #tpu.memory_space<hbm>> -> memref<8x256xi32, #tpu.memory_space<hbm>>
    %dma_start3A_40 = arith.constant 0 : i32
    %dma_start3A_41 = tpu.memref_slice %arg2[%dma_start3A_40, %mul3A_34] : memref<256x1024xi32, #tpu.memory_space<hbm>> -> memref<8x256xi32, #tpu.memory_space<hbm>>
    tpu.enqueue_dma source(%dma_start3A_41 : memref<8x256xi32, #tpu.memory_space<hbm>>) target(%arg6 : memref<8x256xi32, #tpu.memory_space<vmem>>) target_semaphore(%arg10 : memref<!tpu.dma_semaphore, #tpu.memory_space<semaphore_mem>>)
    %dma_wait3A = arith.constant 0 : i32
    %dma_wait3A_42 = tpu.memref_slice %arg3[%mul3A_18, %dma_wait3A] : memref<64x8192xf32, #tpu.memory_space<hbm>> -> memref<8x8192xf32, #tpu.memory_space<hbm>>
    %dma_wait3A_43 = arith.constant 0 : i32
    %dma_wait3A_44 = tpu.memref_slice %arg3[%mul3A_18, %dma_wait3A_43] : memref<64x8192xf32, #tpu.memory_space<hbm>> -> memref<8x8192xf32, #tpu.memory_space<hbm>>
    tpu.wait_dma2 semaphore(%arg14 : memref<!tpu.dma_semaphore, #tpu.memory_space<semaphore_mem>>) src(%dma_wait3A_44 : memref<8x8192xf32, #tpu.memory_space<hbm>>) dst(%arg5 : memref<8x8192xf32, #tpu.memory_space<vmem>>)
    %min3A = arith.constant 8 : i32
    %min3A_45 = arith.constant 248 : i32
    %min3A_46 = arith.minsi %min3A, %min3A_45 : i32
    %dma_start3A_47 = tpu.memref_slice %arg2[%min3A_46, %mul3A_34] : memref<256x1024xi32, #tpu.memory_space<hbm>> -> memref<8x256xi32, #tpu.memory_space<hbm>>
    %dma_start3A_48 = tpu.memref_slice %arg2[%min3A_46, %mul3A_34] : memref<256x1024xi32, #tpu.memory_space<hbm>> -> memref<8x256xi32, #tpu.memory_space<hbm>>
    tpu.enqueue_dma source(%dma_start3A_48 : memref<8x256xi32, #tpu.memory_space<hbm>>) target(%arg7 : memref<8x256xi32, #tpu.memory_space<vmem>>) target_semaphore(%arg11 : memref<!tpu.dma_semaphore, #tpu.memory_space<semaphore_mem>>)
    %dma_wait3A_49 = arith.constant 0 : i32
    %dma_wait3A_50 = tpu.memref_slice %arg2[%dma_wait3A_49, %mul3A_34] : memref<256x1024xi32, #tpu.memory_space<hbm>> -> memref<8x256xi32, #tpu.memory_space<hbm>>
    %dma_wait3A_51 = arith.constant 0 : i32
    %dma_wait3A_52 = tpu.memref_slice %arg2[%dma_wait3A_51, %mul3A_34] : memref<256x1024xi32, #tpu.memory_space<hbm>> -> memref<8x256xi32, #tpu.memory_space<hbm>>
    tpu.wait_dma2 semaphore(%arg10 : memref<!tpu.dma_semaphore, #tpu.memory_space<semaphore_mem>>) src(%dma_wait3A_52 : memref<8x256xi32, #tpu.memory_space<hbm>>) dst(%arg6 : memref<8x256xi32, #tpu.memory_space<vmem>>)
    %parallel_loop3A = arith.constant 0 : i32
    %parallel_loop3A_53 = arith.constant 128 : i32
    %parallel_loop3A_54 = arith.constant 1 : i32
    scf.for %parallel_loop3A_91 = %parallel_loop3A to %parallel_loop3A_53 step %parallel_loop3A_54  : i32 {
      %parallel_loop3A_92 = arith.constant 4 : i32
      %parallel_loop3A_93 = arith.shrsi %parallel_loop3A_91, %parallel_loop3A_92 : i32
      %parallel_loop3A_94 = arith.constant 15 : i32
      %parallel_loop3A_95 = arith.andi %parallel_loop3A_91, %parallel_loop3A_94 : i32
      %parallel_loop3A_96 = arith.constant 16 : i32
      %parallel_loop3A_97 = arith.muli %parallel_loop3A_95, %parallel_loop3A_96 : i32
      %parallel_loop3A_98 = arith.index_cast %parallel_loop3A_93 : i32 to index
      %parallel_loop3A_99 = arith.index_cast %parallel_loop3A_97 : i32 to index
      %parallel_loop3A_100 = tpu.vector_load %arg6[%parallel_loop3A_98, %parallel_loop3A_99] {strides = array<i32>} : memref<8x256xi32, #tpu.memory_space<vmem>>, vector<16xi32>,
      %parallel_loop3A_101 = arith.constant 0 : i32
      %parallel_loop3A_102 = vector.broadcast %parallel_loop3A_101 : i32 to vector<16xi32>
      %parallel_loop3A_103 = arith.constant 0 : i32
      %parallel_loop3A_104 = vector.broadcast %parallel_loop3A_103 : i32 to vector<16xi32>
      %parallel_loop3A_105 = arith.addi %parallel_loop3A_102, %parallel_loop3A_104 : vector<16xi32>
      %parallel_loop3A_106 = tpu.vector_load_idx %arg5[%parallel_loop3A_105, %parallel_loop3A_100] : memref<8x8192xf32, #tpu.memory_space<vmem>>[vector<16xi32>, vector<16xi32>], vector<16xf32>,
      %parallel_loop3A_107 = arith.constant 16 : i32
      %parallel_loop3A_108 = arith.muli %parallel_loop3A_95, %parallel_loop3A_107 : i32
      %parallel_loop3A_109 = arith.constant 0 : i32
      %parallel_loop3A_110 = arith.index_cast %parallel_loop3A_93 : i32 to index
      %parallel_loop3A_111 = arith.index_cast %parallel_loop3A_109 : i32 to index
      %parallel_loop3A_112 = arith.index_cast %parallel_loop3A_108 : i32 to index
      %parallel_loop3A_113 = tpu.vector_load %arg8[%parallel_loop3A_110, %parallel_loop3A_111, %parallel_loop3A_112] {strides = array<i32>} : memref<8x8x256xf32, #tpu.memory_space<vmem>>, vector<16xf32>,
      tpu.vector_store %arg8[%parallel_loop3A_110, %parallel_loop3A_111, %parallel_loop3A_112], %parallel_loop3A_106 {strides = array<i32>} : memref<8x8x256xf32, #tpu.memory_space<vmem>>, vector<16xf32>,
      %parallel_loop3A_114 = arith.constant 1 : i32
      %parallel_loop3A_115 = vector.broadcast %parallel_loop3A_114 : i32 to vector<16xi32>
      %parallel_loop3A_116 = arith.addi %parallel_loop3A_102, %parallel_loop3A_115 : vector<16xi32>
      %parallel_loop3A_117 = tpu.vector_load_idx %arg5[%parallel_loop3A_116, %parallel_loop3A_100] : memref<8x8192xf32, #tpu.memory_space<vmem>>[vector<16xi32>, vector<16xi32>], vector<16xf32>,
      %parallel_loop3A_118 = arith.constant 16 : i32
      %parallel_loop3A_119 = arith.muli %parallel_loop3A_95, %parallel_loop3A_118 : i32
      %parallel_loop3A_120 = arith.constant 1 : i32
      %parallel_loop3A_121 = arith.index_cast %parallel_loop3A_93 : i32 to index
      %parallel_loop3A_122 = arith.index_cast %parallel_loop3A_120 : i32 to index
      %parallel_loop3A_123 = arith.index_cast %parallel_loop3A_119 : i32 to index
      %parallel_loop3A_124 = tpu.vector_load %arg8[%parallel_loop3A_121, %parallel_loop3A_122, %parallel_loop3A_123] {strides = array<i32>} : memref<8x8x256xf32, #tpu.memory_space<vmem>>, vector<16xf32>,
      tpu.vector_store %arg8[%parallel_loop3A_121, %parallel_loop3A_122, %parallel_loop3A_123], %parallel_loop3A_117 {strides = array<i32>} : memref<8x8x256xf32, #tpu.memory_space<vmem>>, vector<16xf32>,
      %parallel_loop3A_125 = arith.constant 2 : i32
      %parallel_loop3A_126 = vector.broadcast %parallel_loop3A_125 : i32 to vector<16xi32>
      %parallel_loop3A_127 = arith.addi %parallel_loop3A_102, %parallel_loop3A_126 : vector<16xi32>
      %parallel_loop3A_128 = tpu.vector_load_idx %arg5[%parallel_loop3A_127, %parallel_loop3A_100] : memref<8x8192xf32, #tpu.memory_space<vmem>>[vector<16xi32>, vector<16xi32>], vector<16xf32>,
      %parallel_loop3A_129 = arith.constant 16 : i32
      %parallel_loop3A_130 = arith.muli %parallel_loop3A_95, %parallel_loop3A_129 : i32
      %parallel_loop3A_131 = arith.constant 2 : i32
      %parallel_loop3A_132 = arith.index_cast %parallel_loop3A_93 : i32 to index
      %parallel_loop3A_133 = arith.index_cast %parallel_loop3A_131 : i32 to index
      %parallel_loop3A_134 = arith.index_cast %parallel_loop3A_130 : i32 to index
      %parallel_loop3A_135 = tpu.vector_load %arg8[%parallel_loop3A_132, %parallel_loop3A_133, %parallel_loop3A_134] {strides = array<i32>} : memref<8x8x256xf32, #tpu.memory_space<vmem>>, vector<16xf32>,
      tpu.vector_store %arg8[%parallel_loop3A_132, %parallel_loop3A_133, %parallel_loop3A_134], %parallel_loop3A_128 {strides = array<i32>} : memref<8x8x256xf32, #tpu.memory_space<vmem>>, vector<16xf32>,
      %parallel_loop3A_136 = arith.constant 3 : i32
      %parallel_loop3A_137 = vector.broadcast %parallel_loop3A_136 : i32 to vector<16xi32>
      %parallel_loop3A_138 = arith.addi %parallel_loop3A_102, %parallel_loop3A_137 : vector<16xi32>
      %parallel_loop3A_139 = tpu.vector_load_idx %arg5[%parallel_loop3A_138, %parallel_loop3A_100] : memref<8x8192xf32, #tpu.memory_space<vmem>>[vector<16xi32>, vector<16xi32>], vector<16xf32>,
      %parallel_loop3A_140 = arith.constant 16 : i32
      %parallel_loop3A_141 = arith.muli %parallel_loop3A_95, %parallel_loop3A_140 : i32
      %parallel_loop3A_142 = arith.constant 3 : i32
      %parallel_loop3A_143 = arith.index_cast %parallel_loop3A_93 : i32 to index
      %parallel_loop3A_144 = arith.index_cast %parallel_loop3A_142 : i32 to index
      %parallel_loop3A_145 = arith.index_cast %parallel_loop3A_141 : i32 to index
      %parallel_loop3A_146 = tpu.vector_load %arg8[%parallel_loop3A_143, %parallel_loop3A_144, %parallel_loop3A_145] {strides = array<i32>} : memref<8x8x256xf32, #tpu.memory_space<vmem>>, vector<16xf32>,
      tpu.vector_store %arg8[%parallel_loop3A_143, %parallel_loop3A_144, %parallel_loop3A_145], %parallel_loop3A_139 {strides = array<i32>} : memref<8x8x256xf32, #tpu.memory_space<vmem>>, vector<16xf32>,
      %parallel_loop3A_147 = arith.constant 4 : i32
      %parallel_loop3A_148 = vector.broadcast %parallel_loop3A_147 : i32 to vector<16xi32>
      %parallel_loop3A_149 = arith.addi %parallel_loop3A_102, %parallel_loop3A_148 : vector<16xi32>
      %parallel_loop3A_150 = tpu.vector_load_idx %arg5[%parallel_loop3A_149, %parallel_loop3A_100] : memref<8x8192xf32, #tpu.memory_space<vmem>>[vector<16xi32>, vector<16xi32>], vector<16xf32>,
      %parallel_loop3A_151 = arith.constant 16 : i32
      %parallel_loop3A_152 = arith.muli %parallel_loop3A_95, %parallel_loop3A_151 : i32
      %parallel_loop3A_153 = arith.constant 4 : i32
      %parallel_loop3A_154 = arith.index_cast %parallel_loop3A_93 : i32 to index
      %parallel_loop3A_155 = arith.index_cast %parallel_loop3A_153 : i32 to index
      %parallel_loop3A_156 = arith.index_cast %parallel_loop3A_152 : i32 to index
      %parallel_loop3A_157 = tpu.vector_load %arg8[%parallel_loop3A_154, %parallel_loop3A_155, %parallel_loop3A_156] {strides = array<i32>} : memref<8x8x256xf32, #tpu.memory_space<vmem>>, vector<16xf32>,
      tpu.vector_store %arg8[%parallel_loop3A_154, %parallel_loop3A_155, %parallel_loop3A_156], %parallel_loop3A_150 {strides = array<i32>} : memref<8x8x256xf32, #tpu.memory_space<vmem>>, vector<16xf32>,
      %parallel_loop3A_158 = arith.constant 5 : i32
      %parallel_loop3A_159 = vector.broadcast %parallel_loop3A_158 : i32 to vector<16xi32>
      %parallel_loop3A_160 = arith.addi %parallel_loop3A_102, %parallel_loop3A_159 : vector<16xi32>
      %parallel_loop3A_161 = tpu.vector_load_idx %arg5[%parallel_loop3A_160, %parallel_loop3A_100] : memref<8x8192xf32, #tpu.memory_space<vmem>>[vector<16xi32>, vector<16xi32>], vector<16xf32>,
      %parallel_loop3A_162 = arith.constant 16 : i32
      %parallel_loop3A_163 = arith.muli %parallel_loop3A_95, %parallel_loop3A_162 : i32
      %parallel_loop3A_164 = arith.constant 5 : i32
      %parallel_loop3A_165 = arith.index_cast %parallel_loop3A_93 : i32 to index
      %parallel_loop3A_166 = arith.index_cast %parallel_loop3A_164 : i32 to index
      %parallel_loop3A_167 = arith.index_cast %parallel_loop3A_163 : i32 to index
      %parallel_loop3A_168 = tpu.vector_load %arg8[%parallel_loop3A_165, %parallel_loop3A_166, %parallel_loop3A_167] {strides = array<i32>} : memref<8x8x256xf32, #tpu.memory_space<vmem>>, vector<16xf32>,
      tpu.vector_store %arg8[%parallel_loop3A_165, %parallel_loop3A_166, %parallel_loop3A_167], %parallel_loop3A_161 {strides = array<i32>} : memref<8x8x256xf32, #tpu.memory_space<vmem>>, vector<16xf32>,
      %parallel_loop3A_169 = arith.constant 6 : i32
      %parallel_loop3A_170 = vector.broadcast %parallel_loop3A_169 : i32 to vector<16xi32>
      %parallel_loop3A_171 = arith.addi %parallel_loop3A_102, %parallel_loop3A_170 : vector<16xi32>
      %parallel_loop3A_172 = tpu.vector_load_idx %arg5[%parallel_loop3A_171, %parallel_loop3A_100] : memref<8x8192xf32, #tpu.memory_space<vmem>>[vector<16xi32>, vector<16xi32>], vector<16xf32>,
      %parallel_loop3A_173 = arith.constant 16 : i32
      %parallel_loop3A_174 = arith.muli %parallel_loop3A_95, %parallel_loop3A_173 : i32
      %parallel_loop3A_175 = arith.constant 6 : i32
      %parallel_loop3A_176 = arith.index_cast %parallel_loop3A_93 : i32 to index
      %parallel_loop3A_177 = arith.index_cast %parallel_loop3A_175 : i32 to index
      %parallel_loop3A_178 = arith.index_cast %parallel_loop3A_174 : i32 to index
      %parallel_loop3A_179 = tpu.vector_load %arg8[%parallel_loop3A_176, %parallel_loop3A_177, %parallel_loop3A_178] {strides = array<i32>} : memref<8x8x256xf32, #tpu.memory_space<vmem>>, vector<16xf32>,
      tpu.vector_store %arg8[%parallel_loop3A_176, %parallel_loop3A_177, %parallel_loop3A_178], %parallel_loop3A_172 {strides = array<i32>} : memref<8x8x256xf32, #tpu.memory_space<vmem>>, vector<16xf32>,
      %parallel_loop3A_180 = arith.constant 7 : i32
      %parallel_loop3A_181 = vector.broadcast %parallel_loop3A_180 : i32 to vector<16xi32>
      %parallel_loop3A_182 = arith.addi %parallel_loop3A_102, %parallel_loop3A_181 : vector<16xi32>
      %parallel_loop3A_183 = tpu.vector_load_idx %arg5[%parallel_loop3A_182, %parallel_loop3A_100] : memref<8x8192xf32, #tpu.memory_space<vmem>>[vector<16xi32>, vector<16xi32>], vector<16xf32>,
      %parallel_loop3A_184 = arith.constant 16 : i32
      %parallel_loop3A_185 = arith.muli %parallel_loop3A_95, %parallel_loop3A_184 : i32
      %parallel_loop3A_186 = arith.constant 7 : i32
      %parallel_loop3A_187 = arith.index_cast %parallel_loop3A_93 : i32 to index
      %parallel_loop3A_188 = arith.index_cast %parallel_loop3A_186 : i32 to index
      %parallel_loop3A_189 = arith.index_cast %parallel_loop3A_185 : i32 to index
      %parallel_loop3A_190 = tpu.vector_load %arg8[%parallel_loop3A_187, %parallel_loop3A_188, %parallel_loop3A_189] {strides = array<i32>} : memref<8x8x256xf32, #tpu.memory_space<vmem>>, vector<16xf32>,
      tpu.vector_store %arg8[%parallel_loop3A_187, %parallel_loop3A_188, %parallel_loop3A_189], %parallel_loop3A_183 {strides = array<i32>} : memref<8x8x256xf32, #tpu.memory_space<vmem>>, vector<16xf32>,
    } {sc.loop_unroll_factor = 32 : i64, sc.parallel_access}
    %dma_start3A_55 = arith.constant 0 : i32
    %dma_start3A_56 = tpu.memref_slice %arg4[%dma_start3A_55, %mul3A_18, %mul3A_34] : memref<256x64x1024xf32, #tpu.memory_space<hbm>> -> memref<8x8x256xf32, #tpu.memory_space<hbm>>
    %dma_start3A_57 = arith.constant 0 : i32
    %dma_start3A_58 = tpu.memref_slice %arg4[%dma_start3A_57, %mul3A_18, %mul3A_34] : memref<256x64x1024xf32, #tpu.memory_space<hbm>> -> memref<8x8x256xf32, #tpu.memory_space<hbm>>
    tpu.enqueue_dma source(%arg8 : memref<8x8x256xf32, #tpu.memory_space<vmem>>) target(%dma_start3A_58 : memref<8x8x256xf32, #tpu.memory_space<hbm>>) target_semaphore(%arg12 : memref<!tpu.dma_semaphore, #tpu.memory_space<semaphore_mem>>)
    %min3A_59 = arith.constant 16 : i32
    %min3A_60 = arith.constant 248 : i32
    %min3A_61 = arith.minsi %min3A_59, %min3A_60 : i32
    %dma_start3A_62 = tpu.memref_slice %arg2[%min3A_61, %mul3A_34] : memref<256x1024xi32, #tpu.memory_space<hbm>> -> memref<8x256xi32, #tpu.memory_space<hbm>>
    %dma_start3A_63 = tpu.memref_slice %arg2[%min3A_61, %mul3A_34] : memref<256x1024xi32, #tpu.memory_space<hbm>> -> memref<8x256xi32, #tpu.memory_space<hbm>>
    tpu.enqueue_dma source(%dma_start3A_63 : memref<8x256xi32, #tpu.memory_space<hbm>>) target(%arg6 : memref<8x256xi32, #tpu.memory_space<vmem>>) target_semaphore(%arg10 : memref<!tpu.dma_semaphore, #tpu.memory_space<semaphore_mem>>)
    %dma_wait3A_64 = arith.constant 0 : i32
    %dma_wait3A_65 = tpu.memref_slice %arg2[%dma_wait3A_64, %mul3A_34] : memref<256x1024xi32, #tpu.memory_space<hbm>> -> memref<8x256xi32, #tpu.memory_space<hbm>>
    %dma_wait3A_66 = arith.constant 0 : i32
    %dma_wait3A_67 = tpu.memref_slice %arg2[%dma_wait3A_66, %mul3A_34] : memref<256x1024xi32, #tpu.memory_space<hbm>> -> memref<8x256xi32, #tpu.memory_space<hbm>>
    tpu.wait_dma2 semaphore(%arg11 : memref<!tpu.dma_semaphore, #tpu.memory_space<semaphore_mem>>) src(%dma_wait3A_67 : memref<8x256xi32, #tpu.memory_space<hbm>>) dst(%arg7 : memref<8x256xi32, #tpu.memory_space<vmem>>)
    %parallel_loop3A_68 = arith.constant 0 : i32
    %parallel_loop3A_69 = arith.constant 128 : i32
    %parallel_loop3A_70 = arith.constant 1 : i32
    scf.for %parallel_loop3A_91 = %parallel_loop3A_68 to %parallel_loop3A_69 step %parallel_loop3A_70  : i32 {
      %parallel_loop3A_92 = arith.constant 4 : i32
      %parallel_loop3A_93 = arith.shrsi %parallel_loop3A_91, %parallel_loop3A_92 : i32
      %parallel_loop3A_94 = arith.constant 15 : i32
      %parallel_loop3A_95 = arith.andi %parallel_loop3A_91, %parallel_loop3A_94 : i32
      %parallel_loop3A_96 = arith.constant 16 : i32
      %parallel_loop3A_97 = arith.muli %parallel_loop3A_95, %parallel_loop3A_96 : i32
      %parallel_loop3A_98 = arith.index_cast %parallel_loop3A_93 : i32 to index
      %parallel_loop3A_99 = arith.index_cast %parallel_loop3A_97 : i32 to index
      %parallel_loop3A_100 = tpu.vector_load %arg7[%parallel_loop3A_98, %parallel_loop3A_99] {strides = array<i32>} : memref<8x256xi32, #tpu.memory_space<vmem>>, vector<16xi32>,
      %parallel_loop3A_101 = arith.constant 0 : i32
      %parallel_loop3A_102 = vector.broadcast %parallel_loop3A_101 : i32 to vector<16xi32>
      %parallel_loop3A_103 = arith.constant 0 : i32
      %parallel_loop3A_104 = vector.broadcast %parallel_loop3A_103 : i32 to vector<16xi32>
      %parallel_loop3A_105 = arith.addi %parallel_loop3A_102, %parallel_loop3A_104 : vector<16xi32>
      %parallel_loop3A_106 = tpu.vector_load_idx %arg5[%parallel_loop3A_105, %parallel_loop3A_100] : memref<8x8192xf32, #tpu.memory_space<vmem>>[vector<16xi32>, vector<16xi32>], vector<16xf32>,
      %parallel_loop3A_107 = arith.constant 16 : i32
      %parallel_loop3A_108 = arith.muli %parallel_loop3A_95, %parallel_loop3A_107 : i32
      %parallel_loop3A_109 = arith.constant 0 : i32
      %parallel_loop3A_110 = arith.index_cast %parallel_loop3A_93 : i32 to index
      %parallel_loop3A_111 = arith.index_cast %parallel_loop3A_109 : i32 to index
      %parallel_loop3A_112 = arith.index_cast %parallel_loop3A_108 : i32 to index
      %parallel_loop3A_113 = tpu.vector_load %arg9[%parallel_loop3A_110, %parallel_loop3A_111, %parallel_loop3A_112] {strides = array<i32>} : memref<8x8x256xf32, #tpu.memory_space<vmem>>, vector<16xf32>,
      tpu.vector_store %arg9[%parallel_loop3A_110, %parallel_loop3A_111, %parallel_loop3A_112], %parallel_loop3A_106 {strides = array<i32>} : memref<8x8x256xf32, #tpu.memory_space<vmem>>, vector<16xf32>,
      %parallel_loop3A_114 = arith.constant 1 : i32
      %parallel_loop3A_115 = vector.broadcast %parallel_loop3A_114 : i32 to vector<16xi32>
      %parallel_loop3A_116 = arith.addi %parallel_loop3A_102, %parallel_loop3A_115 : vector<16xi32>
      %parallel_loop3A_117 = tpu.vector_load_idx %arg5[%parallel_loop3A_116, %parallel_loop3A_100] : memref<8x8192xf32, #tpu.memory_space<vmem>>[vector<16xi32>, vector<16xi32>], vector<16xf32>,
      %parallel_loop3A_118 = arith.constant 16 : i32
      %parallel_loop3A_119 = arith.muli %parallel_loop3A_95, %parallel_loop3A_118 : i32
      %parallel_loop3A_120 = arith.constant 1 : i32
      %parallel_loop3A_121 = arith.index_cast %parallel_loop3A_93 : i32 to index
      %parallel_loop3A_122 = arith.index_cast %parallel_loop3A_120 : i32 to index
      %parallel_loop3A_123 = arith.index_cast %parallel_loop3A_119 : i32 to index
      %parallel_loop3A_124 = tpu.vector_load %arg9[%parallel_loop3A_121, %parallel_loop3A_122, %parallel_loop3A_123] {strides = array<i32>} : memref<8x8x256xf32, #tpu.memory_space<vmem>>, vector<16xf32>,
      tpu.vector_store %arg9[%parallel_loop3A_121, %parallel_loop3A_122, %parallel_loop3A_123], %parallel_loop3A_117 {strides = array<i32>} : memref<8x8x256xf32, #tpu.memory_space<vmem>>, vector<16xf32>,
      %parallel_loop3A_125 = arith.constant 2 : i32
      %parallel_loop3A_126 = vector.broadcast %parallel_loop3A_125 : i32 to vector<16xi32>
      %parallel_loop3A_127 = arith.addi %parallel_loop3A_102, %parallel_loop3A_126 : vector<16xi32>
      %parallel_loop3A_128 = tpu.vector_load_idx %arg5[%parallel_loop3A_127, %parallel_loop3A_100] : memref<8x8192xf32, #tpu.memory_space<vmem>>[vector<16xi32>, vector<16xi32>], vector<16xf32>,
      %parallel_loop3A_129 = arith.constant 16 : i32
      %parallel_loop3A_130 = arith.muli %parallel_loop3A_95, %parallel_loop3A_129 : i32
      %parallel_loop3A_131 = arith.constant 2 : i32
      %parallel_loop3A_132 = arith.index_cast %parallel_loop3A_93 : i32 to index
      %parallel_loop3A_133 = arith.index_cast %parallel_loop3A_131 : i32 to index
      %parallel_loop3A_134 = arith.index_cast %parallel_loop3A_130 : i32 to index
      %parallel_loop3A_135 = tpu.vector_load %arg9[%parallel_loop3A_132, %parallel_loop3A_133, %parallel_loop3A_134] {strides = array<i32>} : memref<8x8x256xf32, #tpu.memory_space<vmem>>, vector<16xf32>,
      tpu.vector_store %arg9[%parallel_loop3A_132, %parallel_loop3A_133, %parallel_loop3A_134], %parallel_loop3A_128 {strides = array<i32>} : memref<8x8x256xf32, #tpu.memory_space<vmem>>, vector<16xf32>,
      %parallel_loop3A_136 = arith.constant 3 : i32
      %parallel_loop3A_137 = vector.broadcast %parallel_loop3A_136 : i32 to vector<16xi32>
      %parallel_loop3A_138 = arith.addi %parallel_loop3A_102, %parallel_loop3A_137 : vector<16xi32>
      %parallel_loop3A_139 = tpu.vector_load_idx %arg5[%parallel_loop3A_138, %parallel_loop3A_100] : memref<8x8192xf32, #tpu.memory_space<vmem>>[vector<16xi32>, vector<16xi32>], vector<16xf32>,
      %parallel_loop3A_140 = arith.constant 16 : i32
      %parallel_loop3A_141 = arith.muli %parallel_loop3A_95, %parallel_loop3A_140 : i32
      %parallel_loop3A_142 = arith.constant 3 : i32
      %parallel_loop3A_143 = arith.index_cast %parallel_loop3A_93 : i32 to index
      %parallel_loop3A_144 = arith.index_cast %parallel_loop3A_142 : i32 to index
      %parallel_loop3A_145 = arith.index_cast %parallel_loop3A_141 : i32 to index
      %parallel_loop3A_146 = tpu.vector_load %arg9[%parallel_loop3A_143, %parallel_loop3A_144, %parallel_loop3A_145] {strides = array<i32>} : memref<8x8x256xf32, #tpu.memory_space<vmem>>, vector<16xf32>,
      tpu.vector_store %arg9[%parallel_loop3A_143, %parallel_loop3A_144, %parallel_loop3A_145], %parallel_loop3A_139 {strides = array<i32>} : memref<8x8x256xf32, #tpu.memory_space<vmem>>, vector<16xf32>,
      %parallel_loop3A_147 = arith.constant 4 : i32
      %parallel_loop3A_148 = vector.broadcast %parallel_loop3A_147 : i32 to vector<16xi32>
      %parallel_loop3A_149 = arith.addi %parallel_loop3A_102, %parallel_loop3A_148 : vector<16xi32>
      %parallel_loop3A_150 = tpu.vector_load_idx %arg5[%parallel_loop3A_149, %parallel_loop3A_100] : memref<8x8192xf32, #tpu.memory_space<vmem>>[vector<16xi32>, vector<16xi32>], vector<16xf32>,
      %parallel_loop3A_151 = arith.constant 16 : i32
      %parallel_loop3A_152 = arith.muli %parallel_loop3A_95, %parallel_loop3A_151 : i32
      %parallel_loop3A_153 = arith.constant 4 : i32
      %parallel_loop3A_154 = arith.index_cast %parallel_loop3A_93 : i32 to index
      %parallel_loop3A_155 = arith.index_cast %parallel_loop3A_153 : i32 to index
      %parallel_loop3A_156 = arith.index_cast %parallel_loop3A_152 : i32 to index
      %parallel_loop3A_157 = tpu.vector_load %arg9[%parallel_loop3A_154, %parallel_loop3A_155, %parallel_loop3A_156] {strides = array<i32>} : memref<8x8x256xf32, #tpu.memory_space<vmem>>, vector<16xf32>,
      tpu.vector_store %arg9[%parallel_loop3A_154, %parallel_loop3A_155, %parallel_loop3A_156], %parallel_loop3A_150 {strides = array<i32>} : memref<8x8x256xf32, #tpu.memory_space<vmem>>, vector<16xf32>,
      %parallel_loop3A_158 = arith.constant 5 : i32
      %parallel_loop3A_159 = vector.broadcast %parallel_loop3A_158 : i32 to vector<16xi32>
      %parallel_loop3A_160 = arith.addi %parallel_loop3A_102, %parallel_loop3A_159 : vector<16xi32>
      %parallel_loop3A_161 = tpu.vector_load_idx %arg5[%parallel_loop3A_160, %parallel_loop3A_100] : memref<8x8192xf32, #tpu.memory_space<vmem>>[vector<16xi32>, vector<16xi32>], vector<16xf32>,
      %parallel_loop3A_162 = arith.constant 16 : i32
      %parallel_loop3A_163 = arith.muli %parallel_loop3A_95, %parallel_loop3A_162 : i32
      %parallel_loop3A_164 = arith.constant 5 : i32
      %parallel_loop3A_165 = arith.index_cast %parallel_loop3A_93 : i32 to index
      %parallel_loop3A_166 = arith.index_cast %parallel_loop3A_164 : i32 to index
      %parallel_loop3A_167 = arith.index_cast %parallel_loop3A_163 : i32 to index
      %parallel_loop3A_168 = tpu.vector_load %arg9[%parallel_loop3A_165, %parallel_loop3A_166, %parallel_loop3A_167] {strides = array<i32>} : memref<8x8x256xf32, #tpu.memory_space<vmem>>, vector<16xf32>,
      tpu.vector_store %arg9[%parallel_loop3A_165, %parallel_loop3A_166, %parallel_loop3A_167], %parallel_loop3A_161 {strides = array<i32>} : memref<8x8x256xf32, #tpu.memory_space<vmem>>, vector<16xf32>,
      %parallel_loop3A_169 = arith.constant 6 : i32
      %parallel_loop3A_170 = vector.broadcast %parallel_loop3A_169 : i32 to vector<16xi32>
      %parallel_loop3A_171 = arith.addi %parallel_loop3A_102, %parallel_loop3A_170 : vector<16xi32>
      %parallel_loop3A_172 = tpu.vector_load_idx %arg5[%parallel_loop3A_171, %parallel_loop3A_100] : memref<8x8192xf32, #tpu.memory_space<vmem>>[vector<16xi32>, vector<16xi32>], vector<16xf32>,
      %parallel_loop3A_173 = arith.constant 16 : i32
      %parallel_loop3A_174 = arith.muli %parallel_loop3A_95, %parallel_loop3A_173 : i32
      %parallel_loop3A_175 = arith.constant 6 : i32
      %parallel_loop3A_176 = arith.index_cast %parallel_loop3A_93 : i32 to index
      %parallel_loop3A_177 = arith.index_cast %parallel_loop3A_175 : i32 to index
      %parallel_loop3A_178 = arith.index_cast %parallel_loop3A_174 : i32 to index
      %parallel_loop3A_179 = tpu.vector_load %arg9[%parallel_loop3A_176, %parallel_loop3A_177, %parallel_loop3A_178] {strides = array<i32>} : memref<8x8x256xf32, #tpu.memory_space<vmem>>, vector<16xf32>,
      tpu.vector_store %arg9[%parallel_loop3A_176, %parallel_loop3A_177, %parallel_loop3A_178], %parallel_loop3A_172 {strides = array<i32>} : memref<8x8x256xf32, #tpu.memory_space<vmem>>, vector<16xf32>,
      %parallel_loop3A_180 = arith.constant 7 : i32
      %parallel_loop3A_181 = vector.broadcast %parallel_loop3A_180 : i32 to vector<16xi32>
      %parallel_loop3A_182 = arith.addi %parallel_loop3A_102, %parallel_loop3A_181 : vector<16xi32>
      %parallel_loop3A_183 = tpu.vector_load_idx %arg5[%parallel_loop3A_182, %parallel_loop3A_100] : memref<8x8192xf32, #tpu.memory_space<vmem>>[vector<16xi32>, vector<16xi32>], vector<16xf32>,
      %parallel_loop3A_184 = arith.constant 16 : i32
      %parallel_loop3A_185 = arith.muli %parallel_loop3A_95, %parallel_loop3A_184 : i32
      %parallel_loop3A_186 = arith.constant 7 : i32
      %parallel_loop3A_187 = arith.index_cast %parallel_loop3A_93 : i32 to index
      %parallel_loop3A_188 = arith.index_cast %parallel_loop3A_186 : i32 to index
      %parallel_loop3A_189 = arith.index_cast %parallel_loop3A_185 : i32 to index
      %parallel_loop3A_190 = tpu.vector_load %arg9[%parallel_loop3A_187, %parallel_loop3A_188, %parallel_loop3A_189] {strides = array<i32>} : memref<8x8x256xf32, #tpu.memory_space<vmem>>, vector<16xf32>,
      tpu.vector_store %arg9[%parallel_loop3A_187, %parallel_loop3A_188, %parallel_loop3A_189], %parallel_loop3A_183 {strides = array<i32>} : memref<8x8x256xf32, #tpu.memory_space<vmem>>, vector<16xf32>,
    } {sc.loop_unroll_factor = 32 : i64, sc.parallel_access}
    %dma_start3A_71 = arith.constant 8 : i32
    %dma_start3A_72 = tpu.memref_slice %arg4[%dma_start3A_71, %mul3A_18, %mul3A_34] : memref<256x64x1024xf32, #tpu.memory_space<hbm>> -> memref<8x8x256xf32, #tpu.memory_space<hbm>>
    %dma_start3A_73 = arith.constant 8 : i32
    %dma_start3A_74 = tpu.memref_slice %arg4[%dma_start3A_73, %mul3A_18, %mul3A_34] : memref<256x64x1024xf32, #tpu.memory_space<hbm>> -> memref<8x8x256xf32, #tpu.memory_space<hbm>>
    tpu.enqueue_dma source(%arg9 : memref<8x8x256xf32, #tpu.memory_space<vmem>>) target(%dma_start3A_74 : memref<8x8x256xf32, #tpu.memory_space<hbm>>) target_semaphore(%arg13 : memref<!tpu.dma_semaphore, #tpu.memory_space<semaphore_mem>>)
    %scan3A = arith.constant 0 : i32
    %scan3A_75 = arith.constant 15 : i32
    %scan3A_76 = arith.addi %scan3A, %scan3A_75 : i32
    %scan3A_77 = arith.constant 1 : i32
    scf.for %scan3A_91 = %scan3A to %scan3A_76 step %scan3A_77  : i32 {
      %mul3A_92 = arith.constant 1 : i32
      %mul3A_93 = arith.muli %scan3A_91, %mul3A_92 : i32
      %add3A_94 = arith.constant 1 : i32
      %add3A_95 = arith.addi %add3A_94, %mul3A_93 : i32
      %mul3A_96 = arith.constant 2 : i32
      %mul3A_97 = arith.muli %add3A_95, %mul3A_96 : i32
      %add3A_98 = arith.constant 1 : i32
      %add3A_99 = arith.addi %mul3A_97, %add3A_98 : i32
      %mul3A_100 = arith.constant 8 : i32
      %mul3A_101 = arith.muli %add3A_99, %mul3A_100 : i32
      %min3A_102 = arith.constant 248 : i32
      %min3A_103 = arith.minsi %mul3A_101, %min3A_102 : i32
      %dma_start3A_104 = tpu.memref_slice %arg2[%min3A_103, %mul3A_34] : memref<256x1024xi32, #tpu.memory_space<hbm>> -> memref<8x256xi32, #tpu.memory_space<hbm>>
      %dma_start3A_105 = tpu.memref_slice %arg2[%min3A_103, %mul3A_34] : memref<256x1024xi32, #tpu.memory_space<hbm>> -> memref<8x256xi32, #tpu.memory_space<hbm>>
      tpu.enqueue_dma source(%dma_start3A_105 : memref<8x256xi32, #tpu.memory_space<hbm>>) target(%arg7 : memref<8x256xi32, #tpu.memory_space<vmem>>) target_semaphore(%arg11 : memref<!tpu.dma_semaphore, #tpu.memory_space<semaphore_mem>>)
      %dma_wait3A_106 = arith.constant 0 : i32
      %dma_wait3A_107 = tpu.memref_slice %arg2[%dma_wait3A_106, %mul3A_34] : memref<256x1024xi32, #tpu.memory_space<hbm>> -> memref<8x256xi32, #tpu.memory_space<hbm>>
      %dma_wait3A_108 = arith.constant 0 : i32
      %dma_wait3A_109 = tpu.memref_slice %arg2[%dma_wait3A_108, %mul3A_34] : memref<256x1024xi32, #tpu.memory_space<hbm>> -> memref<8x256xi32, #tpu.memory_space<hbm>>
      tpu.wait_dma2 semaphore(%arg10 : memref<!tpu.dma_semaphore, #tpu.memory_space<semaphore_mem>>) src(%dma_wait3A_109 : memref<8x256xi32, #tpu.memory_space<hbm>>) dst(%arg6 : memref<8x256xi32, #tpu.memory_space<vmem>>)
      %dma_wait3A_110 = arith.constant 0 : i32
      %dma_wait3A_111 = tpu.memref_slice %arg4[%dma_wait3A_110, %mul3A_18, %mul3A_34] : memref<256x64x1024xf32, #tpu.memory_space<hbm>> -> memref<8x8x256xf32, #tpu.memory_space<hbm>>
      %dma_wait3A_112 = arith.constant 0 : i32
      %dma_wait3A_113 = tpu.memref_slice %arg4[%dma_wait3A_112, %mul3A_18, %mul3A_34] : memref<256x64x1024xf32, #tpu.memory_space<hbm>> -> memref<8x8x256xf32, #tpu.memory_space<hbm>>
      tpu.wait_dma2 semaphore(%arg12 : memref<!tpu.dma_semaphore, #tpu.memory_space<semaphore_mem>>) src(%arg8 : memref<8x8x256xf32, #tpu.memory_space<vmem>>) dst(%dma_wait3A_113 : memref<8x8x256xf32, #tpu.memory_space<hbm>>)
      %parallel_loop3A_114 = arith.constant 0 : i32
      %parallel_loop3A_115 = arith.constant 128 : i32
      %parallel_loop3A_116 = arith.constant 1 : i32
      scf.for %parallel_loop3A_146 = %parallel_loop3A_114 to %parallel_loop3A_115 step %parallel_loop3A_116  : i32 {
        %parallel_loop3A_147 = arith.constant 4 : i32
        %parallel_loop3A_148 = arith.shrsi %parallel_loop3A_146, %parallel_loop3A_147 : i32
        %parallel_loop3A_149 = arith.constant 15 : i32
        %parallel_loop3A_150 = arith.andi %parallel_loop3A_146, %parallel_loop3A_149 : i32
        %parallel_loop3A_151 = arith.constant 16 : i32
        %parallel_loop3A_152 = arith.muli %parallel_loop3A_150, %parallel_loop3A_151 : i32
        %parallel_loop3A_153 = arith.index_cast %parallel_loop3A_148 : i32 to index
        %parallel_loop3A_154 = arith.index_cast %parallel_loop3A_152 : i32 to index
        %parallel_loop3A_155 = tpu.vector_load %arg6[%parallel_loop3A_153, %parallel_loop3A_154] {strides = array<i32>} : memref<8x256xi32, #tpu.memory_space<vmem>>, vector<16xi32>,
        %parallel_loop3A_156 = arith.constant 0 : i32
        %parallel_loop3A_157 = vector.broadcast %parallel_loop3A_156 : i32 to vector<16xi32>
        %parallel_loop3A_158 = arith.constant 0 : i32
        %parallel_loop3A_159 = vector.broadcast %parallel_loop3A_158 : i32 to vector<16xi32>
        %parallel_loop3A_160 = arith.addi %parallel_loop3A_157, %parallel_loop3A_159 : vector<16xi32>
        %parallel_loop3A_161 = tpu.vector_load_idx %arg5[%parallel_loop3A_160, %parallel_loop3A_155] : memref<8x8192xf32, #tpu.memory_space<vmem>>[vector<16xi32>, vector<16xi32>], vector<16xf32>,
        %parallel_loop3A_162 = arith.constant 16 : i32
        %parallel_loop3A_163 = arith.muli %parallel_loop3A_150, %parallel_loop3A_162 : i32
        %parallel_loop3A_164 = arith.constant 0 : i32
        %parallel_loop3A_165 = arith.index_cast %parallel_loop3A_148 : i32 to index
        %parallel_loop3A_166 = arith.index_cast %parallel_loop3A_164 : i32 to index
        %parallel_loop3A_167 = arith.index_cast %parallel_loop3A_163 : i32 to index
        %parallel_loop3A_168 = tpu.vector_load %arg8[%parallel_loop3A_165, %parallel_loop3A_166, %parallel_loop3A_167] {strides = array<i32>} : memref<8x8x256xf32, #tpu.memory_space<vmem>>, vector<16xf32>,
        tpu.vector_store %arg8[%parallel_loop3A_165, %parallel_loop3A_166, %parallel_loop3A_167], %parallel_loop3A_161 {strides = array<i32>} : memref<8x8x256xf32, #tpu.memory_space<vmem>>, vector<16xf32>,
        %parallel_loop3A_169 = arith.constant 1 : i32
        %parallel_loop3A_170 = vector.broadcast %parallel_loop3A_169 : i32 to vector<16xi32>
        %parallel_loop3A_171 = arith.addi %parallel_loop3A_157, %parallel_loop3A_170 : vector<16xi32>
        %parallel_loop3A_172 = tpu.vector_load_idx %arg5[%parallel_loop3A_171, %parallel_loop3A_155] : memref<8x8192xf32, #tpu.memory_space<vmem>>[vector<16xi32>, vector<16xi32>], vector<16xf32>,
        %parallel_loop3A_173 = arith.constant 16 : i32
        %parallel_loop3A_174 = arith.muli %parallel_loop3A_150, %parallel_loop3A_173 : i32
        %parallel_loop3A_175 = arith.constant 1 : i32
        %parallel_loop3A_176 = arith.index_cast %parallel_loop3A_148 : i32 to index
        %parallel_loop3A_177 = arith.index_cast %parallel_loop3A_175 : i32 to index
        %parallel_loop3A_178 = arith.index_cast %parallel_loop3A_174 : i32 to index
        %parallel_loop3A_179 = tpu.vector_load %arg8[%parallel_loop3A_176, %parallel_loop3A_177, %parallel_loop3A_178] {strides = array<i32>} : memref<8x8x256xf32, #tpu.memory_space<vmem>>, vector<16xf32>,
        tpu.vector_store %arg8[%parallel_loop3A_176, %parallel_loop3A_177, %parallel_loop3A_178], %parallel_loop3A_172 {strides = array<i32>} : memref<8x8x256xf32, #tpu.memory_space<vmem>>, vector<16xf32>,
        %parallel_loop3A_180 = arith.constant 2 : i32
        %parallel_loop3A_181 = vector.broadcast %parallel_loop3A_180 : i32 to vector<16xi32>
        %parallel_loop3A_182 = arith.addi %parallel_loop3A_157, %parallel_loop3A_181 : vector<16xi32>
        %parallel_loop3A_183 = tpu.vector_load_idx %arg5[%parallel_loop3A_182, %parallel_loop3A_155] : memref<8x8192xf32, #tpu.memory_space<vmem>>[vector<16xi32>, vector<16xi32>], vector<16xf32>,
        %parallel_loop3A_184 = arith.constant 16 : i32
        %parallel_loop3A_185 = arith.muli %parallel_loop3A_150, %parallel_loop3A_184 : i32
        %parallel_loop3A_186 = arith.constant 2 : i32
        %parallel_loop3A_187 = arith.index_cast %parallel_loop3A_148 : i32 to index
        %parallel_loop3A_188 = arith.index_cast %parallel_loop3A_186 : i32 to index
        %parallel_loop3A_189 = arith.index_cast %parallel_loop3A_185 : i32 to index
        %parallel_loop3A_190 = tpu.vector_load %arg8[%parallel_loop3A_187, %parallel_loop3A_188, %parallel_loop3A_189] {strides = array<i32>} : memref<8x8x256xf32, #tpu.memory_space<vmem>>, vector<16xf32>,
        tpu.vector_store %arg8[%parallel_loop3A_187, %parallel_loop3A_188, %parallel_loop3A_189], %parallel_loop3A_183 {strides = array<i32>} : memref<8x8x256xf32, #tpu.memory_space<vmem>>, vector<16xf32>,
        %parallel_loop3A_191 = arith.constant 3 : i32
        %parallel_loop3A_192 = vector.broadcast %parallel_loop3A_191 : i32 to vector<16xi32>
        %parallel_loop3A_193 = arith.addi %parallel_loop3A_157, %parallel_loop3A_192 : vector<16xi32>
        %parallel_loop3A_194 = tpu.vector_load_idx %arg5[%parallel_loop3A_193, %parallel_loop3A_155] : memref<8x8192xf32, #tpu.memory_space<vmem>>[vector<16xi32>, vector<16xi32>], vector<16xf32>,
        %parallel_loop3A_195 = arith.constant 16 : i32
        %parallel_loop3A_196 = arith.muli %parallel_loop3A_150, %parallel_loop3A_195 : i32
        %parallel_loop3A_197 = arith.constant 3 : i32
        %parallel_loop3A_198 = arith.index_cast %parallel_loop3A_148 : i32 to index
        %parallel_loop3A_199 = arith.index_cast %parallel_loop3A_197 : i32 to index
        %parallel_loop3A_200 = arith.index_cast %parallel_loop3A_196 : i32 to index
        %parallel_loop3A_201 = tpu.vector_load %arg8[%parallel_loop3A_198, %parallel_loop3A_199, %parallel_loop3A_200] {strides = array<i32>} : memref<8x8x256xf32, #tpu.memory_space<vmem>>, vector<16xf32>,
        tpu.vector_store %arg8[%parallel_loop3A_198, %parallel_loop3A_199, %parallel_loop3A_200], %parallel_loop3A_194 {strides = array<i32>} : memref<8x8x256xf32, #tpu.memory_space<vmem>>, vector<16xf32>,
        %parallel_loop3A_202 = arith.constant 4 : i32
        %parallel_loop3A_203 = vector.broadcast %parallel_loop3A_202 : i32 to vector<16xi32>
        %parallel_loop3A_204 = arith.addi %parallel_loop3A_157, %parallel_loop3A_203 : vector<16xi32>
        %parallel_loop3A_205 = tpu.vector_load_idx %arg5[%parallel_loop3A_204, %parallel_loop3A_155] : memref<8x8192xf32, #tpu.memory_space<vmem>>[vector<16xi32>, vector<16xi32>], vector<16xf32>,
        %parallel_loop3A_206 = arith.constant 16 : i32
        %parallel_loop3A_207 = arith.muli %parallel_loop3A_150, %parallel_loop3A_206 : i32
        %parallel_loop3A_208 = arith.constant 4 : i32
        %parallel_loop3A_209 = arith.index_cast %parallel_loop3A_148 : i32 to index
        %parallel_loop3A_210 = arith.index_cast %parallel_loop3A_208 : i32 to index
        %parallel_loop3A_211 = arith.index_cast %parallel_loop3A_207 : i32 to index
        %parallel_loop3A_212 = tpu.vector_load %arg8[%parallel_loop3A_209, %parallel_loop3A_210, %parallel_loop3A_211] {strides = array<i32>} : memref<8x8x256xf32, #tpu.memory_space<vmem>>, vector<16xf32>,
        tpu.vector_store %arg8[%parallel_loop3A_209, %parallel_loop3A_210, %parallel_loop3A_211], %parallel_loop3A_205 {strides = array<i32>} : memref<8x8x256xf32, #tpu.memory_space<vmem>>, vector<16xf32>,
        %parallel_loop3A_213 = arith.constant 5 : i32
        %parallel_loop3A_214 = vector.broadcast %parallel_loop3A_213 : i32 to vector<16xi32>
        %parallel_loop3A_215 = arith.addi %parallel_loop3A_157, %parallel_loop3A_214 : vector<16xi32>
        %parallel_loop3A_216 = tpu.vector_load_idx %arg5[%parallel_loop3A_215, %parallel_loop3A_155] : memref<8x8192xf32, #tpu.memory_space<vmem>>[vector<16xi32>, vector<16xi32>], vector<16xf32>,
        %parallel_loop3A_217 = arith.constant 16 : i32
        %parallel_loop3A_218 = arith.muli %parallel_loop3A_150, %parallel_loop3A_217 : i32
        %parallel_loop3A_219 = arith.constant 5 : i32
        %parallel_loop3A_220 = arith.index_cast %parallel_loop3A_148 : i32 to index
        %parallel_loop3A_221 = arith.index_cast %parallel_loop3A_219 : i32 to index
        %parallel_loop3A_222 = arith.index_cast %parallel_loop3A_218 : i32 to index
        %parallel_loop3A_223 = tpu.vector_load %arg8[%parallel_loop3A_220, %parallel_loop3A_221, %parallel_loop3A_222] {strides = array<i32>} : memref<8x8x256xf32, #tpu.memory_space<vmem>>, vector<16xf32>,
        tpu.vector_store %arg8[%parallel_loop3A_220, %parallel_loop3A_221, %parallel_loop3A_222], %parallel_loop3A_216 {strides = array<i32>} : memref<8x8x256xf32, #tpu.memory_space<vmem>>, vector<16xf32>,
        %parallel_loop3A_224 = arith.constant 6 : i32
        %parallel_loop3A_225 = vector.broadcast %parallel_loop3A_224 : i32 to vector<16xi32>
        %parallel_loop3A_226 = arith.addi %parallel_loop3A_157, %parallel_loop3A_225 : vector<16xi32>
        %parallel_loop3A_227 = tpu.vector_load_idx %arg5[%parallel_loop3A_226, %parallel_loop3A_155] : memref<8x8192xf32, #tpu.memory_space<vmem>>[vector<16xi32>, vector<16xi32>], vector<16xf32>,
        %parallel_loop3A_228 = arith.constant 16 : i32
        %parallel_loop3A_229 = arith.muli %parallel_loop3A_150, %parallel_loop3A_228 : i32
        %parallel_loop3A_230 = arith.constant 6 : i32
        %parallel_loop3A_231 = arith.index_cast %parallel_loop3A_148 : i32 to index
        %parallel_loop3A_232 = arith.index_cast %parallel_loop3A_230 : i32 to index
        %parallel_loop3A_233 = arith.index_cast %parallel_loop3A_229 : i32 to index
        %parallel_loop3A_234 = tpu.vector_load %arg8[%parallel_loop3A_231, %parallel_loop3A_232, %parallel_loop3A_233] {strides = array<i32>} : memref<8x8x256xf32, #tpu.memory_space<vmem>>, vector<16xf32>,
        tpu.vector_store %arg8[%parallel_loop3A_231, %parallel_loop3A_232, %parallel_loop3A_233], %parallel_loop3A_227 {strides = array<i32>} : memref<8x8x256xf32, #tpu.memory_space<vmem>>, vector<16xf32>,
        %parallel_loop3A_235 = arith.constant 7 : i32
        %parallel_loop3A_236 = vector.broadcast %parallel_loop3A_235 : i32 to vector<16xi32>
        %parallel_loop3A_237 = arith.addi %parallel_loop3A_157, %parallel_loop3A_236 : vector<16xi32>
        %parallel_loop3A_238 = tpu.vector_load_idx %arg5[%parallel_loop3A_237, %parallel_loop3A_155] : memref<8x8192xf32, #tpu.memory_space<vmem>>[vector<16xi32>, vector<16xi32>], vector<16xf32>,
        %parallel_loop3A_239 = arith.constant 16 : i32
        %parallel_loop3A_240 = arith.muli %parallel_loop3A_150, %parallel_loop3A_239 : i32
        %parallel_loop3A_241 = arith.constant 7 : i32
        %parallel_loop3A_242 = arith.index_cast %parallel_loop3A_148 : i32 to index
        %parallel_loop3A_243 = arith.index_cast %parallel_loop3A_241 : i32 to index
        %parallel_loop3A_244 = arith.index_cast %parallel_loop3A_240 : i32 to index
        %parallel_loop3A_245 = tpu.vector_load %arg8[%parallel_loop3A_242, %parallel_loop3A_243, %parallel_loop3A_244] {strides = array<i32>} : memref<8x8x256xf32, #tpu.memory_space<vmem>>, vector<16xf32>,
        tpu.vector_store %arg8[%parallel_loop3A_242, %parallel_loop3A_243, %parallel_loop3A_244], %parallel_loop3A_238 {strides = array<i32>} : memref<8x8x256xf32, #tpu.memory_space<vmem>>, vector<16xf32>,
      } {sc.loop_unroll_factor = 32 : i64, sc.parallel_access}
      %mul3A_117 = arith.constant 8 : i32
      %mul3A_118 = arith.muli %mul3A_97, %mul3A_117 : i32
      %dma_start3A_119 = tpu.memref_slice %arg4[%mul3A_118, %mul3A_18, %mul3A_34] : memref<256x64x1024xf32, #tpu.memory_space<hbm>> -> memref<8x8x256xf32, #tpu.memory_space<hbm>>
      %dma_start3A_120 = tpu.memref_slice %arg4[%mul3A_118, %mul3A_18, %mul3A_34] : memref<256x64x1024xf32, #tpu.memory_space<hbm>> -> memref<8x8x256xf32, #tpu.memory_space<hbm>>
      tpu.enqueue_dma source(%arg8 : memref<8x8x256xf32, #tpu.memory_space<vmem>>) target(%dma_start3A_120 : memref<8x8x256xf32, #tpu.memory_space<hbm>>) target_semaphore(%arg12 : memref<!tpu.dma_semaphore, #tpu.memory_space<semaphore_mem>>)
      %add3A_121 = arith.constant 1 : i32
      %add3A_122 = arith.addi %mul3A_97, %add3A_121 : i32
      %add3A_123 = arith.constant 1 : i32
      %add3A_124 = arith.addi %add3A_122, %add3A_123 : i32
      %mul3A_125 = arith.constant 8 : i32
      %mul3A_126 = arith.muli %add3A_124, %mul3A_125 : i32
      %min3A_127 = arith.constant 248 : i32
      %min3A_128 = arith.minsi %mul3A_126, %min3A_127 : i32
      %dma_start3A_129 = tpu.memref_slice %arg2[%min3A_128, %mul3A_34] : memref<256x1024xi32, #tpu.memory_space<hbm>> -> memref<8x256xi32, #tpu.memory_space<hbm>>
      %dma_start3A_130 = tpu.memref_slice %arg2[%min3A_128, %mul3A_34] : memref<256x1024xi32, #tpu.memory_space<hbm>> -> memref<8x256xi32, #tpu.memory_space<hbm>>
      tpu.enqueue_dma source(%dma_start3A_130 : memref<8x256xi32, #tpu.memory_space<hbm>>) target(%arg6 : memref<8x256xi32, #tpu.memory_space<vmem>>) target_semaphore(%arg10 : memref<!tpu.dma_semaphore, #tpu.memory_space<semaphore_mem>>)
      %dma_wait3A_131 = arith.constant 0 : i32
      %dma_wait3A_132 = tpu.memref_slice %arg2[%dma_wait3A_131, %mul3A_34] : memref<256x1024xi32, #tpu.memory_space<hbm>> -> memref<8x256xi32, #tpu.memory_space<hbm>>
      %dma_wait3A_133 = arith.constant 0 : i32
      %dma_wait3A_134 = tpu.memref_slice %arg2[%dma_wait3A_133, %mul3A_34] : memref<256x1024xi32, #tpu.memory_space<hbm>> -> memref<8x256xi32, #tpu.memory_space<hbm>>
      tpu.wait_dma2 semaphore(%arg11 : memref<!tpu.dma_semaphore, #tpu.memory_space<semaphore_mem>>) src(%dma_wait3A_134 : memref<8x256xi32, #tpu.memory_space<hbm>>) dst(%arg7 : memref<8x256xi32, #tpu.memory_space<vmem>>)
      %dma_wait3A_135 = arith.constant 0 : i32
      %dma_wait3A_136 = tpu.memref_slice %arg4[%dma_wait3A_135, %mul3A_18, %mul3A_34] : memref<256x64x1024xf32, #tpu.memory_space<hbm>> -> memref<8x8x256xf32, #tpu.memory_space<hbm>>
      %dma_wait3A_137 = arith.constant 0 : i32
      %dma_wait3A_138 = tpu.memref_slice %arg4[%dma_wait3A_137, %mul3A_18, %mul3A_34] : memref<256x64x1024xf32, #tpu.memory_space<hbm>> -> memref<8x8x256xf32, #tpu.memory_space<hbm>>
      tpu.wait_dma2 semaphore(%arg13 : memref<!tpu.dma_semaphore, #tpu.memory_space<semaphore_mem>>) src(%arg9 : memref<8x8x256xf32, #tpu.memory_space<vmem>>) dst(%dma_wait3A_138 : memref<8x8x256xf32, #tpu.memory_space<hbm>>)
      %parallel_loop3A_139 = arith.constant 0 : i32
      %parallel_loop3A_140 = arith.constant 128 : i32
      %parallel_loop3A_141 = arith.constant 1 : i32
      scf.for %parallel_loop3A_146 = %parallel_loop3A_139 to %parallel_loop3A_140 step %parallel_loop3A_141  : i32 {
        %parallel_loop3A_147 = arith.constant 4 : i32
        %parallel_loop3A_148 = arith.shrsi %parallel_loop3A_146, %parallel_loop3A_147 : i32
        %parallel_loop3A_149 = arith.constant 15 : i32
        %parallel_loop3A_150 = arith.andi %parallel_loop3A_146, %parallel_loop3A_149 : i32
        %parallel_loop3A_151 = arith.constant 16 : i32
        %parallel_loop3A_152 = arith.muli %parallel_loop3A_150, %parallel_loop3A_151 : i32
        %parallel_loop3A_153 = arith.index_cast %parallel_loop3A_148 : i32 to index
        %parallel_loop3A_154 = arith.index_cast %parallel_loop3A_152 : i32 to index
        %parallel_loop3A_155 = tpu.vector_load %arg7[%parallel_loop3A_153, %parallel_loop3A_154] {strides = array<i32>} : memref<8x256xi32, #tpu.memory_space<vmem>>, vector<16xi32>,
        %parallel_loop3A_156 = arith.constant 0 : i32
        %parallel_loop3A_157 = vector.broadcast %parallel_loop3A_156 : i32 to vector<16xi32>
        %parallel_loop3A_158 = arith.constant 0 : i32
        %parallel_loop3A_159 = vector.broadcast %parallel_loop3A_158 : i32 to vector<16xi32>
        %parallel_loop3A_160 = arith.addi %parallel_loop3A_157, %parallel_loop3A_159 : vector<16xi32>
        %parallel_loop3A_161 = tpu.vector_load_idx %arg5[%parallel_loop3A_160, %parallel_loop3A_155] : memref<8x8192xf32, #tpu.memory_space<vmem>>[vector<16xi32>, vector<16xi32>], vector<16xf32>,
        %parallel_loop3A_162 = arith.constant 16 : i32
        %parallel_loop3A_163 = arith.muli %parallel_loop3A_150, %parallel_loop3A_162 : i32
        %parallel_loop3A_164 = arith.constant 0 : i32
        %parallel_loop3A_165 = arith.index_cast %parallel_loop3A_148 : i32 to index
        %parallel_loop3A_166 = arith.index_cast %parallel_loop3A_164 : i32 to index
        %parallel_loop3A_167 = arith.index_cast %parallel_loop3A_163 : i32 to index
        %parallel_loop3A_168 = tpu.vector_load %arg9[%parallel_loop3A_165, %parallel_loop3A_166, %parallel_loop3A_167] {strides = array<i32>} : memref<8x8x256xf32, #tpu.memory_space<vmem>>, vector<16xf32>,
        tpu.vector_store %arg9[%parallel_loop3A_165, %parallel_loop3A_166, %parallel_loop3A_167], %parallel_loop3A_161 {strides = array<i32>} : memref<8x8x256xf32, #tpu.memory_space<vmem>>, vector<16xf32>,
        %parallel_loop3A_169 = arith.constant 1 : i32
        %parallel_loop3A_170 = vector.broadcast %parallel_loop3A_169 : i32 to vector<16xi32>
        %parallel_loop3A_171 = arith.addi %parallel_loop3A_157, %parallel_loop3A_170 : vector<16xi32>
        %parallel_loop3A_172 = tpu.vector_load_idx %arg5[%parallel_loop3A_171, %parallel_loop3A_155] : memref<8x8192xf32, #tpu.memory_space<vmem>>[vector<16xi32>, vector<16xi32>], vector<16xf32>,
        %parallel_loop3A_173 = arith.constant 16 : i32
        %parallel_loop3A_174 = arith.muli %parallel_loop3A_150, %parallel_loop3A_173 : i32
        %parallel_loop3A_175 = arith.constant 1 : i32
        %parallel_loop3A_176 = arith.index_cast %parallel_loop3A_148 : i32 to index
        %parallel_loop3A_177 = arith.index_cast %parallel_loop3A_175 : i32 to index
        %parallel_loop3A_178 = arith.index_cast %parallel_loop3A_174 : i32 to index
        %parallel_loop3A_179 = tpu.vector_load %arg9[%parallel_loop3A_176, %parallel_loop3A_177, %parallel_loop3A_178] {strides = array<i32>} : memref<8x8x256xf32, #tpu.memory_space<vmem>>, vector<16xf32>,
        tpu.vector_store %arg9[%parallel_loop3A_176, %parallel_loop3A_177, %parallel_loop3A_178], %parallel_loop3A_172 {strides = array<i32>} : memref<8x8x256xf32, #tpu.memory_space<vmem>>, vector<16xf32>,
        %parallel_loop3A_180 = arith.constant 2 : i32
        %parallel_loop3A_181 = vector.broadcast %parallel_loop3A_180 : i32 to vector<16xi32>
        %parallel_loop3A_182 = arith.addi %parallel_loop3A_157, %parallel_loop3A_181 : vector<16xi32>
        %parallel_loop3A_183 = tpu.vector_load_idx %arg5[%parallel_loop3A_182, %parallel_loop3A_155] : memref<8x8192xf32, #tpu.memory_space<vmem>>[vector<16xi32>, vector<16xi32>], vector<16xf32>,
        %parallel_loop3A_184 = arith.constant 16 : i32
        %parallel_loop3A_185 = arith.muli %parallel_loop3A_150, %parallel_loop3A_184 : i32
        %parallel_loop3A_186 = arith.constant 2 : i32
        %parallel_loop3A_187 = arith.index_cast %parallel_loop3A_148 : i32 to index
        %parallel_loop3A_188 = arith.index_cast %parallel_loop3A_186 : i32 to index
        %parallel_loop3A_189 = arith.index_cast %parallel_loop3A_185 : i32 to index
        %parallel_loop3A_190 = tpu.vector_load %arg9[%parallel_loop3A_187, %parallel_loop3A_188, %parallel_loop3A_189] {strides = array<i32>} : memref<8x8x256xf32, #tpu.memory_space<vmem>>, vector<16xf32>,
        tpu.vector_store %arg9[%parallel_loop3A_187, %parallel_loop3A_188, %parallel_loop3A_189], %parallel_loop3A_183 {strides = array<i32>} : memref<8x8x256xf32, #tpu.memory_space<vmem>>, vector<16xf32>,
        %parallel_loop3A_191 = arith.constant 3 : i32
        %parallel_loop3A_192 = vector.broadcast %parallel_loop3A_191 : i32 to vector<16xi32>
        %parallel_loop3A_193 = arith.addi %parallel_loop3A_157, %parallel_loop3A_192 : vector<16xi32>
        %parallel_loop3A_194 = tpu.vector_load_idx %arg5[%parallel_loop3A_193, %parallel_loop3A_155] : memref<8x8192xf32, #tpu.memory_space<vmem>>[vector<16xi32>, vector<16xi32>], vector<16xf32>,
        %parallel_loop3A_195 = arith.constant 16 : i32
        %parallel_loop3A_196 = arith.muli %parallel_loop3A_150, %parallel_loop3A_195 : i32
        %parallel_loop3A_197 = arith.constant 3 : i32
        %parallel_loop3A_198 = arith.index_cast %parallel_loop3A_148 : i32 to index
        %parallel_loop3A_199 = arith.index_cast %parallel_loop3A_197 : i32 to index
        %parallel_loop3A_200 = arith.index_cast %parallel_loop3A_196 : i32 to index
        %parallel_loop3A_201 = tpu.vector_load %arg9[%parallel_loop3A_198, %parallel_loop3A_199, %parallel_loop3A_200] {strides = array<i32>} : memref<8x8x256xf32, #tpu.memory_space<vmem>>, vector<16xf32>,
        tpu.vector_store %arg9[%parallel_loop3A_198, %parallel_loop3A_199, %parallel_loop3A_200], %parallel_loop3A_194 {strides = array<i32>} : memref<8x8x256xf32, #tpu.memory_space<vmem>>, vector<16xf32>,
        %parallel_loop3A_202 = arith.constant 4 : i32
        %parallel_loop3A_203 = vector.broadcast %parallel_loop3A_202 : i32 to vector<16xi32>
        %parallel_loop3A_204 = arith.addi %parallel_loop3A_157, %parallel_loop3A_203 : vector<16xi32>
        %parallel_loop3A_205 = tpu.vector_load_idx %arg5[%parallel_loop3A_204, %parallel_loop3A_155] : memref<8x8192xf32, #tpu.memory_space<vmem>>[vector<16xi32>, vector<16xi32>], vector<16xf32>,
        %parallel_loop3A_206 = arith.constant 16 : i32
        %parallel_loop3A_207 = arith.muli %parallel_loop3A_150, %parallel_loop3A_206 : i32
        %parallel_loop3A_208 = arith.constant 4 : i32
        %parallel_loop3A_209 = arith.index_cast %parallel_loop3A_148 : i32 to index
        %parallel_loop3A_210 = arith.index_cast %parallel_loop3A_208 : i32 to index
        %parallel_loop3A_211 = arith.index_cast %parallel_loop3A_207 : i32 to index
        %parallel_loop3A_212 = tpu.vector_load %arg9[%parallel_loop3A_209, %parallel_loop3A_210, %parallel_loop3A_211] {strides = array<i32>} : memref<8x8x256xf32, #tpu.memory_space<vmem>>, vector<16xf32>,
        tpu.vector_store %arg9[%parallel_loop3A_209, %parallel_loop3A_210, %parallel_loop3A_211], %parallel_loop3A_205 {strides = array<i32>} : memref<8x8x256xf32, #tpu.memory_space<vmem>>, vector<16xf32>,
        %parallel_loop3A_213 = arith.constant 5 : i32
        %parallel_loop3A_214 = vector.broadcast %parallel_loop3A_213 : i32 to vector<16xi32>
        %parallel_loop3A_215 = arith.addi %parallel_loop3A_157, %parallel_loop3A_214 : vector<16xi32>
        %parallel_loop3A_216 = tpu.vector_load_idx %arg5[%parallel_loop3A_215, %parallel_loop3A_155] : memref<8x8192xf32, #tpu.memory_space<vmem>>[vector<16xi32>, vector<16xi32>], vector<16xf32>,
        %parallel_loop3A_217 = arith.constant 16 : i32
        %parallel_loop3A_218 = arith.muli %parallel_loop3A_150, %parallel_loop3A_217 : i32
        %parallel_loop3A_219 = arith.constant 5 : i32
        %parallel_loop3A_220 = arith.index_cast %parallel_loop3A_148 : i32 to index
        %parallel_loop3A_221 = arith.index_cast %parallel_loop3A_219 : i32 to index
        %parallel_loop3A_222 = arith.index_cast %parallel_loop3A_218 : i32 to index
        %parallel_loop3A_223 = tpu.vector_load %arg9[%parallel_loop3A_220, %parallel_loop3A_221, %parallel_loop3A_222] {strides = array<i32>} : memref<8x8x256xf32, #tpu.memory_space<vmem>>, vector<16xf32>,
        tpu.vector_store %arg9[%parallel_loop3A_220, %parallel_loop3A_221, %parallel_loop3A_222], %parallel_loop3A_216 {strides = array<i32>} : memref<8x8x256xf32, #tpu.memory_space<vmem>>, vector<16xf32>,
        %parallel_loop3A_224 = arith.constant 6 : i32
        %parallel_loop3A_225 = vector.broadcast %parallel_loop3A_224 : i32 to vector<16xi32>
        %parallel_loop3A_226 = arith.addi %parallel_loop3A_157, %parallel_loop3A_225 : vector<16xi32>
        %parallel_loop3A_227 = tpu.vector_load_idx %arg5[%parallel_loop3A_226, %parallel_loop3A_155] : memref<8x8192xf32, #tpu.memory_space<vmem>>[vector<16xi32>, vector<16xi32>], vector<16xf32>,
        %parallel_loop3A_228 = arith.constant 16 : i32
        %parallel_loop3A_229 = arith.muli %parallel_loop3A_150, %parallel_loop3A_228 : i32
        %parallel_loop3A_230 = arith.constant 6 : i32
        %parallel_loop3A_231 = arith.index_cast %parallel_loop3A_148 : i32 to index
        %parallel_loop3A_232 = arith.index_cast %parallel_loop3A_230 : i32 to index
        %parallel_loop3A_233 = arith.index_cast %parallel_loop3A_229 : i32 to index
        %parallel_loop3A_234 = tpu.vector_load %arg9[%parallel_loop3A_231, %parallel_loop3A_232, %parallel_loop3A_233] {strides = array<i32>} : memref<8x8x256xf32, #tpu.memory_space<vmem>>, vector<16xf32>,
        tpu.vector_store %arg9[%parallel_loop3A_231, %parallel_loop3A_232, %parallel_loop3A_233], %parallel_loop3A_227 {strides = array<i32>} : memref<8x8x256xf32, #tpu.memory_space<vmem>>, vector<16xf32>,
        %parallel_loop3A_235 = arith.constant 7 : i32
        %parallel_loop3A_236 = vector.broadcast %parallel_loop3A_235 : i32 to vector<16xi32>
        %parallel_loop3A_237 = arith.addi %parallel_loop3A_157, %parallel_loop3A_236 : vector<16xi32>
        %parallel_loop3A_238 = tpu.vector_load_idx %arg5[%parallel_loop3A_237, %parallel_loop3A_155] : memref<8x8192xf32, #tpu.memory_space<vmem>>[vector<16xi32>, vector<16xi32>], vector<16xf32>,
        %parallel_loop3A_239 = arith.constant 16 : i32
        %parallel_loop3A_240 = arith.muli %parallel_loop3A_150, %parallel_loop3A_239 : i32
        %parallel_loop3A_241 = arith.constant 7 : i32
        %parallel_loop3A_242 = arith.index_cast %parallel_loop3A_148 : i32 to index
        %parallel_loop3A_243 = arith.index_cast %parallel_loop3A_241 : i32 to index
        %parallel_loop3A_244 = arith.index_cast %parallel_loop3A_240 : i32 to index
        %parallel_loop3A_245 = tpu.vector_load %arg9[%parallel_loop3A_242, %parallel_loop3A_243, %parallel_loop3A_244] {strides = array<i32>} : memref<8x8x256xf32, #tpu.memory_space<vmem>>, vector<16xf32>,
        tpu.vector_store %arg9[%parallel_loop3A_242, %parallel_loop3A_243, %parallel_loop3A_244], %parallel_loop3A_238 {strides = array<i32>} : memref<8x8x256xf32, #tpu.memory_space<vmem>>, vector<16xf32>,
      } {sc.loop_unroll_factor = 32 : i64, sc.parallel_access}
      %mul3A_142 = arith.constant 8 : i32
      %mul3A_143 = arith.muli %add3A_122, %mul3A_142 : i32
      %dma_start3A_144 = tpu.memref_slice %arg4[%mul3A_143, %mul3A_18, %mul3A_34] : memref<256x64x1024xf32, #tpu.memory_space<hbm>> -> memref<8x8x256xf32, #tpu.memory_space<hbm>>
      %dma_start3A_145 = tpu.memref_slice %arg4[%mul3A_143, %mul3A_18, %mul3A_34] : memref<256x64x1024xf32, #tpu.memory_space<hbm>> -> memref<8x8x256xf32, #tpu.memory_space<hbm>>
      tpu.enqueue_dma source(%arg9 : memref<8x8x256xf32, #tpu.memory_space<vmem>>) target(%dma_start3A_145 : memref<8x8x256xf32, #tpu.memory_space<hbm>>) target_semaphore(%arg13 : memref<!tpu.dma_semaphore, #tpu.memory_space<semaphore_mem>>)
    }
    %scan3A_78 = arith.constant 15 : i32
    %dma_wait3A_79 = arith.constant 0 : i32
    %dma_wait3A_80 = tpu.memref_slice %arg2[%dma_wait3A_79, %mul3A_34] : memref<256x1024xi32, #tpu.memory_space<hbm>> -> memref<8x256xi32, #tpu.memory_space<hbm>>
    %dma_wait3A_81 = arith.constant 0 : i32
    %dma_wait3A_82 = tpu.memref_slice %arg2[%dma_wait3A_81, %mul3A_34] : memref<256x1024xi32, #tpu.memory_space<hbm>> -> memref<8x256xi32, #tpu.memory_space<hbm>>
    tpu.wait_dma2 semaphore(%arg10 : memref<!tpu.dma_semaphore, #tpu.memory_space<semaphore_mem>>) src(%dma_wait3A_82 : memref<8x256xi32, #tpu.memory_space<hbm>>) dst(%arg6 : memref<8x256xi32, #tpu.memory_space<vmem>>)
    %dma_wait3A_83 = arith.constant 0 : i32
    %dma_wait3A_84 = tpu.memref_slice %arg4[%dma_wait3A_83, %mul3A_18, %mul3A_34] : memref<256x64x1024xf32, #tpu.memory_space<hbm>> -> memref<8x8x256xf32, #tpu.memory_space<hbm>>
    %dma_wait3A_85 = arith.constant 0 : i32
    %dma_wait3A_86 = tpu.memref_slice %arg4[%dma_wait3A_85, %mul3A_18, %mul3A_34] : memref<256x64x1024xf32, #tpu.memory_space<hbm>> -> memref<8x8x256xf32, #tpu.memory_space<hbm>>
    tpu.wait_dma2 semaphore(%arg12 : memref<!tpu.dma_semaphore, #tpu.memory_space<semaphore_mem>>) src(%arg8 : memref<8x8x256xf32, #tpu.memory_space<vmem>>) dst(%dma_wait3A_86 : memref<8x8x256xf32, #tpu.memory_space<hbm>>)
    %dma_wait3A_87 = arith.constant 0 : i32
    %dma_wait3A_88 = tpu.memref_slice %arg4[%dma_wait3A_87, %mul3A_18, %mul3A_34] : memref<256x64x1024xf32, #tpu.memory_space<hbm>> -> memref<8x8x256xf32, #tpu.memory_space<hbm>>
    %dma_wait3A_89 = arith.constant 0 : i32
    %dma_wait3A_90 = tpu.memref_slice %arg4[%dma_wait3A_89, %mul3A_18, %mul3A_34] : memref<256x64x1024xf32, #tpu.memory_space<hbm>> -> memref<8x8x256xf32, #tpu.memory_space<hbm>>
    tpu.wait_dma2 semaphore(%arg13 : memref<!tpu.dma_semaphore, #tpu.memory_space<semaphore_mem>>) src(%arg9 : memref<8x8x256xf32, #tpu.memory_space<vmem>>) dst(%dma_wait3A_90 : memref<8x8x256xf32, #tpu.memory_space<hbm>>)
    return
  }
}

</mosaic_0001>

<sc_bundles>
// kernel: kernel.3.cloned.1.call-start
scs
__scs_entry_jumppad:
0x0: {  	(pc) =	sbr.rel $0x88, $3  }
0x1: {  	(tag) =	ssettag $0x0;
	lr =	simm.s32 $0x1  }
0x2: {  	[smem:$0x3F9F] =	sst lr;
	_ =	strace $0xD0000000  }
0x3: {  	_ = 	snop  }
0x4: {  	_ = 	snop  }
0x5: {  	_ = 	snop  }
0x6: {  	_ = 	snop  }
0x7: {  	_ = 	snop  }
__scs_overlays_trampoline_lowered:
0x8: {  	[smem:$0x3FAE] =	sst s0  }
0x9: {  	[smem:$0x3FAF] =	sst s1  }
0xa: {  	[smem:$0x3FB0] =	sst s2  }
0xb: {  	[smem:$0x3FB1] =	sst s3  }
0xc: {  	[smem:$0x3FB2] =	sst s4  }
0xd: {  	[smem:$0x3FB3] =	sst s5  }
0xe: {  	[smem:$0x3FB4] =	sst s6  }
0xf: {  	[smem:$0x3FB5] =	sst s7  }
0x10: {  	[smem:$0x3FB6] =	sst s8  }
0x11: {  	[smem:$0x3FB7] =	sst s9;
	s0 =	simm.s32 @!p0 $0x0  }
0x12: {  	s1 =	sld [smem:$0x3F9D];
	s0 =	simm.s32 @p0 $0x1  }
0x13: {  	[smem:$0x3FB8] =	sst s0;
	s0 =	simm.s32 @!p1 $0x0  }
0x14: {  	s2 =	sld [smem:$0x3F9C];
	s0 =	simm.s32 @p1 $0x1  }
0x15: {  	[smem:$0x3FB9] =	sst s0;
	s0 =	simm.s32 @!p2 $0x0  }
0x16: {  	s3 =	sld [smem:$0x3FDB];
	s0 =	simm.s32 @p2 $0x1  }
0x17: {  	s4 =	simm.s32 $0x1BF5;
	[smem:$0x3FBB] =	sst s0  }
0x18: {  	s0 =	sld [smem:$0x3F9E];
	_ =	swait.ge [sflag:s4], $0x0  }
0x19: {  	s7 =	sld [smem:$0x3F9F]  }
0x1a: {  	s8 =	sadd.s32 $0xFFFFE003, lr  }
0x1b: {  	s9 =	sadd.s32 $0xFFFFFEF7, lr;
	s5 =	simm.s32 $0xFFFFFFFF;
	p2 =	slt.u32 s8, $0xFFFFF086  }
0x1c: {  	p1 =	slt.u32 s9, $0xF7A;
	s5 =	simm.s32 @!p2 $0x0  }
0x1d: {  	s5 =	simm.s32 @p1 $0x1;
	p0 =	seq.s32 s7, s2  }
0x1e: {  	s7 =	smul.u32 @!p0 $0xF7A, s2;
	p2 =	seq.s32 @!p0 s5, $0x0  }
0x1f: {  	s9 =	smul.u32 $0xF7A, s1;
	s8 =	simm.s32 @!p0 $0x1BF5;
	p2 =	por !p2, p0  }
0x20: {  	[sflag:s8] =	ssyncset.s32 @!p0 $0xFFFFF086;
	s6 =	sadd.s32 @!p0 s3, s7;
	s7 =	simm.s32 @!p0 $0x108  }
0x21: {  	s3 =	sadd.s32 s3, s9;
	s6 =	sadd.s32 @!p0 $0x88, s6;
	s7 =	simm.s32 @p2 $0x1082  }
0x22: {  	[simem:s7], [sflag:s8] =	dma.local @!p0 [hbm:s6], $0xF7A  }
0x23: {  	s9 =	sor.u32 $0xD0000000, s2;
	s6 =	simm.s32 $0x108;
	_ =	swait.ge @!p0 [sflag:s8], $0x0  }
0x24: {  	s3 =	sadd.s32 $0x88, s3;
	s6 =	simm.s32 @!p1 $0x1082;
	[sflag:s4] =	ssyncset.s32 $0xFFFFF086  }
0x25: {  	[simem:s6], [sflag:s4] =	dma.local [hbm:s3], $0xF7A  }
0x26: {  	[smem:$0x3F9F] =	sst s1;
	(tag) =	ssettag s2;
	_ =	strace s9  }
0x27: {  	s1 =	sld [smem:$0x3FAF]  }
0x28: {  	s2 =	sld [smem:$0x3FB0]  }
0x29: {  	s4 =	sld [smem:$0x3FB2]  }
0x2a: {  	p0 =	seq.s32 s5, $0x0;
	s5 =	sld [smem:$0x3FB3]  }
0x2b: {  	s6 =	sld [smem:$0x3FB4]  }
0x2c: {  	s7 =	sld [smem:$0x3FB5]  }
0x2d: {  	s3 =	simm.s32 $0x108;
	s8 =	sld [smem:$0x3FB6]  }
0x2e: {  	s3 =	simm.s32 @!p0 $0x1082;
	s9 =	sld [smem:$0x3FB7]  }
0x2f: {  	lr =	sadd.s32 s0, s3;
	s0 =	sld [smem:$0x3FAE]  }
0x30: {  	s3 =	sld [smem:$0x3FB1]  }
0x31: {  	[smem:$0x3FBA] =	sst s10  }
0x32: {  	s10 =	sld [smem:$0x3FB8];
	_ =	sdelay $0x3  }
0x33: {  	p0 =	seq.s32 s10, $0x1;
	s10 =	sld [smem:$0x3FBA];
	_ =	sdelay $0x3  }
0x34: {  	[smem:$0x3FBA] =	sst s10  }
0x35: {  	s10 =	sld [smem:$0x3FB9];
	_ =	sdelay $0x3  }
0x36: {  	p1 =	seq.s32 s10, $0x1;
	s10 =	sld [smem:$0x3FBA];
	_ =	sdelay $0x3  }
0x37: {  	[smem:$0x3FBA] =	sst s10  }
0x38: {  	s10 =	sld [smem:$0x3FBB]  }
0x39: {  	_ = 	snop;
	(pc) =	sbr.ind lr, $3  }
0x3a: {  	_ = 	snop  }
0x3b: {  	_ = 	snop  }
0x3c: {  	p2 =	seq.s32 s10, $0x1;
	s10 =	sld [smem:$0x3FBA]  }
0x3d: {  	_ =	shalt  }
0x3e: {  	_ =	shalt  }
0x3f: {  	_ =	shalt  }
0x40: {  	_ =	shalt  }
0x41: {  	_ =	shalt  }
0x42: {  	_ =	shalt  }
0x43: {  	_ =	shalt  }
0x44: {  	_ =	shalt  }
0x45: {  	_ =	shalt  }
0x46: {  	_ =	shalt  }
0x47: {  	_ =	shalt  }
0x48: {  	_ =	shalt  }
0x49: {  	_ =	shalt  }
0x4a: {  	_ =	shalt  }
0x4b: {  	_ =	shalt  }
0x4c: {  	_ =	shalt  }
0x4d: {  	_ =	shalt  }
0x4e: {  	_ =	shalt  }
0x4f: {  	_ =	shalt  }
0x50: {  	_ =	shalt  }
0x51: {  	_ =	shalt  }
0x52: {  	_ =	shalt  }
0x53: {  	_ =	shalt  }
0x54: {  	_ =	shalt  }
0x55: {  	_ =	shalt  }
0x56: {  	_ =	shalt  }
0x57: {  	_ =	shalt  }
0x58: {  	_ =	shalt  }
0x59: {  	_ =	shalt  }
0x5a: {  	_ =	shalt  }
0x5b: {  	_ =	shalt  }
0x5c: {  	_ =	shalt  }
0x5d: {  	_ =	shalt  }
0x5e: {  	_ =	shalt  }
0x5f: {  	_ =	shalt  }
0x60: {  	_ =	shalt  }
0x61: {  	_ =	shalt  }
0x62: {  	_ =	shalt  }
0x63: {  	_ =	shalt  }
0x64: {  	_ =	shalt  }
0x65: {  	_ =	shalt  }
0x66: {  	_ =	shalt  }
0x67: {  	_ =	shalt  }
0x68: {  	_ =	shalt  }
0x69: {  	_ =	shalt  }
0x6a: {  	_ =	shalt  }
0x6b: {  	_ =	shalt  }
0x6c: {  	_ =	shalt  }
0x6d: {  	_ =	shalt  }
0x6e: {  	_ =	shalt  }
0x6f: {  	_ =	shalt  }
0x70: {  	_ =	shalt  }
0x71: {  	_ =	shalt  }
0x72: {  	_ =	shalt  }
0x73: {  	_ =	shalt  }
0x74: {  	_ =	shalt  }
0x75: {  	_ =	shalt  }
0x76: {  	_ =	shalt  }
0x77: {  	_ =	shalt  }
0x78: {  	_ =	shalt  }
0x79: {  	_ =	shalt  }
0x7a: {  	_ =	shalt  }
0x7b: {  	_ =	shalt  }
0x7c: {  	_ =	shalt  }
0x7d: {  	_ =	shalt  }
0x7e: {  	_ =	shalt  }
0x7f: {  	_ =	shalt  }
0x80: {  	_ =	shalt  }
0x81: {  	_ =	shalt  }
0x82: {  	_ =	shalt  }
0x83: {  	_ =	shalt  }
0x84: {  	_ =	shalt  }
0x85: {  	_ =	shalt  }
0x86: {  	_ =	shalt  }
0x87: {  	_ =	shalt  }
.Lfunc_end0:
.L_simem_size_0:
called_computation_lowered:
.L_overlay_start_0:
0x88: {  	s2 =	sld [smem:$0x3FD9]  }
0x89: {  	s3 =	sld [smem:$0x3FFE];
	_ =	sdelay $0x1  }
0x8a: {  	s1 =	srdreg.scid  }
0x8b: {  	s0 =	sand.u32 $0x1, s1  }
0x8c: {  	s18 =	sshll.u32 s0, $0xA;
	s2 =	sadd.s32 s3, s2  }
0x8d: {  	s2 =	sadd.s32 s2, s18  }
0x8e: {  	[smem:$0x3FC6] =	sst s2  }
0x8f: {  	_ = 	snop  }
0x90: {  	s2 =	sld [smem:$0x3FC9]  }
0x91: {  	s19 =	sld [smem:$0x3FC8]  }
0x92: {  	s4 =	sld [smem:$0x3FD0];
	(tm) =	ssettm $0x1  }
0x93: {  	s5 =	sld [smem:$0x3FFB];
	_ =	sdelay $0x3  }
0x94: {  	_ =	strace s5  }
0x95: {  	s5 =	sld [smem:$0x3FFC];
	_ =	sdelay $0x3  }
0x96: {  	_ =	strace s5  }
0x97: {  	s5 =	sld [smem:$0x3FFD];
	_ =	sdelay $0x3  }
0x98: {  	_ =	strace s5  }
0x99: {  	_ =	strace $0x8FFFFFFF  }
0x9a: {  	s20 =	sld [smem:$0x3FDB];
	_ =	sdelay $0x1  }
0x9b: {  	s6 =	simm.s32 $_scs_section_size  }
0x9c: {  	s7 =	simm.s32 $_size__tile_overlayer_lowered;
	s8 =	simm.s32 $_tile_overlayer_lowered  }
0x9d: {  	s23 =	simm.s32 $0x1BFF;
	s22 =	sshll.u32 s8, $0x1;
	s5 =	sadd.s32 s6, s20  }
0x9e: {  	s9 =	simm.s32 $0x0;
	s21 =	sshll.u32 s7, $0x1;
	s7 =	sadd.s32 s22, s5  }
0x9f: {  	[timem:s9], [sflag:s23] =	dma.local [hbm:s7], s21  }
0xa0: {  	_ =	swait.ge [sflag:s23], s21  }
0xa1: {  	s6 =	ssub.s32 $0x0, s21;
	[sflag:s23] =	ssyncset.done $0x0  }
0xa2: {  	[sflag:s23] =	ssyncadd.s32 s6;
	_ =	sdelay $0x1  }
0xa3: {  	s24 =	simm.s32 $0x1B8B  }
0xa4: {  	_ =	swait.ge [sflag:s24], $0x1  }
0xa5: {  	[sflag:s24] =	ssyncset.done $0x0  }
0xa6: {  	s25 =	simm.s32 $0x1B8E;
	[sflag:s24] =	ssyncadd.s32 $0xFFFFFFFF  }
0xa7: {  	s26 =	simm.s32 $execute0_lowered;
	[smem:$0x3FD2] =	sst s25  }
0xa8: {  	s6 =	sshll.u32 s26, $0x1;
	_ =	strace $0x80000046;
	[dreg:$0x1] =	wrdreg $0xFFFFFFFF  }
0xa9: {  	s28 =	simm.s32 $_size_execute0_lowered;
	s5 =	sadd.s32 s5, s6;
	[dreg:$0x0] =	wrdreg $0x0  }
0xaa: {  	s6 =	sshll.u32 s28, $0x1;
	[dreg:$0x2] =	wrdreg s5  }
0xab: {  	[dreg:$0x3] =	wrdreg s6  }
0xac: {  	[dreg:$0x4] =	wrdreg $0xC0  }
0xad: {  	_ =	task [dreg:s9], $0x5FFFF  }
0xae: {  	[dreg:$0x1] =	wrdreg $0xFFFFFFFF  }
0xaf: {  	[dreg:$0x0] =	wrdreg $0x60  }
0xb0: {  	[dreg:$0x2] =	wrdreg s2  }
0xb1: {  	[dreg:$0x3] =	wrdreg s19  }
0xb2: {  	[dreg:$0x4] =	wrdreg s4  }
0xb3: {  	[dreg:$0x5] =	wrdreg $0x9  }
0xb4: {  	_ =	task.clear_ibuf [dreg:s9], $0x6FFFF;
	_ =	strace $0x90000046  }
0xb5: {  	s29 =	simm.s32 $0x9;
	_ =	strace $0x80000048  }
0xb6: {  	_ =	swait.ge [sflag:s29], $0x1  }
0xb7: {  	[sflag:s29] =	ssyncadd.s32 $0xFFFFFFFF  }
0xb8: {  	_ =	strace $0x90000048  }
0xb9: {  	_ =	sfence  }
0xba: {  	s30 =	sld [smem:$0x0];
	_ =	sdelay $0x2  }
0xbb: {  	s31 =	sshll.u32 s1, $0xD;
	s1 =	sshrl.u32 s1, $0x2  }
0xbc: {  	s3 =	sand.u32 $0x4000, s31;
	s1 =	sadd.s32 s1, s30  }
0xbd: {  	s0 =	sor.u32 s3, s0;
	s1 =	sshll.u32 s1, $0x11  }
0xbe: {  	s0 =	sor.u32 s1, s0  }
0xbf: {  	s0 =	sadd.s32 $0x8F2B, s0  }
0xc0: {  	[sflag:s0] =	ssyncadd.remote.s32 $0x1  }
0xc1: {  	_ =	sfence.sel $0xFFFF  }
0xc2: {  	[dreg:$0x0] =	wrdreg $0xFFFFFFFF;
	(pc) =	sbr.abs _section_cstart, $3  }
0xc3: {  	[dreg:$0x1] =	wrdreg $0xFFFFFFFF  }
0xc4: {  	_ =	task.clear_ibuf [dreg:s9], $0x2FFFF;
	_ =	strace $0x9FFFFFFF  }
0xc5: {  	(tm) =	ssettm $0x7FFFFFFF  }
tec
execute0_lowered:
.L_overlay_start_1:
0x0: {  	(tag) =	ssettag $0x1  }
0x1: {  	s2 =	rddreg [dreg:$0x0]  }
0x2: {  	s0 =	rddreg [dreg:$0x1]  }
0x3: {  	s3 =	rddreg [dreg:$0x2]  }
0x4: {  	s7 =	stileid.u32;
	s4 =	simm.s32 $0x0;
	s1 =	srdreg.scid  }
0x5: {  	s15 =	simm.s32 $0x10000;
	s16 =	simm.s32 $0x5;
	s17 =	simm.s32 $0x10800  }
0x6: {  	s18 =	simm.s32 $0x1;
	s19 =	simm.s32 $0x800;
	s20 =	simm.s32 $0x11000  }
0x7: {  	s21 =	simm.s32 $0x2;
	s22 =	simm.s32 $0x15000;
	s23 =	simm.s32 $0x3  }
0x8: {  	s24 =	simm.s32 $0x4;
	s25 =	simm.s32 $0x0;
	s5 =	sshll.u32 s7, $0x1  }
0x9: {  	[smem:$0x7FF] =	sst s4;
	s1 =	sand.u32 $0x1, s1;
	s29 =	sshll.u32 s7, $0xC  }
0xa: {  	s5 =	sand.u32 $0x2, s5;
	_ =	strace $0x80000047;
	s8 =	sand.u32 $0xE000, s29  }
0xb: {  	s6 =	sor.u32 s1, s5;
	s1 =	ssub.s32 $0x2, s1;
	s0 =	sadd.s32 s0, s8  }
0xc: {  	s5 =	sshll.u32 s6, $0xB;
	s30 =	sshrl.u32 s1, $0x1;
	s9 =	sshll.u32 s6, $0x8  }
0xd: {  	[dreg:$0x4] =	wrdreg s0;
	s6 =	sor.u32 s8, s5;
	s1 =	ssub.s32 s1, s30  }
0xe: {  	s7 =	sadd.s32 s2, s9;
	s13 =	sor.u32 $0x4000, s5;
	s10 =	sshrl.u32 s6, $0x3  }
0xf: {  	s31 =	sadd.s32 $0x400, s7;
	s11 =	sadd.s32 $0x800, s7;
	s10 =	sadd.s32 s3, s10  }
0x10: {  	s14 =	smax.u32 s1, $0x1;
	[dreg:$0x5] =	wrdreg s31;
	s12 =	sadd.s32 $0x10000, s10  }
.LBB2_1:
0x11: {  	s0 =	rddreg [dreg:$0x4]  }
0x12: {  	[tilespmem:s4], [sflag:$0x5] =	stream.linear.gather [hbm4b:s0+s4], $0x10000, $0x38;
	[tilespmem:$0x19000] =	vst v63  }
0x13: {  	_ = 	snop  }
0x14: {  	[tilespmem:s15], [sflag:$0x1] =	stream.linear.gather [hbm4b:s7+s4], $0x800, $0x38;
	[tilespmem:$0x19000] =	vst v63  }
0x15: {  	_ =	swait.ge [sflag:s16], $0x10000  }
0x16: {  	[sflag:s16] =	ssyncset.done $0x0  }
0x17: {  	s31 =	rddreg [dreg:$0x5];
	[sflag:s16] =	ssyncadd.s32 $0xFFFF0000  }
0x18: {  	[tilespmem:s17], [sflag:$0x2] =	stream.linear.gather [hbm4b:s31+s4], $0x800, $0x38;
	[tilespmem:$0x19000] =	vst v63  }
0x19: {  	_ =	swait.ge [sflag:s18], $0x800  }
0x1a: {  	[sflag:s18] =	ssyncset.done $0x0  }
0x1b: {  	s26 =	simm.s32 $0x0;
	[sflag:s18] =	ssyncadd.s32 $0xFFFFF800  }
.LBB2_2:
0x1c: {  	s0 =	sshll.u32 s26, $0x3  }
0x1d: {  	s0 =	sand.u32 $0x3FFFFFF8, s0  }
0x1e: {  	v0 =	vld [tilespmem:s0+$0x10000]  }
0x1f: {  	v1 =	vld [tilespmem:s0+$0x10010];
	_ =	sdelay $0x3  }
0x20: {  	v2 =	vshll.u32 v0, $0x3  }
0x21: {  	v0 =	vand.u32 $0x7F, v0;
	v3 =	vshll.u32 v1, $0x3;
	v2 =	vand.u32 $0xFFFFFC00, v2  }
0x22: {  	v20 =	vand.u32 $0x7F, v1;
	v21 =	vand.u32 $0xFFFFFC00, v3;
	v2 =	vor.u32 v0, v2  }
0x23: {  	v1 =	vor.u32 v20, v21;
	_ =	sdelay $0x3  }
0x24: {  	v22 =	vld.idx.msk [tilespmem:v2+s4+$0x0], $0xffff  }
0x25: {  	v23 =	vor.u32 $0x80, v2;
	v4 =	vld.idx.msk [tilespmem:v1+s4+$0x0], $0xffff  }
0x26: {  	v5 =	vor.u32 $0x80, v1  }
0x27: {  	s1 =	sshll.u32 s26, $0x7  }
0x28: {  	s28 =	sand.u32 $0x3FFFFF80, s1  }
0x29: {  	[tilespmem:s28+$0x11000] =	vst v22  }
0x2a: {  	[tilespmem:s28+$0x11010] =	vst v4;
	v0 =	vld.idx.msk [tilespmem:v23+s4+$0x0], $0xffff  }
0x2b: {  	v24 =	vor.u32 $0x100, v2;
	v4 =	vld.idx.msk [tilespmem:v5+s4+$0x0], $0xffff  }
0x2c: {  	v6 =	vld [tilespmem:s0+$0x10020];
	v25 =	vor.u32 $0x100, v1;
	_ =	sdelay $0x2  }
0x2d: {  	[tilespmem:s28+$0x11080] =	vst v0  }
0x2e: {  	[tilespmem:s28+$0x11090] =	vst v4;
	v3 =	vld.idx.msk [tilespmem:v24+s4+$0x0], $0xffff  }
0x2f: {  	v27 =	vshll.u32 v6, $0x3;
	v26 =	vor.u32 $0x180, v2;
	v5 =	vld.idx.msk [tilespmem:v25+s4+$0x0], $0xffff  }
0x30: {  	v6 =	vand.u32 $0x7F, v6;
	v7 =	vor.u32 $0x180, v1;
	v0 =	vand.u32 $0xFFFFFC00, v27  }
0x31: {  	v0 =	vor.u32 v6, v0;
	_ =	sdelay $0x1  }
0x32: {  	[tilespmem:s28+$0x11100] =	vst v3  }
0x33: {  	[tilespmem:s28+$0x11110] =	vst v5;
	v3 =	vld.idx.msk [tilespmem:v26+s4+$0x0], $0xffff  }
0x34: {  	v28 =	vor.u32 $0x200, v2;
	v5 =	vld.idx.msk [tilespmem:v7+s4+$0x0], $0xffff  }
0x35: {  	v29 =	vor.u32 $0x200, v1;
	v30 =	vld.idx.msk [tilespmem:v0+s4+$0x0], $0xffff  }
0x36: {  	v8 =	vor.u32 $0x80, v0;
	_ =	sdelay $0x1  }
0x37: {  	[tilespmem:s28+$0x11180] =	vst v3  }
0x38: {  	[tilespmem:s28+$0x11190] =	vst v5;
	v3 =	vld.idx.msk [tilespmem:v28+s4+$0x0], $0xffff  }
0x39: {  	v31 =	vor.u32 $0x280, v2;
	[tilespmem:s28+$0x11020] =	vst v30;
	v5 =	vld.idx.msk [tilespmem:v29+s4+$0x0], $0xffff  }
0x3a: {  	v32 =	vor.u32 $0x280, v1;
	v7 =	vld.idx.msk [tilespmem:v8+s4+$0x0], $0xffff  }
0x3b: {  	v33 =	vor.u32 $0x100, v0;
	_ =	sdelay $0x1  }
0x3c: {  	[tilespmem:s28+$0x11200] =	vst v3  }
0x3d: {  	[tilespmem:s28+$0x11210] =	vst v5;
	v3 =	vld.idx.msk [tilespmem:v31+s4+$0x0], $0xffff  }
0x3e: {  	v34 =	vor.u32 $0x300, v2;
	[tilespmem:s28+$0x110A0] =	vst v7;
	v5 =	vld.idx.msk [tilespmem:v32+s4+$0x0], $0xffff  }
0x3f: {  	v35 =	vor.u32 $0x300, v1;
	v7 =	vld.idx.msk [tilespmem:v33+s4+$0x0], $0xffff  }
0x40: {  	v36 =	vor.u32 $0x180, v0;
	_ =	sdelay $0x1  }
0x41: {  	[tilespmem:s28+$0x11280] =	vst v3  }
0x42: {  	[tilespmem:s28+$0x11290] =	vst v5;
	v3 =	vld.idx.msk [tilespmem:v34+s4+$0x0], $0xffff  }
0x43: {  	v2 =	vor.u32 $0x380, v2;
	[tilespmem:s28+$0x11120] =	vst v7;
	v37 =	vld.idx.msk [tilespmem:v35+s4+$0x0], $0xffff  }
0x44: {  	v1 =	vor.u32 $0x380, v1;
	v38 =	vld.idx.msk [tilespmem:v36+s4+$0x0], $0xffff  }
0x45: {  	v39 =	vor.u32 $0x200, v0;
	_ =	sdelay $0x1  }
0x46: {  	[tilespmem:s28+$0x11300] =	vst v3  }
0x47: {  	[tilespmem:s28+$0x11310] =	vst v37;
	v2 =	vld.idx.msk [tilespmem:v2+s4+$0x0], $0xffff  }
0x48: {  	[tilespmem:s28+$0x111A0] =	vst v38;
	v1 =	vld.idx.msk [tilespmem:v1+s4+$0x0], $0xffff  }
0x49: {  	v40 =	vld.idx.msk [tilespmem:v39+s4+$0x0], $0xffff;
	_ =	sdelay $0x2  }
0x4a: {  	[tilespmem:s28+$0x11380] =	vst v2  }
0x4b: {  	[tilespmem:s28+$0x11390] =	vst v1  }
0x4c: {  	[tilespmem:s28+$0x11220] =	vst v40  }
0x4d: {  	v41 =	vld [tilespmem:s0+$0x10030]  }
0x4e: {  	v3 =	vld [tilespmem:s0+$0x10050]  }
0x4f: {  	v42 =	vld [tilespmem:s0+$0x10040]  }
0x50: {  	v15 =	vor.u32 $0x280, v0;
	v47 =	vld [tilespmem:s0+$0x10060]  }
0x51: {  	v50 =	vld [tilespmem:s0+$0x10070]  }
0x52: {  	v16 =	vor.u32 $0x300, v0;
	v43 =	vshll.u32 v41, $0x3  }
0x53: {  	v1 =	vand.u32 $0x7F, v41;
	v45 =	vshll.u32 v3, $0x3;
	v4 =	vand.u32 $0xFFFFFC00, v43  }
0x54: {  	v3 =	vand.u32 $0x7F, v3;
	v46 =	vand.u32 $0xFFFFFC00, v45;
	v1 =	vor.u32 v1, v4  }
0x55: {  	v15 =	vld.idx.msk [tilespmem:v15+s4+$0x0], $0xffff;
	v44 =	vshll.u32 v42, $0x3;
	v2 =	vand.u32 $0x7F, v42;
	v3 =	vor.u32 v3, v46  }
0x56: {  	v11 =	vshll.u32 v47, $0x3;
	v52 =	vshll.u32 v50, $0x3;
	v4 =	vand.u32 $0xFFFFFC00, v44  }
0x57: {  	v7 =	vand.u32 $0x7F, v50;
	v5 =	vand.u32 $0xFFFFFC00, v52;
	v2 =	vor.u32 v2, v4  }
0x58: {  	v37 =	vld [tilespmem:s0+$0x10400];
	v11 =	vand.u32 $0xFFFFFC00, v11;
	v5 =	vor.u32 v7, v5;
	v4 =	vand.u32 $0x7F, v47  }
0x59: {  	v4 =	vor.u32 v4, v11;
	v48 =	vld.idx.msk [tilespmem:v1+s4+$0x0], $0xffff  }
0x5a: {  	[tilespmem:s28+$0x112A0] =	vst v15;
	v49 =	vor.u32 $0x80, v1;
	v10 =	vld.idx.msk [tilespmem:v3+s4+$0x0], $0xffff  }
0x5b: {  	v15 =	vld.idx.msk [tilespmem:v16+s4+$0x0], $0xffff;
	v12 =	vor.u32 $0x80, v3  }
0x5c: {  	v51 =	vld.idx.msk [tilespmem:v2+s4+$0x0], $0xffff  }
0x5d: {  	v9 =	vor.u32 $0x80, v2;
	v59 =	vld.idx.msk [tilespmem:v5+s4+$0x0], $0xffff  }
0x5e: {  	v60 =	vor.u32 $0x80, v5;
	v57 =	vld.idx.msk [tilespmem:v4+s4+$0x0], $0xffff;
	[tilespmem:s28+$0x11030] =	vst v48  }
0x5f: {  	v58 =	vor.u32 $0x80, v4;
	[tilespmem:s28+$0x11050] =	vst v10;
	v6 =	vld.idx.msk [tilespmem:v49+s4+$0x0], $0xffff  }
0x60: {  	v53 =	vor.u32 $0x100, v1;
	v55 =	vld.idx.msk [tilespmem:v12+s4+$0x0], $0xffff  }
0x61: {  	v43 =	vld [tilespmem:s0+$0x10410];
	v56 =	vor.u32 $0x100, v3;
	[tilespmem:s28+$0x11040] =	vst v51  }
0x62: {  	[tilespmem:s28+$0x11070] =	vst v59;
	v8 =	vld.idx.msk [tilespmem:v9+s4+$0x0], $0xffff  }
0x63: {  	v54 =	vor.u32 $0x100, v2;
	v20 =	vld.idx.msk [tilespmem:v60+s4+$0x0], $0xffff;
	[tilespmem:s28+$0x11060] =	vst v57  }
0x64: {  	v22 =	vor.u32 $0x100, v5;
	[tilespmem:s28+$0x110B0] =	vst v6;
	v6 =	vld.idx.msk [tilespmem:v58+s4+$0x0], $0xffff  }
0x65: {  	v62 =	vor.u32 $0x100, v4;
	[tilespmem:s28+$0x110D0] =	vst v55;
	v11 =	vld.idx.msk [tilespmem:v53+s4+$0x0], $0xffff  }
0x66: {  	v13 =	vor.u32 $0x180, v1;
	v10 =	vld.idx.msk [tilespmem:v56+s4+$0x0], $0xffff  }
0x67: {  	v45 =	vld [tilespmem:s0+$0x10420];
	v61 =	vor.u32 $0x180, v3;
	[tilespmem:s28+$0x110C0] =	vst v8  }
0x68: {  	[tilespmem:s28+$0x110F0] =	vst v20;
	v7 =	vld.idx.msk [tilespmem:v54+s4+$0x0], $0xffff  }
0x69: {  	v14 =	vor.u32 $0x180, v2;
	v27 =	vld.idx.msk [tilespmem:v22+s4+$0x0], $0xffff;
	[tilespmem:s28+$0x110E0] =	vst v6  }
0x6a: {  	v29 =	vor.u32 $0x180, v5;
	[tilespmem:s28+$0x11130] =	vst v11;
	v11 =	vld.idx.msk [tilespmem:v62+s4+$0x0], $0xffff  }
0x6b: {  	v25 =	vor.u32 $0x180, v4;
	[tilespmem:s28+$0x11150] =	vst v10;
	v13 =	vld.idx.msk [tilespmem:v13+s4+$0x0], $0xffff  }
0x6c: {  	v63 =	vor.u32 $0x200, v1;
	v12 =	vld.idx.msk [tilespmem:v61+s4+$0x0], $0xffff  }
0x6d: {  	v24 =	vor.u32 $0x200, v3;
	v47 =	vld [tilespmem:s0+$0x10430];
	[tilespmem:s28+$0x11140] =	vst v7  }
0x6e: {  	v0 =	vor.u32 $0x380, v0;
	[tilespmem:s28+$0x11170] =	vst v27;
	v21 =	vld.idx.msk [tilespmem:v14+s4+$0x0], $0xffff  }
0x6f: {  	v23 =	vor.u32 $0x200, v2;
	v9 =	vld.idx.msk [tilespmem:v29+s4+$0x0], $0xffff;
	[tilespmem:s28+$0x11160] =	vst v11  }
0x70: {  	[tilespmem:s28+$0x111B0] =	vst v13;
	v13 =	vld.idx.msk [tilespmem:v25+s4+$0x0], $0xffff  }
0x71: {  	v32 =	vor.u32 $0x200, v4;
	[tilespmem:s28+$0x111D0] =	vst v12;
	v8 =	vld.idx.msk [tilespmem:v63+s4+$0x0], $0xffff  }
0x72: {  	v33 =	vor.u32 $0x200, v5;
	[tilespmem:s28+$0x11320] =	vst v15;
	v6 =	vld.idx.msk [tilespmem:v24+s4+$0x0], $0xffff  }
0x73: {  	v26 =	vor.u32 $0x280, v1;
	v0 =	vld.idx.msk [tilespmem:v0+s4+$0x0], $0xffff;
	[tilespmem:s28+$0x111C0] =	vst v21  }
0x74: {  	v31 =	vor.u32 $0x280, v3;
	[tilespmem:s28+$0x111F0] =	vst v9;
	v28 =	vld.idx.msk [tilespmem:v23+s4+$0x0], $0xffff  }
0x75: {  	v30 =	vor.u32 $0x280, v2;
	v59 =	vld [tilespmem:s0+$0x10440];
	[tilespmem:s28+$0x111E0] =	vst v13  }
0x76: {  	[tilespmem:s28+$0x11230] =	vst v8;
	v8 =	vld.idx.msk [tilespmem:v32+s4+$0x0], $0xffff  }
0x77: {  	v38 =	vor.u32 $0x280, v4;
	[tilespmem:s28+$0x11250] =	vst v6;
	v6 =	vld.idx.msk [tilespmem:v33+s4+$0x0], $0xffff  }
0x78: {  	v39 =	vor.u32 $0x280, v5;
	v7 =	vld.idx.msk [tilespmem:v26+s4+$0x0], $0xffff  }
0x79: {  	v34 =	vor.u32 $0x300, v1;
	[tilespmem:s28+$0x11240] =	vst v28;
	v11 =	vld.idx.msk [tilespmem:v31+s4+$0x0], $0xffff  }
0x7a: {  	v40 =	vshll.u32 v37, $0x3;
	v36 =	vor.u32 $0x300, v3;
	v10 =	vld.idx.msk [tilespmem:v30+s4+$0x0], $0xffff  }
0x7b: {  	v42 =	vand.u32 $0x7F, v37;
	v35 =	vor.u32 $0x300, v2;
	v63 =	vld [tilespmem:s0+$0x10450];
	[tilespmem:s28+$0x11260] =	vst v8;
	v8 =	vand.u32 $0xFFFFFC00, v40  }
0x7c: {  	[tilespmem:s28+$0x11270] =	vst v6;
	v41 =	vld.idx.msk [tilespmem:v38+s4+$0x0], $0xffff;
	v6 =	vor.u32 v42, v8  }
0x7d: {  	v46 =	vor.u32 $0x300, v4;
	v17 =	vshll.u32 v43, $0x3;
	[tilespmem:s28+$0x112B0] =	vst v7;
	v9 =	vld.idx.msk [tilespmem:v39+s4+$0x0], $0xffff  }
0x7e: {  	v48 =	vor.u32 $0x300, v5;
	v51 =	vand.u32 $0xFFFFFC00, v17;
	[tilespmem:s28+$0x112D0] =	vst v11;
	v8 =	vand.u32 $0x7F, v43;
	v7 =	vld.idx.msk [tilespmem:v34+s4+$0x0], $0xffff  }
0x7f: {  	[tilespmem:s28+$0x112C0] =	vst v10;
	v11 =	vld.idx.msk [tilespmem:v36+s4+$0x0], $0xffff;
	v8 =	vor.u32 v8, v51  }
0x80: {  	v1 =	vor.u32 $0x380, v1;
	v10 =	vld.idx.msk [tilespmem:v35+s4+$0x0], $0xffff  }
0x81: {  	v3 =	vor.u32 $0x380, v3;
	v56 =	vshll.u32 v47, $0x3;
	v49 =	vld.idx.msk [tilespmem:v6+s4+$0x0], $0xffff;
	[tilespmem:s28+$0x112E0] =	vst v41  }
0x82: {  	v44 =	vor.u32 $0x380, v2;
	v58 =	vand.u32 $0x7F, v47;
	v12 =	vand.u32 $0xFFFFFC00, v56;
	[tilespmem:s28+$0x112F0] =	vst v9;
	v53 =	vld.idx.msk [tilespmem:v46+s4+$0x0], $0xffff  }
0x83: {  	v52 =	vshll.u32 v45, $0x3;
	v9 =	vor.u32 v58, v12;
	v57 =	vld.idx.msk [tilespmem:v48+s4+$0x0], $0xffff  }
0x84: {  	v55 =	vand.u32 $0xFFFFFC00, v52;
	v54 =	vand.u32 $0x7F, v45;
	v50 =	vor.u32 $0x80, v6;
	[tilespmem:s28+$0x11330] =	vst v7;
	v61 =	vld.idx.msk [tilespmem:v8+s4+$0x0], $0xffff  }
0x85: {  	[tilespmem:s28+$0x11350] =	vst v11;
	v7 =	vor.u32 v54, v55;
	v2 =	vld.idx.msk [tilespmem:v1+s4+$0x0], $0xffff  }
0x86: {  	v4 =	vor.u32 $0x380, v4;
	[tilespmem:s28+$0x11340] =	vst v10;
	v3 =	vld.idx.msk [tilespmem:v3+s4+$0x0], $0xffff  }
0x87: {  	v21 =	vshll.u32 v59, $0x3;
	v62 =	vor.u32 $0x80, v8;
	v1 =	vld.idx.msk [tilespmem:v44+s4+$0x0], $0xffff  }
0x88: {  	v18 =	vor.u32 $0x380, v5;
	v25 =	vand.u32 $0x7F, v59;
	v26 =	vand.u32 $0xFFFFFC00, v21;
	[tilespmem:s28+$0x11400] =	vst v49;
	v20 =	vld.idx.msk [tilespmem:v9+s4+$0x0], $0xffff  }
0x89: {  	v10 =	vor.u32 v25, v26;
	v11 =	vld.idx.msk [tilespmem:v50+s4+$0x0], $0xffff  }
0x8a: {  	v22 =	vor.u32 $0x80, v9;
	v19 =	vld.idx.msk [tilespmem:v7+s4+$0x0], $0xffff;
	[tilespmem:s28+$0x11360] =	vst v53  }
0x8b: {  	v60 =	vor.u32 $0x100, v6;
	[tilespmem:s28+$0x11410] =	vst v61;
	v5 =	vld.idx.msk [tilespmem:v4+s4+$0x0], $0xffff  }
0x8c: {  	v24 =	vor.u32 $0x80, v7;
	[tilespmem:s28+$0x11370] =	vst v57;
	v15 =	vld.idx.msk [tilespmem:v62+s4+$0x0], $0xffff  }
0x8d: {  	v4 =	vld.idx.msk [tilespmem:v18+s4+$0x0], $0xffff  }
0x8e: {  	v33 =	vld.idx.msk [tilespmem:v10+s4+$0x0], $0xffff;
	[tilespmem:s28+$0x11430] =	vst v20  }
0x8f: {  	v28 =	vshll.u32 v63, $0x3;
	v29 =	vor.u32 $0x100, v8;
	[tilespmem:s28+$0x11480] =	vst v11;
	v31 =	vld.idx.msk [tilespmem:v22+s4+$0x0], $0xffff  }
0x90: {  	v17 =	vand.u32 $0x7F, v63;
	v34 =	vor.u32 $0x80, v10;
	[tilespmem:s28+$0x11420] =	vst v19;
	v11 =	vand.u32 $0xFFFFFC00, v28;
	v12 =	vld.idx.msk [tilespmem:v60+s4+$0x0], $0xffff  }
0x91: {  	v13 =	vld.idx.msk [tilespmem:v24+s4+$0x0], $0xffff;
	v11 =	vor.u32 v17, v11  }
0x92: {  	v32 =	vor.u32 $0x100, v9;
	[tilespmem:s28+$0x11490] =	vst v15;
	v24 =	vld [tilespmem:s0+$0x10460]  }
0x93: {  	v27 =	vor.u32 $0x180, v6;
	[tilespmem:s28+$0x11440] =	vst v33;
	v33 =	vld [tilespmem:s0+$0x10470]  }
0x94: {  	v30 =	vor.u32 $0x100, v7;
	v16 =	vld.idx.msk [tilespmem:v29+s4+$0x0], $0xffff  }
0x95: {  	v36 =	vor.u32 $0x180, v8;
	v15 =	vld.idx.msk [tilespmem:v34+s4+$0x0], $0xffff  }
0x96: {  	v42 =	vor.u32 $0x100, v10;
	[tilespmem:s28+$0x114B0] =	vst v31;
	v37 =	vld.idx.msk [tilespmem:v11+s4+$0x0], $0xffff  }
0x97: {  	[tilespmem:s28+$0x11500] =	vst v12;
	v12 =	vld.idx.msk [tilespmem:v32+s4+$0x0], $0xffff  }
0x98: {  	s8 =	sshrl.u32 s26, $0x4;
	v38 =	vor.u32 $0x80, v11;
	[tilespmem:s28+$0x114A0] =	vst v13;
	v14 =	vld.idx.msk [tilespmem:v27+s4+$0x0], $0xffff  }
0x99: {  	s8 =	sor.u32 $0x1, s8;
	v40 =	vor.u32 $0x180, v9;
	v17 =	vld.idx.msk [tilespmem:v30+s4+$0x0], $0xffff;
	[tilespmem:s28+$0x11510] =	vst v16  }
0x9a: {  	s9 =	sshll.u32 s8, $0x7;
	v35 =	vor.u32 $0x200, v6;
	[tilespmem:s28+$0x114C0] =	vst v15;
	v21 =	vld.idx.msk [tilespmem:v36+s4+$0x0], $0xffff  }
0x9b: {  	s29 =	sand.u32 $0x3FFFFF80, s9;
	v39 =	vor.u32 $0x180, v7;
	v16 =	vld.idx.msk [tilespmem:v42+s4+$0x0], $0xffff  }
0x9c: {  	[tilespmem:s28+$0x11450] =	vst v37;
	v37 =	vld [tilespmem:s29+$0x10010]  }
0x9d: {  	v44 =	vor.u32 $0x200, v8;
	[tilespmem:s28+$0x11530] =	vst v12;
	v45 =	vld.idx.msk [tilespmem:v38+s4+$0x0], $0xffff  }
0x9e: {  	v50 =	vor.u32 $0x180, v10;
	[tilespmem:s28+$0x11580] =	vst v14;
	v14 =	vld.idx.msk [tilespmem:v40+s4+$0x0], $0xffff  }
0x9f: {  	v47 =	vor.u32 $0x100, v11;
	[tilespmem:s28+$0x11520] =	vst v17;
	v41 =	vld.idx.msk [tilespmem:v35+s4+$0x0], $0xffff  }
0xa0: {  	v49 =	vor.u32 $0x200, v9;
	v46 =	vld.idx.msk [tilespmem:v39+s4+$0x0], $0xffff  }
0xa1: {  	v43 =	vor.u32 $0x280, v6;
	[tilespmem:s28+$0x11590] =	vst v21;
	v35 =	vld [tilespmem:s29+$0x10000]  }
0xa2: {  	v48 =	vor.u32 $0x200, v7;
	[tilespmem:s28+$0x11540] =	vst v16;
	v13 =	vld.idx.msk [tilespmem:v44+s4+$0x0], $0xffff  }
0xa3: {  	v56 =	vld.idx.msk [tilespmem:v50+s4+$0x0], $0xffff;
	[tilespmem:s28+$0x114D0] =	vst v45  }
0xa4: {  	v58 =	vor.u32 $0x200, v10;
	[tilespmem:s28+$0x115B0] =	vst v14;
	v12 =	vld.idx.msk [tilespmem:v47+s4+$0x0], $0xffff  }
0xa5: {  	v52 =	vor.u32 $0x280, v8;
	[tilespmem:s28+$0x11600] =	vst v41;
	v15 =	vld.idx.msk [tilespmem:v49+s4+$0x0], $0xffff  }
0xa6: {  	v53 =	vor.u32 $0x180, v11;
	[tilespmem:s28+$0x115A0] =	vst v46;
	v19 =	vld.idx.msk [tilespmem:v43+s4+$0x0], $0xffff  }
0xa7: {  	v55 =	vor.u32 $0x280, v9;
	v18 =	vld.idx.msk [tilespmem:v48+s4+$0x0], $0xffff  }
0xa8: {  	[tilespmem:s28+$0x115C0] =	vst v56;
	v48 =	vld [tilespmem:s29+$0x10020]  }
0xa9: {  	v54 =	vor.u32 $0x280, v7;
	[tilespmem:s28+$0x11610] =	vst v13;
	v13 =	vld.idx.msk [tilespmem:v58+s4+$0x0], $0xffff  }
0xaa: {  	v25 =	vor.u32 $0x280, v10;
	v17 =	vld.idx.msk [tilespmem:v52+s4+$0x0], $0xffff;
	[tilespmem:s28+$0x11550] =	vst v12  }
0xab: {  	v51 =	vor.u32 $0x300, v6;
	[tilespmem:s28+$0x11630] =	vst v15;
	v12 =	vld.idx.msk [tilespmem:v53+s4+$0x0], $0xffff  }
0xac: {  	v61 =	vor.u32 $0x300, v8;
	[tilespmem:s28+$0x11680] =	vst v19;
	v16 =	vld.idx.msk [tilespmem:v55+s4+$0x0], $0xffff  }
0xad: {  	v60 =	vor.u32 $0x200, v11;
	v52 =	vld [tilespmem:s29+$0x10030];
	[tilespmem:s28+$0x11620] =	vst v18  }
0xae: {  	v63 =	vor.u32 $0x300, v9;
	v59 =	vld.idx.msk [tilespmem:v54+s4+$0x0], $0xffff;
	[tilespmem:s28+$0x11640] =	vst v13  }
0xaf: {  	v62 =	vor.u32 $0x300, v7;
	v30 =	vshll.u32 v24, $0x3;
	[tilespmem:s28+$0x11690] =	vst v17;
	v31 =	vld.idx.msk [tilespmem:v25+s4+$0x0], $0xffff  }
0xb0: {  	v32 =	vand.u32 $0x7F, v24;
	v36 =	vor.u32 $0x300, v10;
	v57 =	vld.idx.msk [tilespmem:v51+s4+$0x0], $0xffff;
	v13 =	vand.u32 $0xFFFFFC00, v30;
	[tilespmem:s28+$0x115D0] =	vst v12  }
0xb1: {  	v26 =	vld.idx.msk [tilespmem:v61+s4+$0x0], $0xffff;
	[tilespmem:s28+$0x116B0] =	vst v16;
	v16 =	vor.u32 v32, v13  }
0xb2: {  	v6 =	vor.u32 $0x380, v6;
	v12 =	vld.idx.msk [tilespmem:v60+s4+$0x0], $0xffff  }
0xb3: {  	v27 =	vor.u32 $0x280, v11;
	[tilespmem:s28+$0x116A0] =	vst v59;
	v29 =	vld.idx.msk [tilespmem:v63+s4+$0x0], $0xffff  }
0xb4: {  	v8 =	vor.u32 $0x380, v8;
	v28 =	vld.idx.msk [tilespmem:v62+s4+$0x0], $0xffff;
	[tilespmem:s28+$0x116C0] =	vst v31  }
0xb5: {  	v34 =	vor.u32 $0x380, v9;
	[tilespmem:s28+$0x11700] =	vst v57;
	v15 =	vld.idx.msk [tilespmem:v36+s4+$0x0], $0xffff  }
0xb6: {  	v7 =	vor.u32 $0x380, v7;
	v39 =	vshll.u32 v33, $0x3;
	[tilespmem:s28+$0x11710] =	vst v26;
	v23 =	vld.idx.msk [tilespmem:v16+s4+$0x0], $0xffff  }
0xb7: {  	v24 =	vor.u32 $0x380, v11;
	v10 =	vor.u32 $0x380, v10;
	v41 =	vand.u32 $0xFFFFFC00, v39;
	v6 =	vld.idx.msk [tilespmem:v6+s4+$0x0], $0xffff;
	[tilespmem:s28+$0x11650] =	vst v12  }
0xb8: {  	v42 =	vshll.u32 v35, $0x3;
	v40 =	vor.u32 $0x80, v16;
	[tilespmem:s28+$0x11730] =	vst v29;
	v12 =	vand.u32 $0x7F, v33;
	v14 =	vld.idx.msk [tilespmem:v27+s4+$0x0], $0xffff  }
0xb9: {  	v43 =	vand.u32 $0x7F, v35;
	v9 =	vld.idx.msk [tilespmem:v8+s4+$0x0], $0xffff;
	[tilespmem:s28+$0x11720] =	vst v28;
	v13 =	vor.u32 v12, v41;
	v12 =	vand.u32 $0xFFFFFC00, v42  }
0xba: {  	v38 =	vor.u32 $0x300, v11;
	v57 =	vshll.u32 v52, $0x3;
	v8 =	vld.idx.msk [tilespmem:v34+s4+$0x0], $0xffff;
	v17 =	vor.u32 v43, v12;
	[tilespmem:s28+$0x11740] =	vst v15  }
0xbb: {  	v44 =	vshll.u32 v37, $0x3;
	v22 =	vand.u32 $0xFFFFFC00, v57;
	v7 =	vld.idx.msk [tilespmem:v7+s4+$0x0], $0xffff;
	[tilespmem:s28+$0x11460] =	vst v23;
	v23 =	vand.u32 $0x7F, v52  }
0xbc: {  	v46 =	vand.u32 $0x7F, v37;
	v47 =	vand.u32 $0xFFFFFC00, v44;
	v11 =	vld.idx.msk [tilespmem:v10+s4+$0x0], $0xffff;
	v15 =	vor.u32 v23, v22  }
0xbd: {  	v18 =	vld.idx.msk [tilespmem:v40+s4+$0x0], $0xffff;
	[tilespmem:s28+$0x116D0] =	vst v14;
	v14 =	vor.u32 v46, v47  }
0xbe: {  	v49 =	vor.u32 $0x100, v16;
	v50 =	vld.idx.msk [tilespmem:v13+s4+$0x0], $0xffff  }
0xbf: {  	v51 =	vor.u32 $0x80, v13;
	v25 =	vld.idx.msk [tilespmem:v17+s4+$0x0], $0xffff  }
0xc0: {  	v27 =	vshll.u32 v48, $0x3;
	v53 =	vor.u32 $0x80, v17;
	v45 =	vld.idx.msk [tilespmem:v38+s4+$0x0], $0xffff  }
0xc1: {  	v12 =	vand.u32 $0x7F, v48;
	v55 =	vand.u32 $0xFFFFFC00, v27;
	v31 =	vld.idx.msk [tilespmem:v15+s4+$0x0], $0xffff  }
0xc2: {  	s30 =	sshll.u32 s8, $0xB;
	[tilespmem:s28+$0x114E0] =	vst v18;
	v18 =	vor.u32 v12, v55;
	v26 =	vld.idx.msk [tilespmem:v14+s4+$0x0], $0xffff  }
0xc3: {  	s0 =	sand.u32 $0x3FFFF800, s30;
	v54 =	vor.u32 $0x80, v14;
	v19 =	vld.idx.msk [tilespmem:v49+s4+$0x0], $0xffff;
	[tilespmem:s28+$0x11470] =	vst v50  }
0xc4: {  	v56 =	vor.u32 $0x180, v16;
	v21 =	vld.idx.msk [tilespmem:v51+s4+$0x0], $0xffff;
	[tilespmem:s0+$0x11000] =	vst v25  }
0xc5: {  	v58 =	vor.u32 $0x100, v13;
	[tilespmem:s28+$0x11750] =	vst v45;
	v25 =	vld.idx.msk [tilespmem:v53+s4+$0x0], $0xffff  }
0xc6: {  	v59 =	vor.u32 $0x100, v17;
	v12 =	vld.idx.msk [tilespmem:v24+s4+$0x0], $0xffff  }
0xc7: {  	v61 =	vld.idx.msk [tilespmem:v18+s4+$0x0], $0xffff;
	[tilespmem:s0+$0x11010] =	vst v26  }
0xc8: {  	[tilespmem:s28+$0x11560] =	vst v19;
	v10 =	vld.idx.msk [tilespmem:v54+s4+$0x0], $0xffff  }
0xc9: {  	v62 =	vor.u32 $0x80, v18;
	v20 =	vld.idx.msk [tilespmem:v56+s4+$0x0], $0xffff;
	[tilespmem:s28+$0x114F0] =	vst v21  }
0xca: {  	v32 =	vor.u32 $0x80, v15;
	v24 =	vld.idx.msk [tilespmem:v58+s4+$0x0], $0xffff;
	[tilespmem:s0+$0x11080] =	vst v25  }
0xcb: {  	[tilespmem:s28+$0x113A0] =	vst v0;
	v60 =	vor.u32 $0x100, v14;
	v22 =	vld.idx.msk [tilespmem:v59+s4+$0x0], $0xffff  }
0xcc: {  	[tilespmem:s28+$0x113B0] =	vst v2;
	v63 =	vor.u32 $0x200, v16;
	v59 =	vld [tilespmem:s29+$0x10040]  }
0xcd: {  	[tilespmem:s0+$0x11020] =	vst v61;
	v61 =	vld [tilespmem:s29+$0x10050]  }
0xce: {  	v30 =	vor.u32 $0x180, v13;
	[tilespmem:s0+$0x11030] =	vst v31;
	v21 =	vld.idx.msk [tilespmem:v62+s4+$0x0], $0xffff  }
0xcf: {  	v33 =	vor.u32 $0x180, v17;
	[tilespmem:s0+$0x11090] =	vst v10;
	v10 =	vld.idx.msk [tilespmem:v32+s4+$0x0], $0xffff  }
0xd0: {  	[tilespmem:s28+$0x115E0] =	vst v20;
	v19 =	vld.idx.msk [tilespmem:v60+s4+$0x0], $0xffff  }
0xd1: {  	[tilespmem:s28+$0x113D0] =	vst v3;
	v35 =	vor.u32 $0x100, v18;
	v26 =	vld.idx.msk [tilespmem:v63+s4+$0x0], $0xffff  }
0xd2: {  	v38 =	vor.u32 $0x100, v15;
	[tilespmem:s28+$0x11570] =	vst v24;
	v63 =	vld [tilespmem:s29+$0x10060]  }
0xd3: {  	v27 =	vld.idx.msk [tilespmem:v30+s4+$0x0], $0xffff;
	[tilespmem:s0+$0x11100] =	vst v22  }
0xd4: {  	[tilespmem:s28+$0x113C0] =	vst v1;
	v34 =	vor.u32 $0x180, v14;
	v23 =	vld.idx.msk [tilespmem:v33+s4+$0x0], $0xffff  }
0xd5: {  	v36 =	vor.u32 $0x280, v16;
	v33 =	vld [tilespmem:s29+$0x10400];
	[tilespmem:s0+$0x110A0] =	vst v21  }
0xd6: {  	v37 =	vor.u32 $0x200, v13;
	v24 =	vld.idx.msk [tilespmem:v35+s4+$0x0], $0xffff;
	[tilespmem:s0+$0x110B0] =	vst v10  }
0xd7: {  	v39 =	vor.u32 $0x200, v17;
	[tilespmem:s0+$0x11110] =	vst v19;
	v19 =	vld.idx.msk [tilespmem:v38+s4+$0x0], $0xffff  }
0xd8: {  	[tilespmem:s28+$0x113F0] =	vst v4;
	v41 =	vor.u32 $0x180, v18;
	v38 =	vld [tilespmem:s29+$0x10410]  }
0xd9: {  	v42 =	vor.u32 $0x300, v16;
	v52 =	vor.u32 $0x300, v17;
	v44 =	vor.u32 $0x180, v15;
	[tilespmem:s28+$0x11660] =	vst v26;
	v20 =	vld.idx.msk [tilespmem:v34+s4+$0x0], $0xffff  }
0xda: {  	v40 =	vor.u32 $0x200, v14;
	v45 =	vor.u32 $0x280, v17;
	v32 =	vshll.u32 v63, $0x3;
	v25 =	vld.idx.msk [tilespmem:v36+s4+$0x0], $0xffff;
	[tilespmem:s28+$0x115F0] =	vst v27  }
0xdb: {  	v60 =	vor.u32 $0x380, v17;
	v34 =	vand.u32 $0x7F, v63;
	v17 =	vand.u32 $0xFFFFFC00, v32;
	v22 =	vld.idx.msk [tilespmem:v37+s4+$0x0], $0xffff;
	[tilespmem:s0+$0x11180] =	vst v23  }
0xdc: {  	v4 =	vor.u32 v34, v17;
	v21 =	vld.idx.msk [tilespmem:v39+s4+$0x0], $0xffff;
	[tilespmem:s0+$0x11120] =	vst v24  }
0xdd: {  	v43 =	vor.u32 $0x280, v13;
	v27 =	vld.idx.msk [tilespmem:v41+s4+$0x0], $0xffff;
	[tilespmem:s0+$0x11130] =	vst v19  }
0xde: {  	[tilespmem:s0+$0x11190] =	vst v20;
	v20 =	vld.idx.msk [tilespmem:v44+s4+$0x0], $0xffff  }
0xdf: {  	v47 =	vor.u32 $0x200, v18;
	[tilespmem:s28+$0x116E0] =	vst v25;
	v26 =	vld.idx.msk [tilespmem:v40+s4+$0x0], $0xffff  }
0xe0: {  	[tilespmem:s28+$0x11790] =	vst v9;
	v51 =	vor.u32 $0x200, v15;
	v10 =	vld.idx.msk [tilespmem:v42+s4+$0x0], $0xffff  }
0xe1: {  	[tilespmem:s28+$0x11670] =	vst v22;
	v44 =	vld.idx.msk [tilespmem:v4+s4+$0x0], $0xffff  }
0xe2: {  	v16 =	vor.u32 $0x380, v16;
	v46 =	vor.u32 $0x280, v14;
	v49 =	vor.u32 $0x300, v13;
	v48 =	vld.idx.msk [tilespmem:v43+s4+$0x0], $0xffff;
	[tilespmem:s0+$0x11200] =	vst v21  }
0xe3: {  	v31 =	vor.u32 $0x380, v18;
	v54 =	vor.u32 $0x280, v18;
	v42 =	vshll.u32 v33, $0x3;
	v50 =	vld.idx.msk [tilespmem:v45+s4+$0x0], $0xffff;
	[tilespmem:s0+$0x111A0] =	vst v27  }
0xe4: {  	v62 =	vor.u32 $0x300, v18;
	v18 =	vand.u32 $0x7F, v33;
	v9 =	vand.u32 $0xFFFFFC00, v42;
	v22 =	vld.idx.msk [tilespmem:v47+s4+$0x0], $0xffff;
	[tilespmem:s0+$0x111B0] =	vst v20  }
0xe5: {  	[tilespmem:s28+$0x117B0] =	vst v8;
	v9 =	vor.u32 v18, v9;
	v47 =	vshll.u32 v38, $0x3;
	v20 =	vld.idx.msk [tilespmem:v51+s4+$0x0], $0xffff  }
0xe6: {  	v45 =	vor.u32 $0x80, v4;
	[tilespmem:s0+$0x11210] =	vst v26;
	v8 =	vand.u32 $0xFFFFFC00, v47;
	v47 =	vld [tilespmem:s29+$0x10420]  }
0xe7: {  	v27 =	vshll.u32 v59, $0x3;
	[tilespmem:s28+$0x11760] =	vst v10;
	v25 =	vld.idx.msk [tilespmem:v46+s4+$0x0], $0xffff  }
0xe8: {  	v2 =	vand.u32 $0x7F, v59;
	v28 =	vshll.u32 v61, $0x3;
	v3 =	vand.u32 $0xFFFFFC00, v27;
	v10 =	vld.idx.msk [tilespmem:v16+s4+$0x0], $0xffff;
	[tilespmem:s28+$0x116F0] =	vst v48  }
0xe9: {  	[tilespmem:s28+$0x113E0] =	vst v5;
	v29 =	vand.u32 $0x7F, v61;
	v30 =	vand.u32 $0xFFFFFC00, v28;
	v2 =	vor.u32 v2, v3;
	v19 =	vld.idx.msk [tilespmem:v49+s4+$0x0], $0xffff  }
0xea: {  	v3 =	vor.u32 v29, v30;
	[tilespmem:s0+$0x11060] =	vst v44;
	v51 =	vld.idx.msk [tilespmem:v9+s4+$0x0], $0xffff  }
0xeb: {  	v56 =	vor.u32 $0x280, v15;
	[tilespmem:s0+$0x11280] =	vst v50;
	v18 =	vld.idx.msk [tilespmem:v45+s4+$0x0], $0xffff  }
0xec: {  	v55 =	vld.idx.msk [tilespmem:v52+s4+$0x0], $0xffff;
	[tilespmem:s0+$0x11220] =	vst v22  }
0xed: {  	[tilespmem:s28+$0x11780] =	vst v6;
	v53 =	vor.u32 $0x300, v14;
	v16 =	vld.idx.msk [tilespmem:v54+s4+$0x0], $0xffff  }
0xee: {  	[tilespmem:s28+$0x117A0] =	vst v7;
	v58 =	vor.u32 $0x380, v13;
	v39 =	vld.idx.msk [tilespmem:v2+s4+$0x0], $0xffff  }
0xef: {  	v52 =	vor.u32 $0x80, v9;
	[tilespmem:s0+$0x11230] =	vst v20;
	v41 =	vld.idx.msk [tilespmem:v3+s4+$0x0], $0xffff  }
0xf0: {  	[tilespmem:s28+$0x117D0] =	vst v12;
	v23 =	vld.idx.msk [tilespmem:v56+s4+$0x0], $0xffff  }
0xf1: {  	[tilespmem:s0+$0x11290] =	vst v25;
	v25 =	vld [tilespmem:s29+$0x10070]  }
0xf2: {  	v43 =	vor.u32 $0x80, v3;
	v57 =	vld.idx.msk [tilespmem:v53+s4+$0x0], $0xffff;
	[tilespmem:s28+$0x11770] =	vst v19  }
0xf3: {  	v26 =	vor.u32 $0x300, v15;
	[tilespmem:s0+$0x11400] =	vst v51;
	v1 =	vld.idx.msk [tilespmem:v58+s4+$0x0], $0xffff  }
0xf4: {  	v53 =	vor.u32 $0x100, v4;
	[tilespmem:s0+$0x11300] =	vst v55;
	v20 =	vld.idx.msk [tilespmem:v52+s4+$0x0], $0xffff  }
0xf5: {  	v14 =	vor.u32 $0x380, v14;
	v0 =	vld.idx.msk [tilespmem:v60+s4+$0x0], $0xffff;
	[tilespmem:s0+$0x112A0] =	vst v16  }
0xf6: {  	v40 =	vor.u32 $0x80, v2;
	[tilespmem:s0+$0x11050] =	vst v41;
	v16 =	vld.idx.msk [tilespmem:v62+s4+$0x0], $0xffff  }
0xf7: {  	[tilespmem:s0+$0x112B0] =	vst v23;
	v13 =	vld.idx.msk [tilespmem:v43+s4+$0x0], $0xffff  }
0xf8: {  	v50 =	vor.u32 $0x100, v3;
	[tilespmem:s0+$0x110E0] =	vst v18;
	v35 =	vshll.u32 v25, $0x3;
	v21 =	vld.idx.msk [tilespmem:v26+s4+$0x0], $0xffff  }
0xf9: {  	v36 =	vand.u32 $0x7F, v25;
	[tilespmem:s0+$0x11310] =	vst v57;
	v37 =	vand.u32 $0xFFFFFC00, v35;
	v12 =	vld.idx.msk [tilespmem:v53+s4+$0x0], $0xffff  }
0xfa: {  	[tilespmem:s0+$0x11040] =	vst v39;
	v5 =	vld.idx.msk [tilespmem:v14+s4+$0x0], $0xffff;
	v6 =	vor.u32 v36, v37  }
0xfb: {  	v15 =	vor.u32 $0x380, v15;
	[tilespmem:s0+$0x11320] =	vst v16;
	v16 =	vld.idx.msk [tilespmem:v40+s4+$0x0], $0xffff  }
0xfc: {  	v60 =	vor.u32 $0x180, v4;
	v14 =	vand.u32 $0x7F, v38;
	[tilespmem:s0+$0x110D0] =	vst v13;
	v7 =	vld.idx.msk [tilespmem:v31+s4+$0x0], $0xffff  }
0xfd: {  	[tilespmem:s28+$0x117C0] =	vst v11;
	v8 =	vor.u32 v14, v8;
	v14 =	vld.idx.msk [tilespmem:v50+s4+$0x0], $0xffff  }
0xfe: {  	v49 =	vor.u32 $0x100, v2;
	[tilespmem:s28+$0x117E0] =	vst v10;
	v50 =	vld [tilespmem:s29+$0x10450]  }
0xff: {  	[tilespmem:s0+$0x11330] =	vst v21;
	v46 =	vld.idx.msk [tilespmem:v6+s4+$0x0], $0xffff  }
0x100: {  	v58 =	vor.u32 $0x180, v3;
	[tilespmem:s0+$0x11160] =	vst v12;
	v15 =	vld.idx.msk [tilespmem:v15+s4+$0x0], $0xffff  }
0x101: {  	[tilespmem:s0+$0x11480] =	vst v20;
	v48 =	vor.u32 $0x80, v6;
	v21 =	vld.idx.msk [tilespmem:v60+s4+$0x0], $0xffff  }
0x102: {  	v55 =	vld.idx.msk [tilespmem:v8+s4+$0x0], $0xffff;
	[tilespmem:s0+$0x110C0] =	vst v16  }
0x103: {  	[tilespmem:s28+$0x117F0] =	vst v1;
	v56 =	vor.u32 $0x80, v8;
	v11 =	vld.idx.msk [tilespmem:v49+s4+$0x0], $0xffff  }
0x104: {  	[tilespmem:s0+$0x11150] =	vst v14;
	v49 =	vld [tilespmem:s29+$0x10440]  }
0x105: {  	v57 =	vor.u32 $0x180, v2;
	[tilespmem:s0+$0x11070] =	vst v46;
	v18 =	vld.idx.msk [tilespmem:v58+s4+$0x0], $0xffff  }
0x106: {  	v59 =	vor.u32 $0x100, v9;
	[tilespmem:s0+$0x11380] =	vst v0;
	v17 =	vld.idx.msk [tilespmem:v48+s4+$0x0], $0xffff  }
0x107: {  	v24 =	vor.u32 $0x200, v3;
	[tilespmem:s0+$0x11410] =	vst v55;
	v48 =	vld [tilespmem:s29+$0x10430]  }
0x108: {  	v54 =	vor.u32 $0x100, v6;
	[tilespmem:s0+$0x11390] =	vst v5;
	v13 =	vld.idx.msk [tilespmem:v56+s4+$0x0], $0xffff  }
0x109: {  	v56 =	vld [tilespmem:s29+$0x10460];
	[tilespmem:s0+$0x11140] =	vst v11  }
0x10a: {  	v26 =	vor.u32 $0x200, v4;
	v19 =	vld.idx.msk [tilespmem:v57+s4+$0x0], $0xffff;
	[tilespmem:s0+$0x111D0] =	vst v18  }
0x10b: {  	v62 =	vor.u32 $0x100, v8;
	[tilespmem:s0+$0x110F0] =	vst v17;
	v17 =	vld.idx.msk [tilespmem:v59+s4+$0x0], $0xffff  }
0x10c: {  	v63 =	vor.u32 $0x200, v2;
	[tilespmem:s0+$0x113A0] =	vst v7;
	v12 =	vld.idx.msk [tilespmem:v24+s4+$0x0], $0xffff  }
0x10d: {  	v25 =	vor.u32 $0x180, v9;
	[tilespmem:s0+$0x111E0] =	vst v21;
	v16 =	vld.idx.msk [tilespmem:v54+s4+$0x0], $0xffff  }
0x10e: {  	v30 =	vor.u32 $0x280, v3;
	v57 =	vld [tilespmem:s29+$0x10470];
	[tilespmem:s0+$0x11490] =	vst v13  }
0x10f: {  	v61 =	vor.u32 $0x180, v6;
	v13 =	vld.idx.msk [tilespmem:v26+s4+$0x0], $0xffff;
	[tilespmem:s0+$0x111C0] =	vst v19  }
0x110: {  	v32 =	vor.u32 $0x280, v4;
	v14 =	vld.idx.msk [tilespmem:v62+s4+$0x0], $0xffff;
	v62 =	vshll.u32 v50, $0x3;
	[tilespmem:s0+$0x11500] =	vst v17  }
0x111: {  	v28 =	vor.u32 $0x180, v8;
	v10 =	vand.u32 $0x7F, v50;
	v5 =	vand.u32 $0xFFFFFC00, v62;
	v20 =	vld.idx.msk [tilespmem:v63+s4+$0x0], $0xffff;
	[tilespmem:s0+$0x11250] =	vst v12  }
0x112: {  	v63 =	vor.u32 v10, v5;
	[tilespmem:s0+$0x11170] =	vst v16;
	v16 =	vld.idx.msk [tilespmem:v25+s4+$0x0], $0xffff  }
0x113: {  	v29 =	vor.u32 $0x280, v2;
	[tilespmem:s0+$0x113B0] =	vst v15;
	v21 =	vld.idx.msk [tilespmem:v30+s4+$0x0], $0xffff  }
0x114: {  	v31 =	vor.u32 $0x200, v9;
	[tilespmem:s0+$0x11260] =	vst v13;
	v11 =	vld.idx.msk [tilespmem:v61+s4+$0x0], $0xffff  }
0x115: {  	v36 =	vor.u32 $0x300, v3;
	[tilespmem:s0+$0x11510] =	vst v14;
	v14 =	vld.idx.msk [tilespmem:v32+s4+$0x0], $0xffff  }
0x116: {  	v27 =	vor.u32 $0x200, v6;
	v18 =	vld.idx.msk [tilespmem:v28+s4+$0x0], $0xffff;
	[tilespmem:s0+$0x11240] =	vst v20  }
0x117: {  	v38 =	vor.u32 $0x300, v4;
	v24 =	vld.idx.msk [tilespmem:v63+s4+$0x0], $0xffff;
	[tilespmem:s0+$0x11580] =	vst v16  }
0x118: {  	v34 =	vor.u32 $0x200, v8;
	v17 =	vld.idx.msk [tilespmem:v29+s4+$0x0], $0xffff;
	[tilespmem:s0+$0x112D0] =	vst v21  }
0x119: {  	v35 =	vor.u32 $0x300, v2;
	v53 =	vand.u32 $0x7F, v47;
	[tilespmem:s0+$0x111F0] =	vst v11;
	v11 =	vld.idx.msk [tilespmem:v31+s4+$0x0], $0xffff  }
0x11a: {  	v37 =	vor.u32 $0x280, v9;
	v3 =	vor.u32 $0x380, v3;
	v4 =	vor.u32 $0x380, v4;
	v41 =	vld.idx.msk [tilespmem:v36+s4+$0x0], $0xffff;
	[tilespmem:s0+$0x112E0] =	vst v14  }
0x11b: {  	v33 =	vor.u32 $0x280, v6;
	v55 =	vshll.u32 v48, $0x3;
	v54 =	vshll.u32 v47, $0x3;
	v19 =	vld.idx.msk [tilespmem:v27+s4+$0x0], $0xffff;
	[tilespmem:s0+$0x11590] =	vst v18  }
0x11c: {  	v15 =	vand.u32 $0xFFFFFC00, v55;
	v1 =	vand.u32 $0xFFFFFC00, v54;
	v13 =	vand.u32 $0x7F, v48;
	v14 =	vld.idx.msk [tilespmem:v38+s4+$0x0], $0xffff;
	[tilespmem:s0+$0x11450] =	vst v24  }
0x11d: {  	v0 =	vor.u32 v53, v1;
	v1 =	vor.u32 v13, v15;
	v15 =	vshll.u32 v57, $0x3;
	v12 =	vld.idx.msk [tilespmem:v34+s4+$0x0], $0xffff;
	[tilespmem:s0+$0x112C0] =	vst v17  }
0x11e: {  	v40 =	vor.u32 $0x280, v8;
	v10 =	vand.u32 $0xFFFFFC00, v15;
	v17 =	vand.u32 $0x7F, v57;
	v16 =	vld.idx.msk [tilespmem:v35+s4+$0x0], $0xffff;
	[tilespmem:s0+$0x11600] =	vst v11  }
0x11f: {  	v51 =	vor.u32 $0x380, v9;
	v43 =	vor.u32 $0x300, v9;
	[tilespmem:s0+$0x11350] =	vst v41;
	v9 =	vor.u32 v17, v10;
	v42 =	vld.idx.msk [tilespmem:v37+s4+$0x0], $0xffff  }
0x120: {  	v2 =	vor.u32 $0x380, v2;
	[tilespmem:s0+$0x11270] =	vst v19;
	v59 =	vld.idx.msk [tilespmem:v3+s4+$0x0], $0xffff  }
0x121: {  	[tilespmem:s0+$0x11360] =	vst v14;
	v20 =	vld.idx.msk [tilespmem:v33+s4+$0x0], $0xffff  }
0x122: {  	[tilespmem:s0+$0x11610] =	vst v12;
	v4 =	vld.idx.msk [tilespmem:v4+s4+$0x0], $0xffff  }
0x123: {  	v39 =	vor.u32 $0x300, v6;
	v12 =	vshll.u32 v56, $0x3;
	v45 =	vld.idx.msk [tilespmem:v40+s4+$0x0], $0xffff;
	[tilespmem:s0+$0x11340] =	vst v16  }
0x124: {  	v46 =	vor.u32 $0x300, v8;
	v14 =	vand.u32 $0x7F, v56;
	v5 =	vand.u32 $0xFFFFFC00, v12;
	v28 =	vld.idx.msk [tilespmem:v9+s4+$0x0], $0xffff;
	[tilespmem:s0+$0x11680] =	vst v42  }
0x125: {  	v61 =	vshll.u32 v49, $0x3;
	v5 =	vor.u32 v14, v5;
	v58 =	vld.idx.msk [tilespmem:v2+s4+$0x0], $0xffff;
	[tilespmem:s0+$0x113D0] =	vst v59  }
0x126: {  	v60 =	vand.u32 $0x7F, v49;
	v3 =	vand.u32 $0xFFFFFC00, v61;
	[tilespmem:s0+$0x112F0] =	vst v20;
	v18 =	vld.idx.msk [tilespmem:v43+s4+$0x0], $0xffff  }
0x127: {  	v3 =	vor.u32 v60, v3;
	[tilespmem:s0+$0x113E0] =	vst v4;
	v20 =	vld.idx.msk [tilespmem:v1+s4+$0x0], $0xffff  }
0x128: {  	v44 =	vld.idx.msk [tilespmem:v39+s4+$0x0], $0xffff;
	[tilespmem:s0+$0x11690] =	vst v45  }
0x129: {  	v6 =	vor.u32 $0x380, v6;
	v52 =	vld.idx.msk [tilespmem:v46+s4+$0x0], $0xffff;
	[tilespmem:s0+$0x11470] =	vst v28  }
0x12a: {  	v8 =	vor.u32 $0x380, v8;
	v26 =	vld.idx.msk [tilespmem:v5+s4+$0x0], $0xffff;
	[tilespmem:s0+$0x113C0] =	vst v58  }
0x12b: {  	v27 =	vor.u32 $0x80, v5;
	[tilespmem:s0+$0x11700] =	vst v18;
	v18 =	vld.idx.msk [tilespmem:v0+s4+$0x0], $0xffff  }
0x12c: {  	v19 =	vor.u32 $0x80, v0;
	v22 =	vld.idx.msk [tilespmem:v3+s4+$0x0], $0xffff;
	[tilespmem:s0+$0x11430] =	vst v20  }
0x12d: {  	v23 =	vor.u32 $0x80, v3;
	[tilespmem:s0+$0x11370] =	vst v44;
	v7 =	vld.idx.msk [tilespmem:v51+s4+$0x0], $0xffff  }
0x12e: {  	v29 =	vor.u32 $0x80, v9;
	v6 =	vld.idx.msk [tilespmem:v6+s4+$0x0], $0xffff;
	[tilespmem:s0+$0x11710] =	vst v52  }
0x12f: {  	v21 =	vor.u32 $0x80, v1;
	[tilespmem:s0+$0x11460] =	vst v26;
	v8 =	vld.idx.msk [tilespmem:v8+s4+$0x0], $0xffff  }
0x130: {  	v25 =	vor.u32 $0x80, v63;
	v11 =	vld.idx.msk [tilespmem:v27+s4+$0x0], $0xffff;
	[tilespmem:s0+$0x11420] =	vst v18  }
0x131: {  	v34 =	vor.u32 $0x100, v5;
	[tilespmem:s0+$0x11440] =	vst v22;
	v4 =	vld.idx.msk [tilespmem:v19+s4+$0x0], $0xffff  }
0x132: {  	v30 =	vor.u32 $0x100, v0;
	[tilespmem:s0+$0x11780] =	vst v7;
	v7 =	vld.idx.msk [tilespmem:v23+s4+$0x0], $0xffff  }
0x133: {  	v32 =	vor.u32 $0x100, v3;
	v10 =	vld.idx.msk [tilespmem:v29+s4+$0x0], $0xffff;
	[tilespmem:s0+$0x113F0] =	vst v6  }
0x134: {  	v35 =	vor.u32 $0x100, v9;
	v6 =	vld.idx.msk [tilespmem:v21+s4+$0x0], $0xffff;
	[tilespmem:s0+$0x11790] =	vst v8  }
0x135: {  	v31 =	vor.u32 $0x100, v1;
	v8 =	vld.idx.msk [tilespmem:v25+s4+$0x0], $0xffff;
	[tilespmem:s0+$0x114E0] =	vst v11  }
0x136: {  	v33 =	vor.u32 $0x100, v63;
	[tilespmem:s0+$0x114A0] =	vst v4;
	v4 =	vld.idx.msk [tilespmem:v34+s4+$0x0], $0xffff  }
0x137: {  	v40 =	vor.u32 $0x180, v5;
	[tilespmem:s0+$0x114C0] =	vst v7;
	v12 =	vld.idx.msk [tilespmem:v30+s4+$0x0], $0xffff  }
0x138: {  	v36 =	vor.u32 $0x180, v0;
	[tilespmem:s0+$0x114F0] =	vst v10;
	v14 =	vld.idx.msk [tilespmem:v32+s4+$0x0], $0xffff  }
0x139: {  	v38 =	vor.u32 $0x180, v3;
	[tilespmem:s0+$0x114B0] =	vst v6;
	v6 =	vld.idx.msk [tilespmem:v35+s4+$0x0], $0xffff  }
0x13a: {  	v41 =	vor.u32 $0x180, v9;
	v13 =	vld.idx.msk [tilespmem:v31+s4+$0x0], $0xffff;
	[tilespmem:s0+$0x114D0] =	vst v8  }
0x13b: {  	v37 =	vor.u32 $0x180, v1;
	v15 =	vld.idx.msk [tilespmem:v33+s4+$0x0], $0xffff;
	[tilespmem:s0+$0x11560] =	vst v4  }
0x13c: {  	v39 =	vor.u32 $0x180, v63;
	[tilespmem:s0+$0x11520] =	vst v12;
	v12 =	vld.idx.msk [tilespmem:v40+s4+$0x0], $0xffff  }
0x13d: {  	v46 =	vor.u32 $0x200, v5;
	[tilespmem:s0+$0x11540] =	vst v14;
	v7 =	vld.idx.msk [tilespmem:v36+s4+$0x0], $0xffff  }
0x13e: {  	v42 =	vor.u32 $0x200, v0;
	[tilespmem:s0+$0x11570] =	vst v6;
	v11 =	vld.idx.msk [tilespmem:v38+s4+$0x0], $0xffff  }
0x13f: {  	v44 =	vor.u32 $0x200, v3;
	[tilespmem:s0+$0x11530] =	vst v13;
	v13 =	vld.idx.msk [tilespmem:v41+s4+$0x0], $0xffff  }
0x140: {  	v47 =	vor.u32 $0x200, v9;
	v8 =	vld.idx.msk [tilespmem:v37+s4+$0x0], $0xffff;
	[tilespmem:s0+$0x11550] =	vst v15  }
0x141: {  	v43 =	vor.u32 $0x200, v1;
	v10 =	vld.idx.msk [tilespmem:v39+s4+$0x0], $0xffff;
	[tilespmem:s0+$0x115E0] =	vst v12  }
0x142: {  	v45 =	vor.u32 $0x200, v63;
	[tilespmem:s0+$0x115A0] =	vst v7;
	v7 =	vld.idx.msk [tilespmem:v46+s4+$0x0], $0xffff  }
0x143: {  	v52 =	vor.u32 $0x280, v5;
	[tilespmem:s0+$0x115C0] =	vst v11;
	v14 =	vld.idx.msk [tilespmem:v42+s4+$0x0], $0xffff  }
0x144: {  	v48 =	vor.u32 $0x280, v0;
	[tilespmem:s0+$0x115F0] =	vst v13;
	v4 =	vld.idx.msk [tilespmem:v44+s4+$0x0], $0xffff  }
0x145: {  	v50 =	vor.u32 $0x280, v3;
	[tilespmem:s0+$0x115B0] =	vst v8;
	v8 =	vld.idx.msk [tilespmem:v47+s4+$0x0], $0xffff  }
0x146: {  	v53 =	vor.u32 $0x280, v9;
	v15 =	vld.idx.msk [tilespmem:v43+s4+$0x0], $0xffff;
	[tilespmem:s0+$0x115D0] =	vst v10  }
0x147: {  	v49 =	vor.u32 $0x280, v1;
	v6 =	vld.idx.msk [tilespmem:v45+s4+$0x0], $0xffff;
	[tilespmem:s0+$0x11660] =	vst v7  }
0x148: {  	v51 =	vor.u32 $0x280, v63;
	[tilespmem:s0+$0x11620] =	vst v14;
	v14 =	vld.idx.msk [tilespmem:v52+s4+$0x0], $0xffff  }
0x149: {  	v58 =	vor.u32 $0x300, v5;
	[tilespmem:s0+$0x11640] =	vst v4;
	v11 =	vld.idx.msk [tilespmem:v48+s4+$0x0], $0xffff  }
0x14a: {  	v54 =	vor.u32 $0x300, v0;
	[tilespmem:s0+$0x11670] =	vst v8;
	v12 =	vld.idx.msk [tilespmem:v50+s4+$0x0], $0xffff  }
0x14b: {  	v56 =	vor.u32 $0x300, v3;
	[tilespmem:s0+$0x11630] =	vst v15;
	v15 =	vld.idx.msk [tilespmem:v53+s4+$0x0], $0xffff  }
0x14c: {  	v59 =	vor.u32 $0x300, v9;
	v10 =	vld.idx.msk [tilespmem:v49+s4+$0x0], $0xffff;
	[tilespmem:s0+$0x11650] =	vst v6  }
0x14d: {  	v55 =	vor.u32 $0x300, v1;
	v13 =	vld.idx.msk [tilespmem:v51+s4+$0x0], $0xffff;
	[tilespmem:s0+$0x116E0] =	vst v14  }
0x14e: {  	v57 =	vor.u32 $0x300, v63;
	[tilespmem:s0+$0x116A0] =	vst v11;
	v11 =	vld.idx.msk [tilespmem:v58+s4+$0x0], $0xffff  }
0x14f: {  	v60 =	vor.u32 $0x380, v5;
	[tilespmem:s0+$0x116C0] =	vst v12;
	v4 =	vld.idx.msk [tilespmem:v54+s4+$0x0], $0xffff  }
0x150: {  	v0 =	vor.u32 $0x380, v0;
	[tilespmem:s0+$0x116F0] =	vst v15;
	v7 =	vld.idx.msk [tilespmem:v56+s4+$0x0], $0xffff  }
0x151: {  	v3 =	vor.u32 $0x380, v3;
	[tilespmem:s0+$0x116B0] =	vst v10;
	v61 =	vld.idx.msk [tilespmem:v59+s4+$0x0], $0xffff  }
0x152: {  	v62 =	vor.u32 $0x380, v9;
	v6 =	vld.idx.msk [tilespmem:v55+s4+$0x0], $0xffff;
	[tilespmem:s0+$0x116D0] =	vst v13  }
0x153: {  	v1 =	vor.u32 $0x380, v1;
	v8 =	vld.idx.msk [tilespmem:v57+s4+$0x0], $0xffff;
	[tilespmem:s0+$0x11760] =	vst v11  }
0x154: {  	v2 =	vor.u32 $0x380, v63;
	[tilespmem:s0+$0x11720] =	vst v4;
	v4 =	vld.idx.msk [tilespmem:v60+s4+$0x0], $0xffff  }
0x155: {  	[tilespmem:s0+$0x11740] =	vst v7;
	v0 =	vld.idx.msk [tilespmem:v0+s4+$0x0], $0xffff  }
0x156: {  	[tilespmem:s0+$0x11770] =	vst v61;
	v3 =	vld.idx.msk [tilespmem:v3+s4+$0x0], $0xffff  }
0x157: {  	[tilespmem:s0+$0x11730] =	vst v6;
	v63 =	vld.idx.msk [tilespmem:v62+s4+$0x0], $0xffff  }
0x158: {  	v1 =	vld.idx.msk [tilespmem:v1+s4+$0x0], $0xffff;
	[tilespmem:s0+$0x11750] =	vst v8  }
0x159: {  	p0 =	slt.u32 s26, $0x60;
	v2 =	vld.idx.msk [tilespmem:v2+s4+$0x0], $0xffff;
	[tilespmem:s0+$0x117E0] =	vst v4  }
.Ltmp0:
0x15a: {  	[tilespmem:s0+$0x117A0] =	vst v0;
	(pc) =	sbr.rel @p0 .LBB2_2-.Ltmp0, $4  }
0x15b: {  	[tilespmem:s0+$0x117C0] =	vst v3  }
0x15c: {  	[tilespmem:s0+$0x117F0] =	vst v63  }
0x15d: {  	s31 =	sadd.s32 $0x20, s26;
	[tilespmem:s0+$0x117B0] =	vst v1  }
0x15e: {  	s26 =	smov.u32 s31;
	[tilespmem:s0+$0x117D0] =	vst v2  }
0x15f: {  	[hbm4b:s10+s19] =	stream.strided.scatter [tilespmem:s20], [sflag:$0x3], $0x4000, s15, s19, $0x38;
	[tilespmem:$0x19000] =	vst v63  }
0x160: {  	s26 =	simm.s32 $0x0  }
0x161: {  	[tilespmem:s15], [sflag:$0x1] =	stream.linear.gather [hbm4b:s11+s26], $0x800, $0x38;
	[tilespmem:$0x19000] =	vst v63  }
0x162: {  	_ =	swait.ge [sflag:s21], $0x800  }
0x163: {  	[sflag:s21] =	ssyncset.done $0x0  }
0x164: {  	[sflag:s21] =	ssyncadd.s32 $0xFFFFF800  }
.LBB2_4:
0x165: {  	s0 =	sshll.u32 s26, $0x3  }
0x166: {  	s0 =	sand.u32 $0x3FFFFFF8, s0  }
0x167: {  	v0 =	vld [tilespmem:s0+$0x10800]  }
0x168: {  	v1 =	vld [tilespmem:s0+$0x10810];
	_ =	sdelay $0x3  }
0x169: {  	v2 =	vshll.u32 v0, $0x3  }
0x16a: {  	v0 =	vand.u32 $0x7F, v0;
	v3 =	vshll.u32 v1, $0x3;
	v2 =	vand.u32 $0xFFFFFC00, v2  }
0x16b: {  	v20 =	vand.u32 $0x7F, v1;
	v21 =	vand.u32 $0xFFFFFC00, v3;
	v2 =	vor.u32 v0, v2  }
0x16c: {  	v1 =	vor.u32 v20, v21;
	_ =	sdelay $0x3  }
0x16d: {  	v22 =	vld.idx.msk [tilespmem:v2+s4+$0x0], $0xffff  }
0x16e: {  	v23 =	vor.u32 $0x80, v2;
	v4 =	vld.idx.msk [tilespmem:v1+s4+$0x0], $0xffff  }
0x16f: {  	v5 =	vor.u32 $0x80, v1  }
0x170: {  	s1 =	sshll.u32 s26, $0x7  }
0x171: {  	s28 =	sand.u32 $0x3FFFFF80, s1  }
0x172: {  	[tilespmem:s28+$0x15000] =	vst v22  }
0x173: {  	[tilespmem:s28+$0x15010] =	vst v4;
	v0 =	vld.idx.msk [tilespmem:v23+s4+$0x0], $0xffff  }
0x174: {  	v24 =	vor.u32 $0x100, v2;
	v4 =	vld.idx.msk [tilespmem:v5+s4+$0x0], $0xffff  }
0x175: {  	v6 =	vld [tilespmem:s0+$0x10820];
	v25 =	vor.u32 $0x100, v1;
	_ =	sdelay $0x2  }
0x176: {  	[tilespmem:s28+$0x15080] =	vst v0  }
0x177: {  	[tilespmem:s28+$0x15090] =	vst v4;
	v3 =	vld.idx.msk [tilespmem:v24+s4+$0x0], $0xffff  }
0x178: {  	v27 =	vshll.u32 v6, $0x3;
	v26 =	vor.u32 $0x180, v2;
	v5 =	vld.idx.msk [tilespmem:v25+s4+$0x0], $0xffff  }
0x179: {  	v6 =	vand.u32 $0x7F, v6;
	v7 =	vor.u32 $0x180, v1;
	v0 =	vand.u32 $0xFFFFFC00, v27  }
0x17a: {  	v0 =	vor.u32 v6, v0;
	_ =	sdelay $0x1  }
0x17b: {  	[tilespmem:s28+$0x15100] =	vst v3  }
0x17c: {  	[tilespmem:s28+$0x15110] =	vst v5;
	v3 =	vld.idx.msk [tilespmem:v26+s4+$0x0], $0xffff  }
0x17d: {  	v28 =	vor.u32 $0x200, v2;
	v5 =	vld.idx.msk [tilespmem:v7+s4+$0x0], $0xffff  }
0x17e: {  	v29 =	vor.u32 $0x200, v1;
	v30 =	vld.idx.msk [tilespmem:v0+s4+$0x0], $0xffff  }
0x17f: {  	v8 =	vor.u32 $0x80, v0;
	_ =	sdelay $0x1  }
0x180: {  	[tilespmem:s28+$0x15180] =	vst v3  }
0x181: {  	[tilespmem:s28+$0x15190] =	vst v5;
	v3 =	vld.idx.msk [tilespmem:v28+s4+$0x0], $0xffff  }
0x182: {  	v31 =	vor.u32 $0x280, v2;
	[tilespmem:s28+$0x15020] =	vst v30;
	v5 =	vld.idx.msk [tilespmem:v29+s4+$0x0], $0xffff  }
0x183: {  	v32 =	vor.u32 $0x280, v1;
	v7 =	vld.idx.msk [tilespmem:v8+s4+$0x0], $0xffff  }
0x184: {  	v33 =	vor.u32 $0x100, v0;
	_ =	sdelay $0x1  }
0x185: {  	[tilespmem:s28+$0x15200] =	vst v3  }
0x186: {  	[tilespmem:s28+$0x15210] =	vst v5;
	v3 =	vld.idx.msk [tilespmem:v31+s4+$0x0], $0xffff  }
0x187: {  	v34 =	vor.u32 $0x300, v2;
	[tilespmem:s28+$0x150A0] =	vst v7;
	v5 =	vld.idx.msk [tilespmem:v32+s4+$0x0], $0xffff  }
0x188: {  	v35 =	vor.u32 $0x300, v1;
	v7 =	vld.idx.msk [tilespmem:v33+s4+$0x0], $0xffff  }
0x189: {  	v36 =	vor.u32 $0x180, v0;
	_ =	sdelay $0x1  }
0x18a: {  	[tilespmem:s28+$0x15280] =	vst v3  }
0x18b: {  	[tilespmem:s28+$0x15290] =	vst v5;
	v3 =	vld.idx.msk [tilespmem:v34+s4+$0x0], $0xffff  }
0x18c: {  	v2 =	vor.u32 $0x380, v2;
	[tilespmem:s28+$0x15120] =	vst v7;
	v37 =	vld.idx.msk [tilespmem:v35+s4+$0x0], $0xffff  }
0x18d: {  	v1 =	vor.u32 $0x380, v1;
	v38 =	vld.idx.msk [tilespmem:v36+s4+$0x0], $0xffff  }
0x18e: {  	v39 =	vor.u32 $0x200, v0;
	_ =	sdelay $0x1  }
0x18f: {  	[tilespmem:s28+$0x15300] =	vst v3  }
0x190: {  	[tilespmem:s28+$0x15310] =	vst v37;
	v2 =	vld.idx.msk [tilespmem:v2+s4+$0x0], $0xffff  }
0x191: {  	[tilespmem:s28+$0x151A0] =	vst v38;
	v1 =	vld.idx.msk [tilespmem:v1+s4+$0x0], $0xffff  }
0x192: {  	v40 =	vld.idx.msk [tilespmem:v39+s4+$0x0], $0xffff;
	_ =	sdelay $0x2  }
0x193: {  	[tilespmem:s28+$0x15380] =	vst v2  }
0x194: {  	[tilespmem:s28+$0x15390] =	vst v1  }
0x195: {  	[tilespmem:s28+$0x15220] =	vst v40  }
0x196: {  	v41 =	vld [tilespmem:s0+$0x10830]  }
0x197: {  	v3 =	vld [tilespmem:s0+$0x10850]  }
0x198: {  	v42 =	vld [tilespmem:s0+$0x10840]  }
0x199: {  	v15 =	vor.u32 $0x280, v0;
	v47 =	vld [tilespmem:s0+$0x10860]  }
0x19a: {  	v50 =	vld [tilespmem:s0+$0x10870]  }
0x19b: {  	v16 =	vor.u32 $0x300, v0;
	v43 =	vshll.u32 v41, $0x3  }
0x19c: {  	v1 =	vand.u32 $0x7F, v41;
	v45 =	vshll.u32 v3, $0x3;
	v4 =	vand.u32 $0xFFFFFC00, v43  }
0x19d: {  	v3 =	vand.u32 $0x7F, v3;
	v46 =	vand.u32 $0xFFFFFC00, v45;
	v1 =	vor.u32 v1, v4  }
0x19e: {  	v15 =	vld.idx.msk [tilespmem:v15+s4+$0x0], $0xffff;
	v44 =	vshll.u32 v42, $0x3;
	v2 =	vand.u32 $0x7F, v42;
	v3 =	vor.u32 v3, v46  }
0x19f: {  	v11 =	vshll.u32 v47, $0x3;
	v52 =	vshll.u32 v50, $0x3;
	v4 =	vand.u32 $0xFFFFFC00, v44  }
0x1a0: {  	v7 =	vand.u32 $0x7F, v50;
	v5 =	vand.u32 $0xFFFFFC00, v52;
	v2 =	vor.u32 v2, v4  }
0x1a1: {  	v37 =	vld [tilespmem:s0+$0x10C00];
	v11 =	vand.u32 $0xFFFFFC00, v11;
	v5 =	vor.u32 v7, v5;
	v4 =	vand.u32 $0x7F, v47  }
0x1a2: {  	v4 =	vor.u32 v4, v11;
	v48 =	vld.idx.msk [tilespmem:v1+s4+$0x0], $0xffff  }
0x1a3: {  	[tilespmem:s28+$0x152A0] =	vst v15;
	v49 =	vor.u32 $0x80, v1;
	v10 =	vld.idx.msk [tilespmem:v3+s4+$0x0], $0xffff  }
0x1a4: {  	v15 =	vld.idx.msk [tilespmem:v16+s4+$0x0], $0xffff;
	v12 =	vor.u32 $0x80, v3  }
0x1a5: {  	v51 =	vld.idx.msk [tilespmem:v2+s4+$0x0], $0xffff  }
0x1a6: {  	v9 =	vor.u32 $0x80, v2;
	v59 =	vld.idx.msk [tilespmem:v5+s4+$0x0], $0xffff  }
0x1a7: {  	v60 =	vor.u32 $0x80, v5;
	v57 =	vld.idx.msk [tilespmem:v4+s4+$0x0], $0xffff;
	[tilespmem:s28+$0x15030] =	vst v48  }
0x1a8: {  	v58 =	vor.u32 $0x80, v4;
	[tilespmem:s28+$0x15050] =	vst v10;
	v6 =	vld.idx.msk [tilespmem:v49+s4+$0x0], $0xffff  }
0x1a9: {  	v53 =	vor.u32 $0x100, v1;
	v55 =	vld.idx.msk [tilespmem:v12+s4+$0x0], $0xffff  }
0x1aa: {  	v43 =	vld [tilespmem:s0+$0x10C10];
	v56 =	vor.u32 $0x100, v3;
	[tilespmem:s28+$0x15040] =	vst v51  }
0x1ab: {  	[tilespmem:s28+$0x15070] =	vst v59;
	v8 =	vld.idx.msk [tilespmem:v9+s4+$0x0], $0xffff  }
0x1ac: {  	v54 =	vor.u32 $0x100, v2;
	v20 =	vld.idx.msk [tilespmem:v60+s4+$0x0], $0xffff;
	[tilespmem:s28+$0x15060] =	vst v57  }
0x1ad: {  	v22 =	vor.u32 $0x100, v5;
	[tilespmem:s28+$0x150B0] =	vst v6;
	v6 =	vld.idx.msk [tilespmem:v58+s4+$0x0], $0xffff  }
0x1ae: {  	v62 =	vor.u32 $0x100, v4;
	[tilespmem:s28+$0x150D0] =	vst v55;
	v11 =	vld.idx.msk [tilespmem:v53+s4+$0x0], $0xffff  }
0x1af: {  	v13 =	vor.u32 $0x180, v1;
	v10 =	vld.idx.msk [tilespmem:v56+s4+$0x0], $0xffff  }
0x1b0: {  	v45 =	vld [tilespmem:s0+$0x10C20];
	v61 =	vor.u32 $0x180, v3;
	[tilespmem:s28+$0x150C0] =	vst v8  }
0x1b1: {  	[tilespmem:s28+$0x150F0] =	vst v20;
	v7 =	vld.idx.msk [tilespmem:v54+s4+$0x0], $0xffff  }
0x1b2: {  	v14 =	vor.u32 $0x180, v2;
	v27 =	vld.idx.msk [tilespmem:v22+s4+$0x0], $0xffff;
	[tilespmem:s28+$0x150E0] =	vst v6  }
0x1b3: {  	v29 =	vor.u32 $0x180, v5;
	[tilespmem:s28+$0x15130] =	vst v11;
	v11 =	vld.idx.msk [tilespmem:v62+s4+$0x0], $0xffff  }
0x1b4: {  	v25 =	vor.u32 $0x180, v4;
	[tilespmem:s28+$0x15150] =	vst v10;
	v13 =	vld.idx.msk [tilespmem:v13+s4+$0x0], $0xffff  }
0x1b5: {  	v63 =	vor.u32 $0x200, v1;
	v12 =	vld.idx.msk [tilespmem:v61+s4+$0x0], $0xffff  }
0x1b6: {  	v24 =	vor.u32 $0x200, v3;
	v47 =	vld [tilespmem:s0+$0x10C30];
	[tilespmem:s28+$0x15140] =	vst v7  }
0x1b7: {  	v0 =	vor.u32 $0x380, v0;
	[tilespmem:s28+$0x15170] =	vst v27;
	v21 =	vld.idx.msk [tilespmem:v14+s4+$0x0], $0xffff  }
0x1b8: {  	v23 =	vor.u32 $0x200, v2;
	v9 =	vld.idx.msk [tilespmem:v29+s4+$0x0], $0xffff;
	[tilespmem:s28+$0x15160] =	vst v11  }
0x1b9: {  	[tilespmem:s28+$0x151B0] =	vst v13;
	v13 =	vld.idx.msk [tilespmem:v25+s4+$0x0], $0xffff  }
0x1ba: {  	v32 =	vor.u32 $0x200, v4;
	[tilespmem:s28+$0x151D0] =	vst v12;
	v8 =	vld.idx.msk [tilespmem:v63+s4+$0x0], $0xffff  }
0x1bb: {  	v33 =	vor.u32 $0x200, v5;
	[tilespmem:s28+$0x15320] =	vst v15;
	v6 =	vld.idx.msk [tilespmem:v24+s4+$0x0], $0xffff  }
0x1bc: {  	v26 =	vor.u32 $0x280, v1;
	v0 =	vld.idx.msk [tilespmem:v0+s4+$0x0], $0xffff;
	[tilespmem:s28+$0x151C0] =	vst v21  }
0x1bd: {  	v31 =	vor.u32 $0x280, v3;
	[tilespmem:s28+$0x151F0] =	vst v9;
	v28 =	vld.idx.msk [tilespmem:v23+s4+$0x0], $0xffff  }
0x1be: {  	v30 =	vor.u32 $0x280, v2;
	v59 =	vld [tilespmem:s0+$0x10C40];
	[tilespmem:s28+$0x151E0] =	vst v13  }
0x1bf: {  	[tilespmem:s28+$0x15230] =	vst v8;
	v8 =	vld.idx.msk [tilespmem:v32+s4+$0x0], $0xffff  }
0x1c0: {  	v38 =	vor.u32 $0x280, v4;
	[tilespmem:s28+$0x15250] =	vst v6;
	v6 =	vld.idx.msk [tilespmem:v33+s4+$0x0], $0xffff  }
0x1c1: {  	v39 =	vor.u32 $0x280, v5;
	v7 =	vld.idx.msk [tilespmem:v26+s4+$0x0], $0xffff  }
0x1c2: {  	v34 =	vor.u32 $0x300, v1;
	[tilespmem:s28+$0x15240] =	vst v28;
	v11 =	vld.idx.msk [tilespmem:v31+s4+$0x0], $0xffff  }
0x1c3: {  	v40 =	vshll.u32 v37, $0x3;
	v36 =	vor.u32 $0x300, v3;
	v10 =	vld.idx.msk [tilespmem:v30+s4+$0x0], $0xffff  }
0x1c4: {  	v42 =	vand.u32 $0x7F, v37;
	v35 =	vor.u32 $0x300, v2;
	v63 =	vld [tilespmem:s0+$0x10C50];
	[tilespmem:s28+$0x15260] =	vst v8;
	v8 =	vand.u32 $0xFFFFFC00, v40  }
0x1c5: {  	[tilespmem:s28+$0x15270] =	vst v6;
	v41 =	vld.idx.msk [tilespmem:v38+s4+$0x0], $0xffff;
	v6 =	vor.u32 v42, v8  }
0x1c6: {  	v46 =	vor.u32 $0x300, v4;
	v17 =	vshll.u32 v43, $0x3;
	[tilespmem:s28+$0x152B0] =	vst v7;
	v9 =	vld.idx.msk [tilespmem:v39+s4+$0x0], $0xffff  }
0x1c7: {  	v48 =	vor.u32 $0x300, v5;
	v51 =	vand.u32 $0xFFFFFC00, v17;
	[tilespmem:s28+$0x152D0] =	vst v11;
	v8 =	vand.u32 $0x7F, v43;
	v7 =	vld.idx.msk [tilespmem:v34+s4+$0x0], $0xffff  }
0x1c8: {  	[tilespmem:s28+$0x152C0] =	vst v10;
	v11 =	vld.idx.msk [tilespmem:v36+s4+$0x0], $0xffff;
	v8 =	vor.u32 v8, v51  }
0x1c9: {  	v1 =	vor.u32 $0x380, v1;
	v10 =	vld.idx.msk [tilespmem:v35+s4+$0x0], $0xffff  }
0x1ca: {  	v3 =	vor.u32 $0x380, v3;
	v56 =	vshll.u32 v47, $0x3;
	v49 =	vld.idx.msk [tilespmem:v6+s4+$0x0], $0xffff;
	[tilespmem:s28+$0x152E0] =	vst v41  }
0x1cb: {  	v44 =	vor.u32 $0x380, v2;
	v58 =	vand.u32 $0x7F, v47;
	v12 =	vand.u32 $0xFFFFFC00, v56;
	[tilespmem:s28+$0x152F0] =	vst v9;
	v53 =	vld.idx.msk [tilespmem:v46+s4+$0x0], $0xffff  }
0x1cc: {  	v52 =	vshll.u32 v45, $0x3;
	v9 =	vor.u32 v58, v12;
	v57 =	vld.idx.msk [tilespmem:v48+s4+$0x0], $0xffff  }
0x1cd: {  	v55 =	vand.u32 $0xFFFFFC00, v52;
	v54 =	vand.u32 $0x7F, v45;
	v50 =	vor.u32 $0x80, v6;
	[tilespmem:s28+$0x15330] =	vst v7;
	v61 =	vld.idx.msk [tilespmem:v8+s4+$0x0], $0xffff  }
0x1ce: {  	[tilespmem:s28+$0x15350] =	vst v11;
	v7 =	vor.u32 v54, v55;
	v2 =	vld.idx.msk [tilespmem:v1+s4+$0x0], $0xffff  }
0x1cf: {  	v4 =	vor.u32 $0x380, v4;
	[tilespmem:s28+$0x15340] =	vst v10;
	v3 =	vld.idx.msk [tilespmem:v3+s4+$0x0], $0xffff  }
0x1d0: {  	v21 =	vshll.u32 v59, $0x3;
	v62 =	vor.u32 $0x80, v8;
	v1 =	vld.idx.msk [tilespmem:v44+s4+$0x0], $0xffff  }
0x1d1: {  	v18 =	vor.u32 $0x380, v5;
	v25 =	vand.u32 $0x7F, v59;
	v26 =	vand.u32 $0xFFFFFC00, v21;
	[tilespmem:s28+$0x15400] =	vst v49;
	v20 =	vld.idx.msk [tilespmem:v9+s4+$0x0], $0xffff  }
0x1d2: {  	v10 =	vor.u32 v25, v26;
	v11 =	vld.idx.msk [tilespmem:v50+s4+$0x0], $0xffff  }
0x1d3: {  	v22 =	vor.u32 $0x80, v9;
	v19 =	vld.idx.msk [tilespmem:v7+s4+$0x0], $0xffff;
	[tilespmem:s28+$0x15360] =	vst v53  }
0x1d4: {  	v60 =	vor.u32 $0x100, v6;
	[tilespmem:s28+$0x15410] =	vst v61;
	v5 =	vld.idx.msk [tilespmem:v4+s4+$0x0], $0xffff  }
0x1d5: {  	v24 =	vor.u32 $0x80, v7;
	[tilespmem:s28+$0x15370] =	vst v57;
	v15 =	vld.idx.msk [tilespmem:v62+s4+$0x0], $0xffff  }
0x1d6: {  	v4 =	vld.idx.msk [tilespmem:v18+s4+$0x0], $0xffff  }
0x1d7: {  	v33 =	vld.idx.msk [tilespmem:v10+s4+$0x0], $0xffff;
	[tilespmem:s28+$0x15430] =	vst v20  }
0x1d8: {  	v28 =	vshll.u32 v63, $0x3;
	v29 =	vor.u32 $0x100, v8;
	[tilespmem:s28+$0x15480] =	vst v11;
	v31 =	vld.idx.msk [tilespmem:v22+s4+$0x0], $0xffff  }
0x1d9: {  	v17 =	vand.u32 $0x7F, v63;
	v34 =	vor.u32 $0x80, v10;
	[tilespmem:s28+$0x15420] =	vst v19;
	v11 =	vand.u32 $0xFFFFFC00, v28;
	v12 =	vld.idx.msk [tilespmem:v60+s4+$0x0], $0xffff  }
0x1da: {  	v13 =	vld.idx.msk [tilespmem:v24+s4+$0x0], $0xffff;
	v11 =	vor.u32 v17, v11  }
0x1db: {  	v32 =	vor.u32 $0x100, v9;
	[tilespmem:s28+$0x15490] =	vst v15;
	v24 =	vld [tilespmem:s0+$0x10C60]  }
0x1dc: {  	v27 =	vor.u32 $0x180, v6;
	[tilespmem:s28+$0x15440] =	vst v33;
	v33 =	vld [tilespmem:s0+$0x10C70]  }
0x1dd: {  	v30 =	vor.u32 $0x100, v7;
	v16 =	vld.idx.msk [tilespmem:v29+s4+$0x0], $0xffff  }
0x1de: {  	v36 =	vor.u32 $0x180, v8;
	v15 =	vld.idx.msk [tilespmem:v34+s4+$0x0], $0xffff  }
0x1df: {  	v42 =	vor.u32 $0x100, v10;
	[tilespmem:s28+$0x154B0] =	vst v31;
	v37 =	vld.idx.msk [tilespmem:v11+s4+$0x0], $0xffff  }
0x1e0: {  	[tilespmem:s28+$0x15500] =	vst v12;
	v12 =	vld.idx.msk [tilespmem:v32+s4+$0x0], $0xffff  }
0x1e1: {  	s8 =	sshrl.u32 s26, $0x4;
	v38 =	vor.u32 $0x80, v11;
	[tilespmem:s28+$0x154A0] =	vst v13;
	v14 =	vld.idx.msk [tilespmem:v27+s4+$0x0], $0xffff  }
0x1e2: {  	s8 =	sor.u32 $0x1, s8;
	v40 =	vor.u32 $0x180, v9;
	v17 =	vld.idx.msk [tilespmem:v30+s4+$0x0], $0xffff;
	[tilespmem:s28+$0x15510] =	vst v16  }
0x1e3: {  	s9 =	sshll.u32 s8, $0x7;
	v35 =	vor.u32 $0x200, v6;
	[tilespmem:s28+$0x154C0] =	vst v15;
	v21 =	vld.idx.msk [tilespmem:v36+s4+$0x0], $0xffff  }
0x1e4: {  	s29 =	sand.u32 $0x3FFFFF80, s9;
	v39 =	vor.u32 $0x180, v7;
	v16 =	vld.idx.msk [tilespmem:v42+s4+$0x0], $0xffff  }
0x1e5: {  	[tilespmem:s28+$0x15450] =	vst v37;
	v37 =	vld [tilespmem:s29+$0x10810]  }
0x1e6: {  	v44 =	vor.u32 $0x200, v8;
	[tilespmem:s28+$0x15530] =	vst v12;
	v45 =	vld.idx.msk [tilespmem:v38+s4+$0x0], $0xffff  }
0x1e7: {  	v50 =	vor.u32 $0x180, v10;
	[tilespmem:s28+$0x15580] =	vst v14;
	v14 =	vld.idx.msk [tilespmem:v40+s4+$0x0], $0xffff  }
0x1e8: {  	v47 =	vor.u32 $0x100, v11;
	[tilespmem:s28+$0x15520] =	vst v17;
	v41 =	vld.idx.msk [tilespmem:v35+s4+$0x0], $0xffff  }
0x1e9: {  	v49 =	vor.u32 $0x200, v9;
	v46 =	vld.idx.msk [tilespmem:v39+s4+$0x0], $0xffff  }
0x1ea: {  	v43 =	vor.u32 $0x280, v6;
	[tilespmem:s28+$0x15590] =	vst v21;
	v35 =	vld [tilespmem:s29+$0x10800]  }
0x1eb: {  	v48 =	vor.u32 $0x200, v7;
	[tilespmem:s28+$0x15540] =	vst v16;
	v13 =	vld.idx.msk [tilespmem:v44+s4+$0x0], $0xffff  }
0x1ec: {  	v56 =	vld.idx.msk [tilespmem:v50+s4+$0x0], $0xffff;
	[tilespmem:s28+$0x154D0] =	vst v45  }
0x1ed: {  	v58 =	vor.u32 $0x200, v10;
	[tilespmem:s28+$0x155B0] =	vst v14;
	v12 =	vld.idx.msk [tilespmem:v47+s4+$0x0], $0xffff  }
0x1ee: {  	v52 =	vor.u32 $0x280, v8;
	[tilespmem:s28+$0x15600] =	vst v41;
	v15 =	vld.idx.msk [tilespmem:v49+s4+$0x0], $0xffff  }
0x1ef: {  	v53 =	vor.u32 $0x180, v11;
	[tilespmem:s28+$0x155A0] =	vst v46;
	v19 =	vld.idx.msk [tilespmem:v43+s4+$0x0], $0xffff  }
0x1f0: {  	v55 =	vor.u32 $0x280, v9;
	v18 =	vld.idx.msk [tilespmem:v48+s4+$0x0], $0xffff  }
0x1f1: {  	[tilespmem:s28+$0x155C0] =	vst v56;
	v48 =	vld [tilespmem:s29+$0x10820]  }
0x1f2: {  	v54 =	vor.u32 $0x280, v7;
	[tilespmem:s28+$0x15610] =	vst v13;
	v13 =	vld.idx.msk [tilespmem:v58+s4+$0x0], $0xffff  }
0x1f3: {  	v25 =	vor.u32 $0x280, v10;
	v17 =	vld.idx.msk [tilespmem:v52+s4+$0x0], $0xffff;
	[tilespmem:s28+$0x15550] =	vst v12  }
0x1f4: {  	v51 =	vor.u32 $0x300, v6;
	[tilespmem:s28+$0x15630] =	vst v15;
	v12 =	vld.idx.msk [tilespmem:v53+s4+$0x0], $0xffff  }
0x1f5: {  	v61 =	vor.u32 $0x300, v8;
	[tilespmem:s28+$0x15680] =	vst v19;
	v16 =	vld.idx.msk [tilespmem:v55+s4+$0x0], $0xffff  }
0x1f6: {  	v60 =	vor.u32 $0x200, v11;
	v52 =	vld [tilespmem:s29+$0x10830];
	[tilespmem:s28+$0x15620] =	vst v18  }
0x1f7: {  	v63 =	vor.u32 $0x300, v9;
	v59 =	vld.idx.msk [tilespmem:v54+s4+$0x0], $0xffff;
	[tilespmem:s28+$0x15640] =	vst v13  }
0x1f8: {  	v62 =	vor.u32 $0x300, v7;
	v30 =	vshll.u32 v24, $0x3;
	[tilespmem:s28+$0x15690] =	vst v17;
	v31 =	vld.idx.msk [tilespmem:v25+s4+$0x0], $0xffff  }
0x1f9: {  	v32 =	vand.u32 $0x7F, v24;
	v36 =	vor.u32 $0x300, v10;
	v57 =	vld.idx.msk [tilespmem:v51+s4+$0x0], $0xffff;
	v13 =	vand.u32 $0xFFFFFC00, v30;
	[tilespmem:s28+$0x155D0] =	vst v12  }
0x1fa: {  	v26 =	vld.idx.msk [tilespmem:v61+s4+$0x0], $0xffff;
	[tilespmem:s28+$0x156B0] =	vst v16;
	v16 =	vor.u32 v32, v13  }
0x1fb: {  	v6 =	vor.u32 $0x380, v6;
	v12 =	vld.idx.msk [tilespmem:v60+s4+$0x0], $0xffff  }
0x1fc: {  	v27 =	vor.u32 $0x280, v11;
	[tilespmem:s28+$0x156A0] =	vst v59;
	v29 =	vld.idx.msk [tilespmem:v63+s4+$0x0], $0xffff  }
0x1fd: {  	v8 =	vor.u32 $0x380, v8;
	v28 =	vld.idx.msk [tilespmem:v62+s4+$0x0], $0xffff;
	[tilespmem:s28+$0x156C0] =	vst v31  }
0x1fe: {  	v34 =	vor.u32 $0x380, v9;
	[tilespmem:s28+$0x15700] =	vst v57;
	v15 =	vld.idx.msk [tilespmem:v36+s4+$0x0], $0xffff  }
0x1ff: {  	v7 =	vor.u32 $0x380, v7;
	v39 =	vshll.u32 v33, $0x3;
	[tilespmem:s28+$0x15710] =	vst v26;
	v23 =	vld.idx.msk [tilespmem:v16+s4+$0x0], $0xffff  }
0x200: {  	v24 =	vor.u32 $0x380, v11;
	v10 =	vor.u32 $0x380, v10;
	v41 =	vand.u32 $0xFFFFFC00, v39;
	v6 =	vld.idx.msk [tilespmem:v6+s4+$0x0], $0xffff;
	[tilespmem:s28+$0x15650] =	vst v12  }
0x201: {  	v42 =	vshll.u32 v35, $0x3;
	v40 =	vor.u32 $0x80, v16;
	[tilespmem:s28+$0x15730] =	vst v29;
	v12 =	vand.u32 $0x7F, v33;
	v14 =	vld.idx.msk [tilespmem:v27+s4+$0x0], $0xffff  }
0x202: {  	v43 =	vand.u32 $0x7F, v35;
	v9 =	vld.idx.msk [tilespmem:v8+s4+$0x0], $0xffff;
	[tilespmem:s28+$0x15720] =	vst v28;
	v13 =	vor.u32 v12, v41;
	v12 =	vand.u32 $0xFFFFFC00, v42  }
0x203: {  	v38 =	vor.u32 $0x300, v11;
	v57 =	vshll.u32 v52, $0x3;
	v8 =	vld.idx.msk [tilespmem:v34+s4+$0x0], $0xffff;
	v17 =	vor.u32 v43, v12;
	[tilespmem:s28+$0x15740] =	vst v15  }
0x204: {  	v44 =	vshll.u32 v37, $0x3;
	v22 =	vand.u32 $0xFFFFFC00, v57;
	v7 =	vld.idx.msk [tilespmem:v7+s4+$0x0], $0xffff;
	[tilespmem:s28+$0x15460] =	vst v23;
	v23 =	vand.u32 $0x7F, v52  }
0x205: {  	v46 =	vand.u32 $0x7F, v37;
	v47 =	vand.u32 $0xFFFFFC00, v44;
	v11 =	vld.idx.msk [tilespmem:v10+s4+$0x0], $0xffff;
	v15 =	vor.u32 v23, v22  }
0x206: {  	v18 =	vld.idx.msk [tilespmem:v40+s4+$0x0], $0xffff;
	[tilespmem:s28+$0x156D0] =	vst v14;
	v14 =	vor.u32 v46, v47  }
0x207: {  	v49 =	vor.u32 $0x100, v16;
	v50 =	vld.idx.msk [tilespmem:v13+s4+$0x0], $0xffff  }
0x208: {  	v51 =	vor.u32 $0x80, v13;
	v25 =	vld.idx.msk [tilespmem:v17+s4+$0x0], $0xffff  }
0x209: {  	v27 =	vshll.u32 v48, $0x3;
	v53 =	vor.u32 $0x80, v17;
	v45 =	vld.idx.msk [tilespmem:v38+s4+$0x0], $0xffff  }
0x20a: {  	v12 =	vand.u32 $0x7F, v48;
	v55 =	vand.u32 $0xFFFFFC00, v27;
	v31 =	vld.idx.msk [tilespmem:v15+s4+$0x0], $0xffff  }
0x20b: {  	s30 =	sshll.u32 s8, $0xB;
	[tilespmem:s28+$0x154E0] =	vst v18;
	v18 =	vor.u32 v12, v55;
	v26 =	vld.idx.msk [tilespmem:v14+s4+$0x0], $0xffff  }
0x20c: {  	s0 =	sand.u32 $0x3FFFF800, s30;
	v54 =	vor.u32 $0x80, v14;
	v19 =	vld.idx.msk [tilespmem:v49+s4+$0x0], $0xffff;
	[tilespmem:s28+$0x15470] =	vst v50  }
0x20d: {  	v56 =	vor.u32 $0x180, v16;
	v21 =	vld.idx.msk [tilespmem:v51+s4+$0x0], $0xffff;
	[tilespmem:s0+$0x15000] =	vst v25  }
0x20e: {  	v58 =	vor.u32 $0x100, v13;
	[tilespmem:s28+$0x15750] =	vst v45;
	v25 =	vld.idx.msk [tilespmem:v53+s4+$0x0], $0xffff  }
0x20f: {  	v59 =	vor.u32 $0x100, v17;
	v12 =	vld.idx.msk [tilespmem:v24+s4+$0x0], $0xffff  }
0x210: {  	v61 =	vld.idx.msk [tilespmem:v18+s4+$0x0], $0xffff;
	[tilespmem:s0+$0x15010] =	vst v26  }
0x211: {  	[tilespmem:s28+$0x15560] =	vst v19;
	v10 =	vld.idx.msk [tilespmem:v54+s4+$0x0], $0xffff  }
0x212: {  	v62 =	vor.u32 $0x80, v18;
	v20 =	vld.idx.msk [tilespmem:v56+s4+$0x0], $0xffff;
	[tilespmem:s28+$0x154F0] =	vst v21  }
0x213: {  	v32 =	vor.u32 $0x80, v15;
	v24 =	vld.idx.msk [tilespmem:v58+s4+$0x0], $0xffff;
	[tilespmem:s0+$0x15080] =	vst v25  }
0x214: {  	[tilespmem:s28+$0x153A0] =	vst v0;
	v60 =	vor.u32 $0x100, v14;
	v22 =	vld.idx.msk [tilespmem:v59+s4+$0x0], $0xffff  }
0x215: {  	[tilespmem:s28+$0x153B0] =	vst v2;
	v63 =	vor.u32 $0x200, v16;
	v59 =	vld [tilespmem:s29+$0x10840]  }
0x216: {  	[tilespmem:s0+$0x15020] =	vst v61;
	v61 =	vld [tilespmem:s29+$0x10850]  }
0x217: {  	v30 =	vor.u32 $0x180, v13;
	[tilespmem:s0+$0x15030] =	vst v31;
	v21 =	vld.idx.msk [tilespmem:v62+s4+$0x0], $0xffff  }
0x218: {  	v33 =	vor.u32 $0x180, v17;
	[tilespmem:s0+$0x15090] =	vst v10;
	v10 =	vld.idx.msk [tilespmem:v32+s4+$0x0], $0xffff  }
0x219: {  	[tilespmem:s28+$0x155E0] =	vst v20;
	v19 =	vld.idx.msk [tilespmem:v60+s4+$0x0], $0xffff  }
0x21a: {  	[tilespmem:s28+$0x153D0] =	vst v3;
	v35 =	vor.u32 $0x100, v18;
	v26 =	vld.idx.msk [tilespmem:v63+s4+$0x0], $0xffff  }
0x21b: {  	v38 =	vor.u32 $0x100, v15;
	[tilespmem:s28+$0x15570] =	vst v24;
	v63 =	vld [tilespmem:s29+$0x10860]  }
0x21c: {  	v27 =	vld.idx.msk [tilespmem:v30+s4+$0x0], $0xffff;
	[tilespmem:s0+$0x15100] =	vst v22  }
0x21d: {  	[tilespmem:s28+$0x153C0] =	vst v1;
	v34 =	vor.u32 $0x180, v14;
	v23 =	vld.idx.msk [tilespmem:v33+s4+$0x0], $0xffff  }
0x21e: {  	v36 =	vor.u32 $0x280, v16;
	v33 =	vld [tilespmem:s29+$0x10C00];
	[tilespmem:s0+$0x150A0] =	vst v21  }
0x21f: {  	v37 =	vor.u32 $0x200, v13;
	v24 =	vld.idx.msk [tilespmem:v35+s4+$0x0], $0xffff;
	[tilespmem:s0+$0x150B0] =	vst v10  }
0x220: {  	v39 =	vor.u32 $0x200, v17;
	[tilespmem:s0+$0x15110] =	vst v19;
	v19 =	vld.idx.msk [tilespmem:v38+s4+$0x0], $0xffff  }
0x221: {  	[tilespmem:s28+$0x153F0] =	vst v4;
	v41 =	vor.u32 $0x180, v18;
	v38 =	vld [tilespmem:s29+$0x10C10]  }
0x222: {  	v42 =	vor.u32 $0x300, v16;
	v52 =	vor.u32 $0x300, v17;
	v44 =	vor.u32 $0x180, v15;
	[tilespmem:s28+$0x15660] =	vst v26;
	v20 =	vld.idx.msk [tilespmem:v34+s4+$0x0], $0xffff  }
0x223: {  	v40 =	vor.u32 $0x200, v14;
	v45 =	vor.u32 $0x280, v17;
	v32 =	vshll.u32 v63, $0x3;
	v25 =	vld.idx.msk [tilespmem:v36+s4+$0x0], $0xffff;
	[tilespmem:s28+$0x155F0] =	vst v27  }
0x224: {  	v60 =	vor.u32 $0x380, v17;
	v34 =	vand.u32 $0x7F, v63;
	v17 =	vand.u32 $0xFFFFFC00, v32;
	v22 =	vld.idx.msk [tilespmem:v37+s4+$0x0], $0xffff;
	[tilespmem:s0+$0x15180] =	vst v23  }
0x225: {  	v4 =	vor.u32 v34, v17;
	v21 =	vld.idx.msk [tilespmem:v39+s4+$0x0], $0xffff;
	[tilespmem:s0+$0x15120] =	vst v24  }
0x226: {  	v43 =	vor.u32 $0x280, v13;
	v27 =	vld.idx.msk [tilespmem:v41+s4+$0x0], $0xffff;
	[tilespmem:s0+$0x15130] =	vst v19  }
0x227: {  	[tilespmem:s0+$0x15190] =	vst v20;
	v20 =	vld.idx.msk [tilespmem:v44+s4+$0x0], $0xffff  }
0x228: {  	v47 =	vor.u32 $0x200, v18;
	[tilespmem:s28+$0x156E0] =	vst v25;
	v26 =	vld.idx.msk [tilespmem:v40+s4+$0x0], $0xffff  }
0x229: {  	[tilespmem:s28+$0x15790] =	vst v9;
	v51 =	vor.u32 $0x200, v15;
	v10 =	vld.idx.msk [tilespmem:v42+s4+$0x0], $0xffff  }
0x22a: {  	[tilespmem:s28+$0x15670] =	vst v22;
	v44 =	vld.idx.msk [tilespmem:v4+s4+$0x0], $0xffff  }
0x22b: {  	v16 =	vor.u32 $0x380, v16;
	v46 =	vor.u32 $0x280, v14;
	v49 =	vor.u32 $0x300, v13;
	v48 =	vld.idx.msk [tilespmem:v43+s4+$0x0], $0xffff;
	[tilespmem:s0+$0x15200] =	vst v21  }
0x22c: {  	v31 =	vor.u32 $0x380, v18;
	v54 =	vor.u32 $0x280, v18;
	v42 =	vshll.u32 v33, $0x3;
	v50 =	vld.idx.msk [tilespmem:v45+s4+$0x0], $0xffff;
	[tilespmem:s0+$0x151A0] =	vst v27  }
0x22d: {  	v62 =	vor.u32 $0x300, v18;
	v18 =	vand.u32 $0x7F, v33;
	v9 =	vand.u32 $0xFFFFFC00, v42;
	v22 =	vld.idx.msk [tilespmem:v47+s4+$0x0], $0xffff;
	[tilespmem:s0+$0x151B0] =	vst v20  }
0x22e: {  	[tilespmem:s28+$0x157B0] =	vst v8;
	v9 =	vor.u32 v18, v9;
	v47 =	vshll.u32 v38, $0x3;
	v20 =	vld.idx.msk [tilespmem:v51+s4+$0x0], $0xffff  }
0x22f: {  	v45 =	vor.u32 $0x80, v4;
	[tilespmem:s0+$0x15210] =	vst v26;
	v8 =	vand.u32 $0xFFFFFC00, v47;
	v47 =	vld [tilespmem:s29+$0x10C20]  }
0x230: {  	v27 =	vshll.u32 v59, $0x3;
	[tilespmem:s28+$0x15760] =	vst v10;
	v25 =	vld.idx.msk [tilespmem:v46+s4+$0x0], $0xffff  }
0x231: {  	v2 =	vand.u32 $0x7F, v59;
	v28 =	vshll.u32 v61, $0x3;
	v3 =	vand.u32 $0xFFFFFC00, v27;
	v10 =	vld.idx.msk [tilespmem:v16+s4+$0x0], $0xffff;
	[tilespmem:s28+$0x156F0] =	vst v48  }
0x232: {  	[tilespmem:s28+$0x153E0] =	vst v5;
	v29 =	vand.u32 $0x7F, v61;
	v30 =	vand.u32 $0xFFFFFC00, v28;
	v2 =	vor.u32 v2, v3;
	v19 =	vld.idx.msk [tilespmem:v49+s4+$0x0], $0xffff  }
0x233: {  	v3 =	vor.u32 v29, v30;
	[tilespmem:s0+$0x15060] =	vst v44;
	v51 =	vld.idx.msk [tilespmem:v9+s4+$0x0], $0xffff  }
0x234: {  	v56 =	vor.u32 $0x280, v15;
	[tilespmem:s0+$0x15280] =	vst v50;
	v18 =	vld.idx.msk [tilespmem:v45+s4+$0x0], $0xffff  }
0x235: {  	v55 =	vld.idx.msk [tilespmem:v52+s4+$0x0], $0xffff;
	[tilespmem:s0+$0x15220] =	vst v22  }
0x236: {  	[tilespmem:s28+$0x15780] =	vst v6;
	v53 =	vor.u32 $0x300, v14;
	v16 =	vld.idx.msk [tilespmem:v54+s4+$0x0], $0xffff  }
0x237: {  	[tilespmem:s28+$0x157A0] =	vst v7;
	v58 =	vor.u32 $0x380, v13;
	v39 =	vld.idx.msk [tilespmem:v2+s4+$0x0], $0xffff  }
0x238: {  	v52 =	vor.u32 $0x80, v9;
	[tilespmem:s0+$0x15230] =	vst v20;
	v41 =	vld.idx.msk [tilespmem:v3+s4+$0x0], $0xffff  }
0x239: {  	[tilespmem:s28+$0x157D0] =	vst v12;
	v23 =	vld.idx.msk [tilespmem:v56+s4+$0x0], $0xffff  }
0x23a: {  	[tilespmem:s0+$0x15290] =	vst v25;
	v25 =	vld [tilespmem:s29+$0x10870]  }
0x23b: {  	v43 =	vor.u32 $0x80, v3;
	v57 =	vld.idx.msk [tilespmem:v53+s4+$0x0], $0xffff;
	[tilespmem:s28+$0x15770] =	vst v19  }
0x23c: {  	v26 =	vor.u32 $0x300, v15;
	[tilespmem:s0+$0x15400] =	vst v51;
	v1 =	vld.idx.msk [tilespmem:v58+s4+$0x0], $0xffff  }
0x23d: {  	v53 =	vor.u32 $0x100, v4;
	[tilespmem:s0+$0x15300] =	vst v55;
	v20 =	vld.idx.msk [tilespmem:v52+s4+$0x0], $0xffff  }
0x23e: {  	v14 =	vor.u32 $0x380, v14;
	v0 =	vld.idx.msk [tilespmem:v60+s4+$0x0], $0xffff;
	[tilespmem:s0+$0x152A0] =	vst v16  }
0x23f: {  	v40 =	vor.u32 $0x80, v2;
	[tilespmem:s0+$0x15050] =	vst v41;
	v16 =	vld.idx.msk [tilespmem:v62+s4+$0x0], $0xffff  }
0x240: {  	[tilespmem:s0+$0x152B0] =	vst v23;
	v13 =	vld.idx.msk [tilespmem:v43+s4+$0x0], $0xffff  }
0x241: {  	v50 =	vor.u32 $0x100, v3;
	[tilespmem:s0+$0x150E0] =	vst v18;
	v35 =	vshll.u32 v25, $0x3;
	v21 =	vld.idx.msk [tilespmem:v26+s4+$0x0], $0xffff  }
0x242: {  	v36 =	vand.u32 $0x7F, v25;
	[tilespmem:s0+$0x15310] =	vst v57;
	v37 =	vand.u32 $0xFFFFFC00, v35;
	v12 =	vld.idx.msk [tilespmem:v53+s4+$0x0], $0xffff  }
0x243: {  	[tilespmem:s0+$0x15040] =	vst v39;
	v5 =	vld.idx.msk [tilespmem:v14+s4+$0x0], $0xffff;
	v6 =	vor.u32 v36, v37  }
0x244: {  	v15 =	vor.u32 $0x380, v15;
	[tilespmem:s0+$0x15320] =	vst v16;
	v16 =	vld.idx.msk [tilespmem:v40+s4+$0x0], $0xffff  }
0x245: {  	v60 =	vor.u32 $0x180, v4;
	v14 =	vand.u32 $0x7F, v38;
	[tilespmem:s0+$0x150D0] =	vst v13;
	v7 =	vld.idx.msk [tilespmem:v31+s4+$0x0], $0xffff  }
0x246: {  	[tilespmem:s28+$0x157C0] =	vst v11;
	v8 =	vor.u32 v14, v8;
	v14 =	vld.idx.msk [tilespmem:v50+s4+$0x0], $0xffff  }
0x247: {  	v49 =	vor.u32 $0x100, v2;
	[tilespmem:s28+$0x157E0] =	vst v10;
	v50 =	vld [tilespmem:s29+$0x10C50]  }
0x248: {  	[tilespmem:s0+$0x15330] =	vst v21;
	v46 =	vld.idx.msk [tilespmem:v6+s4+$0x0], $0xffff  }
0x249: {  	v58 =	vor.u32 $0x180, v3;
	[tilespmem:s0+$0x15160] =	vst v12;
	v15 =	vld.idx.msk [tilespmem:v15+s4+$0x0], $0xffff  }
0x24a: {  	[tilespmem:s0+$0x15480] =	vst v20;
	v48 =	vor.u32 $0x80, v6;
	v21 =	vld.idx.msk [tilespmem:v60+s4+$0x0], $0xffff  }
0x24b: {  	v55 =	vld.idx.msk [tilespmem:v8+s4+$0x0], $0xffff;
	[tilespmem:s0+$0x150C0] =	vst v16  }
0x24c: {  	[tilespmem:s28+$0x157F0] =	vst v1;
	v56 =	vor.u32 $0x80, v8;
	v11 =	vld.idx.msk [tilespmem:v49+s4+$0x0], $0xffff  }
0x24d: {  	[tilespmem:s0+$0x15150] =	vst v14;
	v49 =	vld [tilespmem:s29+$0x10C40]  }
0x24e: {  	v57 =	vor.u32 $0x180, v2;
	[tilespmem:s0+$0x15070] =	vst v46;
	v18 =	vld.idx.msk [tilespmem:v58+s4+$0x0], $0xffff  }
0x24f: {  	v59 =	vor.u32 $0x100, v9;
	[tilespmem:s0+$0x15380] =	vst v0;
	v17 =	vld.idx.msk [tilespmem:v48+s4+$0x0], $0xffff  }
0x250: {  	v24 =	vor.u32 $0x200, v3;
	[tilespmem:s0+$0x15410] =	vst v55;
	v48 =	vld [tilespmem:s29+$0x10C30]  }
0x251: {  	v54 =	vor.u32 $0x100, v6;
	[tilespmem:s0+$0x15390] =	vst v5;
	v13 =	vld.idx.msk [tilespmem:v56+s4+$0x0], $0xffff  }
0x252: {  	v56 =	vld [tilespmem:s29+$0x10C60];
	[tilespmem:s0+$0x15140] =	vst v11  }
0x253: {  	v26 =	vor.u32 $0x200, v4;
	v19 =	vld.idx.msk [tilespmem:v57+s4+$0x0], $0xffff;
	[tilespmem:s0+$0x151D0] =	vst v18  }
0x254: {  	v62 =	vor.u32 $0x100, v8;
	[tilespmem:s0+$0x150F0] =	vst v17;
	v17 =	vld.idx.msk [tilespmem:v59+s4+$0x0], $0xffff  }
0x255: {  	v63 =	vor.u32 $0x200, v2;
	[tilespmem:s0+$0x153A0] =	vst v7;
	v12 =	vld.idx.msk [tilespmem:v24+s4+$0x0], $0xffff  }
0x256: {  	v25 =	vor.u32 $0x180, v9;
	[tilespmem:s0+$0x151E0] =	vst v21;
	v16 =	vld.idx.msk [tilespmem:v54+s4+$0x0], $0xffff  }
0x257: {  	v30 =	vor.u32 $0x280, v3;
	v57 =	vld [tilespmem:s29+$0x10C70];
	[tilespmem:s0+$0x15490] =	vst v13  }
0x258: {  	v61 =	vor.u32 $0x180, v6;
	v13 =	vld.idx.msk [tilespmem:v26+s4+$0x0], $0xffff;
	[tilespmem:s0+$0x151C0] =	vst v19  }
0x259: {  	v32 =	vor.u32 $0x280, v4;
	v14 =	vld.idx.msk [tilespmem:v62+s4+$0x0], $0xffff;
	v62 =	vshll.u32 v50, $0x3;
	[tilespmem:s0+$0x15500] =	vst v17  }
0x25a: {  	v28 =	vor.u32 $0x180, v8;
	v10 =	vand.u32 $0x7F, v50;
	v5 =	vand.u32 $0xFFFFFC00, v62;
	v20 =	vld.idx.msk [tilespmem:v63+s4+$0x0], $0xffff;
	[tilespmem:s0+$0x15250] =	vst v12  }
0x25b: {  	v63 =	vor.u32 v10, v5;
	[tilespmem:s0+$0x15170] =	vst v16;
	v16 =	vld.idx.msk [tilespmem:v25+s4+$0x0], $0xffff  }
0x25c: {  	v29 =	vor.u32 $0x280, v2;
	[tilespmem:s0+$0x153B0] =	vst v15;
	v21 =	vld.idx.msk [tilespmem:v30+s4+$0x0], $0xffff  }
0x25d: {  	v31 =	vor.u32 $0x200, v9;
	[tilespmem:s0+$0x15260] =	vst v13;
	v11 =	vld.idx.msk [tilespmem:v61+s4+$0x0], $0xffff  }
0x25e: {  	v36 =	vor.u32 $0x300, v3;
	[tilespmem:s0+$0x15510] =	vst v14;
	v14 =	vld.idx.msk [tilespmem:v32+s4+$0x0], $0xffff  }
0x25f: {  	v27 =	vor.u32 $0x200, v6;
	v18 =	vld.idx.msk [tilespmem:v28+s4+$0x0], $0xffff;
	[tilespmem:s0+$0x15240] =	vst v20  }
0x260: {  	v38 =	vor.u32 $0x300, v4;
	v24 =	vld.idx.msk [tilespmem:v63+s4+$0x0], $0xffff;
	[tilespmem:s0+$0x15580] =	vst v16  }
0x261: {  	v34 =	vor.u32 $0x200, v8;
	v17 =	vld.idx.msk [tilespmem:v29+s4+$0x0], $0xffff;
	[tilespmem:s0+$0x152D0] =	vst v21  }
0x262: {  	v35 =	vor.u32 $0x300, v2;
	v53 =	vand.u32 $0x7F, v47;
	[tilespmem:s0+$0x151F0] =	vst v11;
	v11 =	vld.idx.msk [tilespmem:v31+s4+$0x0], $0xffff  }
0x263: {  	v37 =	vor.u32 $0x280, v9;
	v3 =	vor.u32 $0x380, v3;
	v4 =	vor.u32 $0x380, v4;
	v41 =	vld.idx.msk [tilespmem:v36+s4+$0x0], $0xffff;
	[tilespmem:s0+$0x152E0] =	vst v14  }
0x264: {  	v33 =	vor.u32 $0x280, v6;
	v55 =	vshll.u32 v48, $0x3;
	v54 =	vshll.u32 v47, $0x3;
	v19 =	vld.idx.msk [tilespmem:v27+s4+$0x0], $0xffff;
	[tilespmem:s0+$0x15590] =	vst v18  }
0x265: {  	v15 =	vand.u32 $0xFFFFFC00, v55;
	v1 =	vand.u32 $0xFFFFFC00, v54;
	v13 =	vand.u32 $0x7F, v48;
	v14 =	vld.idx.msk [tilespmem:v38+s4+$0x0], $0xffff;
	[tilespmem:s0+$0x15450] =	vst v24  }
0x266: {  	v0 =	vor.u32 v53, v1;
	v1 =	vor.u32 v13, v15;
	v15 =	vshll.u32 v57, $0x3;
	v12 =	vld.idx.msk [tilespmem:v34+s4+$0x0], $0xffff;
	[tilespmem:s0+$0x152C0] =	vst v17  }
0x267: {  	v40 =	vor.u32 $0x280, v8;
	v10 =	vand.u32 $0xFFFFFC00, v15;
	v17 =	vand.u32 $0x7F, v57;
	v16 =	vld.idx.msk [tilespmem:v35+s4+$0x0], $0xffff;
	[tilespmem:s0+$0x15600] =	vst v11  }
0x268: {  	v51 =	vor.u32 $0x380, v9;
	v43 =	vor.u32 $0x300, v9;
	[tilespmem:s0+$0x15350] =	vst v41;
	v9 =	vor.u32 v17, v10;
	v42 =	vld.idx.msk [tilespmem:v37+s4+$0x0], $0xffff  }
0x269: {  	v2 =	vor.u32 $0x380, v2;
	[tilespmem:s0+$0x15270] =	vst v19;
	v59 =	vld.idx.msk [tilespmem:v3+s4+$0x0], $0xffff  }
0x26a: {  	[tilespmem:s0+$0x15360] =	vst v14;
	v20 =	vld.idx.msk [tilespmem:v33+s4+$0x0], $0xffff  }
0x26b: {  	[tilespmem:s0+$0x15610] =	vst v12;
	v4 =	vld.idx.msk [tilespmem:v4+s4+$0x0], $0xffff  }
0x26c: {  	v39 =	vor.u32 $0x300, v6;
	v12 =	vshll.u32 v56, $0x3;
	v45 =	vld.idx.msk [tilespmem:v40+s4+$0x0], $0xffff;
	[tilespmem:s0+$0x15340] =	vst v16  }
0x26d: {  	v46 =	vor.u32 $0x300, v8;
	v14 =	vand.u32 $0x7F, v56;
	v5 =	vand.u32 $0xFFFFFC00, v12;
	v28 =	vld.idx.msk [tilespmem:v9+s4+$0x0], $0xffff;
	[tilespmem:s0+$0x15680] =	vst v42  }
0x26e: {  	v61 =	vshll.u32 v49, $0x3;
	v5 =	vor.u32 v14, v5;
	v58 =	vld.idx.msk [tilespmem:v2+s4+$0x0], $0xffff;
	[tilespmem:s0+$0x153D0] =	vst v59  }
0x26f: {  	v60 =	vand.u32 $0x7F, v49;
	v3 =	vand.u32 $0xFFFFFC00, v61;
	[tilespmem:s0+$0x152F0] =	vst v20;
	v18 =	vld.idx.msk [tilespmem:v43+s4+$0x0], $0xffff  }
0x270: {  	v3 =	vor.u32 v60, v3;
	[tilespmem:s0+$0x153E0] =	vst v4;
	v20 =	vld.idx.msk [tilespmem:v1+s4+$0x0], $0xffff  }
0x271: {  	v44 =	vld.idx.msk [tilespmem:v39+s4+$0x0], $0xffff;
	[tilespmem:s0+$0x15690] =	vst v45  }
0x272: {  	v6 =	vor.u32 $0x380, v6;
	v52 =	vld.idx.msk [tilespmem:v46+s4+$0x0], $0xffff;
	[tilespmem:s0+$0x15470] =	vst v28  }
0x273: {  	v8 =	vor.u32 $0x380, v8;
	v26 =	vld.idx.msk [tilespmem:v5+s4+$0x0], $0xffff;
	[tilespmem:s0+$0x153C0] =	vst v58  }
0x274: {  	v27 =	vor.u32 $0x80, v5;
	[tilespmem:s0+$0x15700] =	vst v18;
	v18 =	vld.idx.msk [tilespmem:v0+s4+$0x0], $0xffff  }
0x275: {  	v19 =	vor.u32 $0x80, v0;
	v22 =	vld.idx.msk [tilespmem:v3+s4+$0x0], $0xffff;
	[tilespmem:s0+$0x15430] =	vst v20  }
0x276: {  	v23 =	vor.u32 $0x80, v3;
	[tilespmem:s0+$0x15370] =	vst v44;
	v7 =	vld.idx.msk [tilespmem:v51+s4+$0x0], $0xffff  }
0x277: {  	v29 =	vor.u32 $0x80, v9;
	v6 =	vld.idx.msk [tilespmem:v6+s4+$0x0], $0xffff;
	[tilespmem:s0+$0x15710] =	vst v52  }
0x278: {  	v21 =	vor.u32 $0x80, v1;
	[tilespmem:s0+$0x15460] =	vst v26;
	v8 =	vld.idx.msk [tilespmem:v8+s4+$0x0], $0xffff  }
0x279: {  	v25 =	vor.u32 $0x80, v63;
	v11 =	vld.idx.msk [tilespmem:v27+s4+$0x0], $0xffff;
	[tilespmem:s0+$0x15420] =	vst v18  }
0x27a: {  	v34 =	vor.u32 $0x100, v5;
	[tilespmem:s0+$0x15440] =	vst v22;
	v4 =	vld.idx.msk [tilespmem:v19+s4+$0x0], $0xffff  }
0x27b: {  	v30 =	vor.u32 $0x100, v0;
	[tilespmem:s0+$0x15780] =	vst v7;
	v7 =	vld.idx.msk [tilespmem:v23+s4+$0x0], $0xffff  }
0x27c: {  	v32 =	vor.u32 $0x100, v3;
	v10 =	vld.idx.msk [tilespmem:v29+s4+$0x0], $0xffff;
	[tilespmem:s0+$0x153F0] =	vst v6  }
0x27d: {  	v35 =	vor.u32 $0x100, v9;
	v6 =	vld.idx.msk [tilespmem:v21+s4+$0x0], $0xffff;
	[tilespmem:s0+$0x15790] =	vst v8  }
0x27e: {  	v31 =	vor.u32 $0x100, v1;
	v8 =	vld.idx.msk [tilespmem:v25+s4+$0x0], $0xffff;
	[tilespmem:s0+$0x154E0] =	vst v11  }
0x27f: {  	v33 =	vor.u32 $0x100, v63;
	[tilespmem:s0+$0x154A0] =	vst v4;
	v4 =	vld.idx.msk [tilespmem:v34+s4+$0x0], $0xffff  }
0x280: {  	v40 =	vor.u32 $0x180, v5;
	[tilespmem:s0+$0x154C0] =	vst v7;
	v12 =	vld.idx.msk [tilespmem:v30+s4+$0x0], $0xffff  }
0x281: {  	v36 =	vor.u32 $0x180, v0;
	[tilespmem:s0+$0x154F0] =	vst v10;
	v14 =	vld.idx.msk [tilespmem:v32+s4+$0x0], $0xffff  }
0x282: {  	v38 =	vor.u32 $0x180, v3;
	[tilespmem:s0+$0x154B0] =	vst v6;
	v6 =	vld.idx.msk [tilespmem:v35+s4+$0x0], $0xffff  }
0x283: {  	v41 =	vor.u32 $0x180, v9;
	v13 =	vld.idx.msk [tilespmem:v31+s4+$0x0], $0xffff;
	[tilespmem:s0+$0x154D0] =	vst v8  }
0x284: {  	v37 =	vor.u32 $0x180, v1;
	v15 =	vld.idx.msk [tilespmem:v33+s4+$0x0], $0xffff;
	[tilespmem:s0+$0x15560] =	vst v4  }
0x285: {  	v39 =	vor.u32 $0x180, v63;
	[tilespmem:s0+$0x15520] =	vst v12;
	v12 =	vld.idx.msk [tilespmem:v40+s4+$0x0], $0xffff  }
0x286: {  	v46 =	vor.u32 $0x200, v5;
	[tilespmem:s0+$0x15540] =	vst v14;
	v7 =	vld.idx.msk [tilespmem:v36+s4+$0x0], $0xffff  }
0x287: {  	v42 =	vor.u32 $0x200, v0;
	[tilespmem:s0+$0x15570] =	vst v6;
	v11 =	vld.idx.msk [tilespmem:v38+s4+$0x0], $0xffff  }
0x288: {  	v44 =	vor.u32 $0x200, v3;
	[tilespmem:s0+$0x15530] =	vst v13;
	v13 =	vld.idx.msk [tilespmem:v41+s4+$0x0], $0xffff  }
0x289: {  	v47 =	vor.u32 $0x200, v9;
	v8 =	vld.idx.msk [tilespmem:v37+s4+$0x0], $0xffff;
	[tilespmem:s0+$0x15550] =	vst v15  }
0x28a: {  	v43 =	vor.u32 $0x200, v1;
	v10 =	vld.idx.msk [tilespmem:v39+s4+$0x0], $0xffff;
	[tilespmem:s0+$0x155E0] =	vst v12  }
0x28b: {  	v45 =	vor.u32 $0x200, v63;
	[tilespmem:s0+$0x155A0] =	vst v7;
	v7 =	vld.idx.msk [tilespmem:v46+s4+$0x0], $0xffff  }
0x28c: {  	v52 =	vor.u32 $0x280, v5;
	[tilespmem:s0+$0x155C0] =	vst v11;
	v14 =	vld.idx.msk [tilespmem:v42+s4+$0x0], $0xffff  }
0x28d: {  	v48 =	vor.u32 $0x280, v0;
	[tilespmem:s0+$0x155F0] =	vst v13;
	v4 =	vld.idx.msk [tilespmem:v44+s4+$0x0], $0xffff  }
0x28e: {  	v50 =	vor.u32 $0x280, v3;
	[tilespmem:s0+$0x155B0] =	vst v8;
	v8 =	vld.idx.msk [tilespmem:v47+s4+$0x0], $0xffff  }
0x28f: {  	v53 =	vor.u32 $0x280, v9;
	v15 =	vld.idx.msk [tilespmem:v43+s4+$0x0], $0xffff;
	[tilespmem:s0+$0x155D0] =	vst v10  }
0x290: {  	v49 =	vor.u32 $0x280, v1;
	v6 =	vld.idx.msk [tilespmem:v45+s4+$0x0], $0xffff;
	[tilespmem:s0+$0x15660] =	vst v7  }
0x291: {  	v51 =	vor.u32 $0x280, v63;
	[tilespmem:s0+$0x15620] =	vst v14;
	v14 =	vld.idx.msk [tilespmem:v52+s4+$0x0], $0xffff  }
0x292: {  	v58 =	vor.u32 $0x300, v5;
	[tilespmem:s0+$0x15640] =	vst v4;
	v11 =	vld.idx.msk [tilespmem:v48+s4+$0x0], $0xffff  }
0x293: {  	v54 =	vor.u32 $0x300, v0;
	[tilespmem:s0+$0x15670] =	vst v8;
	v12 =	vld.idx.msk [tilespmem:v50+s4+$0x0], $0xffff  }
0x294: {  	v56 =	vor.u32 $0x300, v3;
	[tilespmem:s0+$0x15630] =	vst v15;
	v15 =	vld.idx.msk [tilespmem:v53+s4+$0x0], $0xffff  }
0x295: {  	v59 =	vor.u32 $0x300, v9;
	v10 =	vld.idx.msk [tilespmem:v49+s4+$0x0], $0xffff;
	[tilespmem:s0+$0x15650] =	vst v6  }
0x296: {  	v55 =	vor.u32 $0x300, v1;
	v13 =	vld.idx.msk [tilespmem:v51+s4+$0x0], $0xffff;
	[tilespmem:s0+$0x156E0] =	vst v14  }
0x297: {  	v57 =	vor.u32 $0x300, v63;
	[tilespmem:s0+$0x156A0] =	vst v11;
	v11 =	vld.idx.msk [tilespmem:v58+s4+$0x0], $0xffff  }
0x298: {  	v60 =	vor.u32 $0x380, v5;
	[tilespmem:s0+$0x156C0] =	vst v12;
	v4 =	vld.idx.msk [tilespmem:v54+s4+$0x0], $0xffff  }
0x299: {  	v0 =	vor.u32 $0x380, v0;
	[tilespmem:s0+$0x156F0] =	vst v15;
	v7 =	vld.idx.msk [tilespmem:v56+s4+$0x0], $0xffff  }
0x29a: {  	v3 =	vor.u32 $0x380, v3;
	[tilespmem:s0+$0x156B0] =	vst v10;
	v61 =	vld.idx.msk [tilespmem:v59+s4+$0x0], $0xffff  }
0x29b: {  	v62 =	vor.u32 $0x380, v9;
	v6 =	vld.idx.msk [tilespmem:v55+s4+$0x0], $0xffff;
	[tilespmem:s0+$0x156D0] =	vst v13  }
0x29c: {  	v1 =	vor.u32 $0x380, v1;
	v8 =	vld.idx.msk [tilespmem:v57+s4+$0x0], $0xffff;
	[tilespmem:s0+$0x15760] =	vst v11  }
0x29d: {  	v2 =	vor.u32 $0x380, v63;
	[tilespmem:s0+$0x15720] =	vst v4;
	v4 =	vld.idx.msk [tilespmem:v60+s4+$0x0], $0xffff  }
0x29e: {  	[tilespmem:s0+$0x15740] =	vst v7;
	v0 =	vld.idx.msk [tilespmem:v0+s4+$0x0], $0xffff  }
0x29f: {  	[tilespmem:s0+$0x15770] =	vst v61;
	v3 =	vld.idx.msk [tilespmem:v3+s4+$0x0], $0xffff  }
0x2a0: {  	[tilespmem:s0+$0x15730] =	vst v6;
	v63 =	vld.idx.msk [tilespmem:v62+s4+$0x0], $0xffff  }
0x2a1: {  	v1 =	vld.idx.msk [tilespmem:v1+s4+$0x0], $0xffff;
	[tilespmem:s0+$0x15750] =	vst v8  }
0x2a2: {  	p0 =	slt.u32 s26, $0x60;
	v2 =	vld.idx.msk [tilespmem:v2+s4+$0x0], $0xffff;
	[tilespmem:s0+$0x157E0] =	vst v4  }
.Ltmp1:
0x2a3: {  	[tilespmem:s0+$0x157A0] =	vst v0;
	(pc) =	sbr.rel @p0 .LBB2_4-.Ltmp1, $4  }
0x2a4: {  	[tilespmem:s0+$0x157C0] =	vst v3  }
0x2a5: {  	[tilespmem:s0+$0x157F0] =	vst v63  }
0x2a6: {  	s31 =	sadd.s32 $0x20, s26;
	[tilespmem:s0+$0x157B0] =	vst v1  }
0x2a7: {  	s26 =	smov.u32 s31;
	[tilespmem:s0+$0x157D0] =	vst v2  }
0x2a8: {  	[hbm4b:s12+s19] =	stream.strided.scatter [tilespmem:s22], [sflag:$0x4], $0x4000, s15, s19, $0x38;
	[tilespmem:$0x19000] =	vst v63  }
0x2a9: {  	s26 =	simm.s32 $0x0;
	s28 =	simm.s32 $0x0  }
.LBB2_6:
0x2aa: {  	s28 =	sadd.s32 $0x1, s28  }
0x2ab: {  	s30 =	sshll.u32 s28, $0x4  }
0x2ac: {  	s29 =	sor.u32 $0x8, s30  }
0x2ad: {  	s0 =	sshll.u32 s29, $0xA  }
0x2ae: {  	s0 =	sor.u32 s5, s0  }
0x2af: {  	s0 =	sshrl.u32 s0, $0x3  }
0x2b0: {  	s0 =	sadd.s32 s2, s0  }
0x2b1: {  	[tilespmem:s17], [sflag:$0x2] =	stream.linear.gather [hbm4b:s0+s26], $0x800, $0x38;
	[tilespmem:$0x19000] =	vst v63  }
0x2b2: {  	_ =	swait.ge [sflag:s18], $0x800  }
0x2b3: {  	[sflag:s18] =	ssyncset.done $0x0  }
0x2b4: {  	[sflag:s18] =	ssyncadd.s32 $0xFFFFF800  }
0x2b5: {  	_ =	swait.ge [sflag:s23], $0x4000  }
0x2b6: {  	[sflag:s23] =	ssyncset.done $0x0  }
0x2b7: {  	s31 =	simm.s32 $0x0;
	[sflag:s23] =	ssyncadd.s32 $0xFFFFC000  }
.LBB2_7:
0x2b8: {  	s0 =	sshll.u32 s31, $0x3  }
0x2b9: {  	s1 =	sand.u32 $0x3FFFFFF8, s0  }
0x2ba: {  	v0 =	vld [tilespmem:s1+$0x10000]  }
0x2bb: {  	v1 =	vld [tilespmem:s1+$0x10010];
	_ =	sdelay $0x3  }
0x2bc: {  	v2 =	vshll.u32 v0, $0x3  }
0x2bd: {  	v0 =	vand.u32 $0x7F, v0;
	v3 =	vshll.u32 v1, $0x3;
	v2 =	vand.u32 $0xFFFFFC00, v2  }
0x2be: {  	v20 =	vand.u32 $0x7F, v1;
	v21 =	vand.u32 $0xFFFFFC00, v3;
	v2 =	vor.u32 v0, v2  }
0x2bf: {  	v1 =	vor.u32 v20, v21;
	_ =	sdelay $0x3  }
0x2c0: {  	v22 =	vld.idx.msk [tilespmem:v2+s4+$0x0], $0xffff  }
0x2c1: {  	v23 =	vor.u32 $0x80, v2;
	v4 =	vld.idx.msk [tilespmem:v1+s4+$0x0], $0xffff  }
0x2c2: {  	v5 =	vor.u32 $0x80, v1  }
0x2c3: {  	s9 =	sshll.u32 s31, $0x7  }
0x2c4: {  	s0 =	sand.u32 $0x3FFFFF80, s9  }
0x2c5: {  	[tilespmem:s0+$0x11000] =	vst v22  }
0x2c6: {  	[tilespmem:s0+$0x11010] =	vst v4;
	v0 =	vld.idx.msk [tilespmem:v23+s4+$0x0], $0xffff  }
0x2c7: {  	v24 =	vor.u32 $0x100, v2;
	v4 =	vld.idx.msk [tilespmem:v5+s4+$0x0], $0xffff  }
0x2c8: {  	v6 =	vld [tilespmem:s1+$0x10020];
	v25 =	vor.u32 $0x100, v1;
	_ =	sdelay $0x2  }
0x2c9: {  	[tilespmem:s0+$0x11080] =	vst v0  }
0x2ca: {  	[tilespmem:s0+$0x11090] =	vst v4;
	v3 =	vld.idx.msk [tilespmem:v24+s4+$0x0], $0xffff  }
0x2cb: {  	v27 =	vshll.u32 v6, $0x3;
	v26 =	vor.u32 $0x180, v2;
	v5 =	vld.idx.msk [tilespmem:v25+s4+$0x0], $0xffff  }
0x2cc: {  	v6 =	vand.u32 $0x7F, v6;
	v7 =	vor.u32 $0x180, v1;
	v0 =	vand.u32 $0xFFFFFC00, v27  }
0x2cd: {  	v0 =	vor.u32 v6, v0;
	_ =	sdelay $0x1  }
0x2ce: {  	[tilespmem:s0+$0x11100] =	vst v3  }
0x2cf: {  	[tilespmem:s0+$0x11110] =	vst v5;
	v3 =	vld.idx.msk [tilespmem:v26+s4+$0x0], $0xffff  }
0x2d0: {  	v28 =	vor.u32 $0x200, v2;
	v5 =	vld.idx.msk [tilespmem:v7+s4+$0x0], $0xffff  }
0x2d1: {  	v29 =	vor.u32 $0x200, v1;
	v30 =	vld.idx.msk [tilespmem:v0+s4+$0x0], $0xffff  }
0x2d2: {  	v8 =	vor.u32 $0x80, v0;
	_ =	sdelay $0x1  }
0x2d3: {  	[tilespmem:s0+$0x11180] =	vst v3  }
0x2d4: {  	[tilespmem:s0+$0x11190] =	vst v5;
	v3 =	vld.idx.msk [tilespmem:v28+s4+$0x0], $0xffff  }
0x2d5: {  	v31 =	vor.u32 $0x280, v2;
	[tilespmem:s0+$0x11020] =	vst v30;
	v5 =	vld.idx.msk [tilespmem:v29+s4+$0x0], $0xffff  }
0x2d6: {  	v32 =	vor.u32 $0x280, v1;
	v7 =	vld.idx.msk [tilespmem:v8+s4+$0x0], $0xffff  }
0x2d7: {  	v33 =	vor.u32 $0x100, v0;
	_ =	sdelay $0x1  }
0x2d8: {  	[tilespmem:s0+$0x11200] =	vst v3  }
0x2d9: {  	[tilespmem:s0+$0x11210] =	vst v5;
	v3 =	vld.idx.msk [tilespmem:v31+s4+$0x0], $0xffff  }
0x2da: {  	v34 =	vor.u32 $0x300, v2;
	[tilespmem:s0+$0x110A0] =	vst v7;
	v5 =	vld.idx.msk [tilespmem:v32+s4+$0x0], $0xffff  }
0x2db: {  	v35 =	vor.u32 $0x300, v1;
	v7 =	vld.idx.msk [tilespmem:v33+s4+$0x0], $0xffff  }
0x2dc: {  	v36 =	vor.u32 $0x180, v0;
	_ =	sdelay $0x1  }
0x2dd: {  	[tilespmem:s0+$0x11280] =	vst v3  }
0x2de: {  	[tilespmem:s0+$0x11290] =	vst v5;
	v3 =	vld.idx.msk [tilespmem:v34+s4+$0x0], $0xffff  }
0x2df: {  	v2 =	vor.u32 $0x380, v2;
	[tilespmem:s0+$0x11120] =	vst v7;
	v37 =	vld.idx.msk [tilespmem:v35+s4+$0x0], $0xffff  }
0x2e0: {  	v1 =	vor.u32 $0x380, v1;
	v38 =	vld.idx.msk [tilespmem:v36+s4+$0x0], $0xffff  }
0x2e1: {  	v39 =	vor.u32 $0x200, v0;
	_ =	sdelay $0x1  }
0x2e2: {  	[tilespmem:s0+$0x11300] =	vst v3  }
0x2e3: {  	[tilespmem:s0+$0x11310] =	vst v37;
	v2 =	vld.idx.msk [tilespmem:v2+s4+$0x0], $0xffff  }
0x2e4: {  	[tilespmem:s0+$0x111A0] =	vst v38;
	v1 =	vld.idx.msk [tilespmem:v1+s4+$0x0], $0xffff  }
0x2e5: {  	v40 =	vld.idx.msk [tilespmem:v39+s4+$0x0], $0xffff;
	_ =	sdelay $0x2  }
0x2e6: {  	[tilespmem:s0+$0x11380] =	vst v2  }
0x2e7: {  	[tilespmem:s0+$0x11390] =	vst v1  }
0x2e8: {  	[tilespmem:s0+$0x11220] =	vst v40  }
0x2e9: {  	v41 =	vld [tilespmem:s1+$0x10030]  }
0x2ea: {  	v3 =	vld [tilespmem:s1+$0x10050]  }
0x2eb: {  	v42 =	vld [tilespmem:s1+$0x10040]  }
0x2ec: {  	v15 =	vor.u32 $0x280, v0;
	v47 =	vld [tilespmem:s1+$0x10060]  }
0x2ed: {  	v50 =	vld [tilespmem:s1+$0x10070]  }
0x2ee: {  	v16 =	vor.u32 $0x300, v0;
	v43 =	vshll.u32 v41, $0x3  }
0x2ef: {  	v1 =	vand.u32 $0x7F, v41;
	v45 =	vshll.u32 v3, $0x3;
	v4 =	vand.u32 $0xFFFFFC00, v43  }
0x2f0: {  	v3 =	vand.u32 $0x7F, v3;
	v46 =	vand.u32 $0xFFFFFC00, v45;
	v1 =	vor.u32 v1, v4  }
0x2f1: {  	v15 =	vld.idx.msk [tilespmem:v15+s4+$0x0], $0xffff;
	v44 =	vshll.u32 v42, $0x3;
	v2 =	vand.u32 $0x7F, v42;
	v3 =	vor.u32 v3, v46  }
0x2f2: {  	v11 =	vshll.u32 v47, $0x3;
	v52 =	vshll.u32 v50, $0x3;
	v4 =	vand.u32 $0xFFFFFC00, v44  }
0x2f3: {  	v7 =	vand.u32 $0x7F, v50;
	v5 =	vand.u32 $0xFFFFFC00, v52;
	v2 =	vor.u32 v2, v4  }
0x2f4: {  	v37 =	vld [tilespmem:s1+$0x10400];
	v11 =	vand.u32 $0xFFFFFC00, v11;
	v5 =	vor.u32 v7, v5;
	v4 =	vand.u32 $0x7F, v47  }
0x2f5: {  	v4 =	vor.u32 v4, v11;
	v48 =	vld.idx.msk [tilespmem:v1+s4+$0x0], $0xffff  }
0x2f6: {  	[tilespmem:s0+$0x112A0] =	vst v15;
	v49 =	vor.u32 $0x80, v1;
	v10 =	vld.idx.msk [tilespmem:v3+s4+$0x0], $0xffff  }
0x2f7: {  	v15 =	vld.idx.msk [tilespmem:v16+s4+$0x0], $0xffff;
	v12 =	vor.u32 $0x80, v3  }
0x2f8: {  	v51 =	vld.idx.msk [tilespmem:v2+s4+$0x0], $0xffff  }
0x2f9: {  	v9 =	vor.u32 $0x80, v2;
	v59 =	vld.idx.msk [tilespmem:v5+s4+$0x0], $0xffff  }
0x2fa: {  	v60 =	vor.u32 $0x80, v5;
	v57 =	vld.idx.msk [tilespmem:v4+s4+$0x0], $0xffff;
	[tilespmem:s0+$0x11030] =	vst v48  }
0x2fb: {  	v58 =	vor.u32 $0x80, v4;
	[tilespmem:s0+$0x11050] =	vst v10;
	v6 =	vld.idx.msk [tilespmem:v49+s4+$0x0], $0xffff  }
0x2fc: {  	v53 =	vor.u32 $0x100, v1;
	v55 =	vld.idx.msk [tilespmem:v12+s4+$0x0], $0xffff  }
0x2fd: {  	v43 =	vld [tilespmem:s1+$0x10410];
	v56 =	vor.u32 $0x100, v3;
	[tilespmem:s0+$0x11040] =	vst v51  }
0x2fe: {  	[tilespmem:s0+$0x11070] =	vst v59;
	v8 =	vld.idx.msk [tilespmem:v9+s4+$0x0], $0xffff  }
0x2ff: {  	v54 =	vor.u32 $0x100, v2;
	v20 =	vld.idx.msk [tilespmem:v60+s4+$0x0], $0xffff;
	[tilespmem:s0+$0x11060] =	vst v57  }
0x300: {  	v22 =	vor.u32 $0x100, v5;
	[tilespmem:s0+$0x110B0] =	vst v6;
	v6 =	vld.idx.msk [tilespmem:v58+s4+$0x0], $0xffff  }
0x301: {  	v62 =	vor.u32 $0x100, v4;
	[tilespmem:s0+$0x110D0] =	vst v55;
	v11 =	vld.idx.msk [tilespmem:v53+s4+$0x0], $0xffff  }
0x302: {  	v13 =	vor.u32 $0x180, v1;
	v10 =	vld.idx.msk [tilespmem:v56+s4+$0x0], $0xffff  }
0x303: {  	v45 =	vld [tilespmem:s1+$0x10420];
	v61 =	vor.u32 $0x180, v3;
	[tilespmem:s0+$0x110C0] =	vst v8  }
0x304: {  	[tilespmem:s0+$0x110F0] =	vst v20;
	v7 =	vld.idx.msk [tilespmem:v54+s4+$0x0], $0xffff  }
0x305: {  	v14 =	vor.u32 $0x180, v2;
	v27 =	vld.idx.msk [tilespmem:v22+s4+$0x0], $0xffff;
	[tilespmem:s0+$0x110E0] =	vst v6  }
0x306: {  	v29 =	vor.u32 $0x180, v5;
	[tilespmem:s0+$0x11130] =	vst v11;
	v11 =	vld.idx.msk [tilespmem:v62+s4+$0x0], $0xffff  }
0x307: {  	v25 =	vor.u32 $0x180, v4;
	[tilespmem:s0+$0x11150] =	vst v10;
	v13 =	vld.idx.msk [tilespmem:v13+s4+$0x0], $0xffff  }
0x308: {  	v63 =	vor.u32 $0x200, v1;
	v12 =	vld.idx.msk [tilespmem:v61+s4+$0x0], $0xffff  }
0x309: {  	v24 =	vor.u32 $0x200, v3;
	v47 =	vld [tilespmem:s1+$0x10430];
	[tilespmem:s0+$0x11140] =	vst v7  }
0x30a: {  	v0 =	vor.u32 $0x380, v0;
	[tilespmem:s0+$0x11170] =	vst v27;
	v21 =	vld.idx.msk [tilespmem:v14+s4+$0x0], $0xffff  }
0x30b: {  	v23 =	vor.u32 $0x200, v2;
	v9 =	vld.idx.msk [tilespmem:v29+s4+$0x0], $0xffff;
	[tilespmem:s0+$0x11160] =	vst v11  }
0x30c: {  	[tilespmem:s0+$0x111B0] =	vst v13;
	v13 =	vld.idx.msk [tilespmem:v25+s4+$0x0], $0xffff  }
0x30d: {  	v32 =	vor.u32 $0x200, v4;
	[tilespmem:s0+$0x111D0] =	vst v12;
	v8 =	vld.idx.msk [tilespmem:v63+s4+$0x0], $0xffff  }
0x30e: {  	v33 =	vor.u32 $0x200, v5;
	[tilespmem:s0+$0x11320] =	vst v15;
	v6 =	vld.idx.msk [tilespmem:v24+s4+$0x0], $0xffff  }
0x30f: {  	v26 =	vor.u32 $0x280, v1;
	v0 =	vld.idx.msk [tilespmem:v0+s4+$0x0], $0xffff;
	[tilespmem:s0+$0x111C0] =	vst v21  }
0x310: {  	v31 =	vor.u32 $0x280, v3;
	[tilespmem:s0+$0x111F0] =	vst v9;
	v28 =	vld.idx.msk [tilespmem:v23+s4+$0x0], $0xffff  }
0x311: {  	v30 =	vor.u32 $0x280, v2;
	v59 =	vld [tilespmem:s1+$0x10440];
	[tilespmem:s0+$0x111E0] =	vst v13  }
0x312: {  	[tilespmem:s0+$0x11230] =	vst v8;
	v8 =	vld.idx.msk [tilespmem:v32+s4+$0x0], $0xffff  }
0x313: {  	v38 =	vor.u32 $0x280, v4;
	[tilespmem:s0+$0x11250] =	vst v6;
	v6 =	vld.idx.msk [tilespmem:v33+s4+$0x0], $0xffff  }
0x314: {  	v39 =	vor.u32 $0x280, v5;
	v7 =	vld.idx.msk [tilespmem:v26+s4+$0x0], $0xffff  }
0x315: {  	v34 =	vor.u32 $0x300, v1;
	[tilespmem:s0+$0x11240] =	vst v28;
	v11 =	vld.idx.msk [tilespmem:v31+s4+$0x0], $0xffff  }
0x316: {  	v40 =	vshll.u32 v37, $0x3;
	v36 =	vor.u32 $0x300, v3;
	v10 =	vld.idx.msk [tilespmem:v30+s4+$0x0], $0xffff  }
0x317: {  	v42 =	vand.u32 $0x7F, v37;
	v35 =	vor.u32 $0x300, v2;
	v63 =	vld [tilespmem:s1+$0x10450];
	[tilespmem:s0+$0x11260] =	vst v8;
	v8 =	vand.u32 $0xFFFFFC00, v40  }
0x318: {  	[tilespmem:s0+$0x11270] =	vst v6;
	v41 =	vld.idx.msk [tilespmem:v38+s4+$0x0], $0xffff;
	v6 =	vor.u32 v42, v8  }
0x319: {  	v46 =	vor.u32 $0x300, v4;
	v17 =	vshll.u32 v43, $0x3;
	[tilespmem:s0+$0x112B0] =	vst v7;
	v9 =	vld.idx.msk [tilespmem:v39+s4+$0x0], $0xffff  }
0x31a: {  	v48 =	vor.u32 $0x300, v5;
	v51 =	vand.u32 $0xFFFFFC00, v17;
	[tilespmem:s0+$0x112D0] =	vst v11;
	v8 =	vand.u32 $0x7F, v43;
	v7 =	vld.idx.msk [tilespmem:v34+s4+$0x0], $0xffff  }
0x31b: {  	[tilespmem:s0+$0x112C0] =	vst v10;
	v11 =	vld.idx.msk [tilespmem:v36+s4+$0x0], $0xffff;
	v8 =	vor.u32 v8, v51  }
0x31c: {  	v1 =	vor.u32 $0x380, v1;
	v10 =	vld.idx.msk [tilespmem:v35+s4+$0x0], $0xffff  }
0x31d: {  	v3 =	vor.u32 $0x380, v3;
	v56 =	vshll.u32 v47, $0x3;
	v49 =	vld.idx.msk [tilespmem:v6+s4+$0x0], $0xffff;
	[tilespmem:s0+$0x112E0] =	vst v41  }
0x31e: {  	v44 =	vor.u32 $0x380, v2;
	v58 =	vand.u32 $0x7F, v47;
	v12 =	vand.u32 $0xFFFFFC00, v56;
	[tilespmem:s0+$0x112F0] =	vst v9;
	v53 =	vld.idx.msk [tilespmem:v46+s4+$0x0], $0xffff  }
0x31f: {  	v52 =	vshll.u32 v45, $0x3;
	v9 =	vor.u32 v58, v12;
	v57 =	vld.idx.msk [tilespmem:v48+s4+$0x0], $0xffff  }
0x320: {  	v55 =	vand.u32 $0xFFFFFC00, v52;
	v54 =	vand.u32 $0x7F, v45;
	v50 =	vor.u32 $0x80, v6;
	[tilespmem:s0+$0x11330] =	vst v7;
	v61 =	vld.idx.msk [tilespmem:v8+s4+$0x0], $0xffff  }
0x321: {  	[tilespmem:s0+$0x11350] =	vst v11;
	v7 =	vor.u32 v54, v55;
	v2 =	vld.idx.msk [tilespmem:v1+s4+$0x0], $0xffff  }
0x322: {  	v4 =	vor.u32 $0x380, v4;
	[tilespmem:s0+$0x11340] =	vst v10;
	v3 =	vld.idx.msk [tilespmem:v3+s4+$0x0], $0xffff  }
0x323: {  	v21 =	vshll.u32 v59, $0x3;
	v62 =	vor.u32 $0x80, v8;
	v1 =	vld.idx.msk [tilespmem:v44+s4+$0x0], $0xffff  }
0x324: {  	v18 =	vor.u32 $0x380, v5;
	v25 =	vand.u32 $0x7F, v59;
	v26 =	vand.u32 $0xFFFFFC00, v21;
	[tilespmem:s0+$0x11400] =	vst v49;
	v20 =	vld.idx.msk [tilespmem:v9+s4+$0x0], $0xffff  }
0x325: {  	v10 =	vor.u32 v25, v26;
	v11 =	vld.idx.msk [tilespmem:v50+s4+$0x0], $0xffff  }
0x326: {  	v22 =	vor.u32 $0x80, v9;
	v19 =	vld.idx.msk [tilespmem:v7+s4+$0x0], $0xffff;
	[tilespmem:s0+$0x11360] =	vst v53  }
0x327: {  	v60 =	vor.u32 $0x100, v6;
	[tilespmem:s0+$0x11410] =	vst v61;
	v5 =	vld.idx.msk [tilespmem:v4+s4+$0x0], $0xffff  }
0x328: {  	v24 =	vor.u32 $0x80, v7;
	[tilespmem:s0+$0x11370] =	vst v57;
	v15 =	vld.idx.msk [tilespmem:v62+s4+$0x0], $0xffff  }
0x329: {  	v4 =	vld.idx.msk [tilespmem:v18+s4+$0x0], $0xffff  }
0x32a: {  	v33 =	vld.idx.msk [tilespmem:v10+s4+$0x0], $0xffff;
	[tilespmem:s0+$0x11430] =	vst v20  }
0x32b: {  	v28 =	vshll.u32 v63, $0x3;
	v29 =	vor.u32 $0x100, v8;
	[tilespmem:s0+$0x11480] =	vst v11;
	v31 =	vld.idx.msk [tilespmem:v22+s4+$0x0], $0xffff  }
0x32c: {  	v17 =	vand.u32 $0x7F, v63;
	v34 =	vor.u32 $0x80, v10;
	[tilespmem:s0+$0x11420] =	vst v19;
	v11 =	vand.u32 $0xFFFFFC00, v28;
	v12 =	vld.idx.msk [tilespmem:v60+s4+$0x0], $0xffff  }
0x32d: {  	v13 =	vld.idx.msk [tilespmem:v24+s4+$0x0], $0xffff;
	v11 =	vor.u32 v17, v11  }
0x32e: {  	v32 =	vor.u32 $0x100, v9;
	[tilespmem:s0+$0x11490] =	vst v15;
	v24 =	vld [tilespmem:s1+$0x10460]  }
0x32f: {  	v27 =	vor.u32 $0x180, v6;
	[tilespmem:s0+$0x11440] =	vst v33;
	v33 =	vld [tilespmem:s1+$0x10470]  }
0x330: {  	v30 =	vor.u32 $0x100, v7;
	v16 =	vld.idx.msk [tilespmem:v29+s4+$0x0], $0xffff  }
0x331: {  	v36 =	vor.u32 $0x180, v8;
	v15 =	vld.idx.msk [tilespmem:v34+s4+$0x0], $0xffff  }
0x332: {  	v42 =	vor.u32 $0x100, v10;
	[tilespmem:s0+$0x114B0] =	vst v31;
	v37 =	vld.idx.msk [tilespmem:v11+s4+$0x0], $0xffff  }
0x333: {  	[tilespmem:s0+$0x11500] =	vst v12;
	v12 =	vld.idx.msk [tilespmem:v32+s4+$0x0], $0xffff  }
0x334: {  	s8 =	sshrl.u32 s31, $0x4;
	v38 =	vor.u32 $0x80, v11;
	[tilespmem:s0+$0x114A0] =	vst v13;
	v14 =	vld.idx.msk [tilespmem:v27+s4+$0x0], $0xffff  }
0x335: {  	s9 =	sor.u32 $0x1, s8;
	v40 =	vor.u32 $0x180, v9;
	v17 =	vld.idx.msk [tilespmem:v30+s4+$0x0], $0xffff;
	[tilespmem:s0+$0x11510] =	vst v16  }
0x336: {  	s8 =	sshll.u32 s9, $0x7;
	v35 =	vor.u32 $0x200, v6;
	[tilespmem:s0+$0x114C0] =	vst v15;
	v21 =	vld.idx.msk [tilespmem:v36+s4+$0x0], $0xffff  }
0x337: {  	s8 =	sand.u32 $0x3FFFFF80, s8;
	v39 =	vor.u32 $0x180, v7;
	v16 =	vld.idx.msk [tilespmem:v42+s4+$0x0], $0xffff  }
0x338: {  	[tilespmem:s0+$0x11450] =	vst v37;
	v37 =	vld [tilespmem:s8+$0x10010]  }
0x339: {  	v44 =	vor.u32 $0x200, v8;
	[tilespmem:s0+$0x11530] =	vst v12;
	v45 =	vld.idx.msk [tilespmem:v38+s4+$0x0], $0xffff  }
0x33a: {  	v50 =	vor.u32 $0x180, v10;
	[tilespmem:s0+$0x11580] =	vst v14;
	v14 =	vld.idx.msk [tilespmem:v40+s4+$0x0], $0xffff  }
0x33b: {  	v47 =	vor.u32 $0x100, v11;
	[tilespmem:s0+$0x11520] =	vst v17;
	v41 =	vld.idx.msk [tilespmem:v35+s4+$0x0], $0xffff  }
0x33c: {  	v49 =	vor.u32 $0x200, v9;
	v46 =	vld.idx.msk [tilespmem:v39+s4+$0x0], $0xffff  }
0x33d: {  	v43 =	vor.u32 $0x280, v6;
	[tilespmem:s0+$0x11590] =	vst v21;
	v35 =	vld [tilespmem:s8+$0x10000]  }
0x33e: {  	v48 =	vor.u32 $0x200, v7;
	[tilespmem:s0+$0x11540] =	vst v16;
	v13 =	vld.idx.msk [tilespmem:v44+s4+$0x0], $0xffff  }
0x33f: {  	v56 =	vld.idx.msk [tilespmem:v50+s4+$0x0], $0xffff;
	[tilespmem:s0+$0x114D0] =	vst v45  }
0x340: {  	v58 =	vor.u32 $0x200, v10;
	[tilespmem:s0+$0x115B0] =	vst v14;
	v12 =	vld.idx.msk [tilespmem:v47+s4+$0x0], $0xffff  }
0x341: {  	v52 =	vor.u32 $0x280, v8;
	[tilespmem:s0+$0x11600] =	vst v41;
	v15 =	vld.idx.msk [tilespmem:v49+s4+$0x0], $0xffff  }
0x342: {  	v53 =	vor.u32 $0x180, v11;
	[tilespmem:s0+$0x115A0] =	vst v46;
	v19 =	vld.idx.msk [tilespmem:v43+s4+$0x0], $0xffff  }
0x343: {  	v55 =	vor.u32 $0x280, v9;
	v18 =	vld.idx.msk [tilespmem:v48+s4+$0x0], $0xffff  }
0x344: {  	[tilespmem:s0+$0x115C0] =	vst v56;
	v48 =	vld [tilespmem:s8+$0x10020]  }
0x345: {  	v54 =	vor.u32 $0x280, v7;
	[tilespmem:s0+$0x11610] =	vst v13;
	v13 =	vld.idx.msk [tilespmem:v58+s4+$0x0], $0xffff  }
0x346: {  	v25 =	vor.u32 $0x280, v10;
	v17 =	vld.idx.msk [tilespmem:v52+s4+$0x0], $0xffff;
	[tilespmem:s0+$0x11550] =	vst v12  }
0x347: {  	v51 =	vor.u32 $0x300, v6;
	[tilespmem:s0+$0x11630] =	vst v15;
	v12 =	vld.idx.msk [tilespmem:v53+s4+$0x0], $0xffff  }
0x348: {  	v61 =	vor.u32 $0x300, v8;
	[tilespmem:s0+$0x11680] =	vst v19;
	v16 =	vld.idx.msk [tilespmem:v55+s4+$0x0], $0xffff  }
0x349: {  	v60 =	vor.u32 $0x200, v11;
	v52 =	vld [tilespmem:s8+$0x10030];
	[tilespmem:s0+$0x11620] =	vst v18  }
0x34a: {  	v63 =	vor.u32 $0x300, v9;
	v59 =	vld.idx.msk [tilespmem:v54+s4+$0x0], $0xffff;
	[tilespmem:s0+$0x11640] =	vst v13  }
0x34b: {  	v62 =	vor.u32 $0x300, v7;
	v30 =	vshll.u32 v24, $0x3;
	[tilespmem:s0+$0x11690] =	vst v17;
	v31 =	vld.idx.msk [tilespmem:v25+s4+$0x0], $0xffff  }
0x34c: {  	v32 =	vand.u32 $0x7F, v24;
	v36 =	vor.u32 $0x300, v10;
	v57 =	vld.idx.msk [tilespmem:v51+s4+$0x0], $0xffff;
	v13 =	vand.u32 $0xFFFFFC00, v30;
	[tilespmem:s0+$0x115D0] =	vst v12  }
0x34d: {  	v26 =	vld.idx.msk [tilespmem:v61+s4+$0x0], $0xffff;
	[tilespmem:s0+$0x116B0] =	vst v16;
	v16 =	vor.u32 v32, v13  }
0x34e: {  	v6 =	vor.u32 $0x380, v6;
	v12 =	vld.idx.msk [tilespmem:v60+s4+$0x0], $0xffff  }
0x34f: {  	v27 =	vor.u32 $0x280, v11;
	[tilespmem:s0+$0x116A0] =	vst v59;
	v29 =	vld.idx.msk [tilespmem:v63+s4+$0x0], $0xffff  }
0x350: {  	v8 =	vor.u32 $0x380, v8;
	v28 =	vld.idx.msk [tilespmem:v62+s4+$0x0], $0xffff;
	[tilespmem:s0+$0x116C0] =	vst v31  }
0x351: {  	v34 =	vor.u32 $0x380, v9;
	[tilespmem:s0+$0x11700] =	vst v57;
	v15 =	vld.idx.msk [tilespmem:v36+s4+$0x0], $0xffff  }
0x352: {  	v7 =	vor.u32 $0x380, v7;
	v39 =	vshll.u32 v33, $0x3;
	[tilespmem:s0+$0x11710] =	vst v26;
	v23 =	vld.idx.msk [tilespmem:v16+s4+$0x0], $0xffff  }
0x353: {  	v24 =	vor.u32 $0x380, v11;
	v10 =	vor.u32 $0x380, v10;
	v41 =	vand.u32 $0xFFFFFC00, v39;
	v6 =	vld.idx.msk [tilespmem:v6+s4+$0x0], $0xffff;
	[tilespmem:s0+$0x11650] =	vst v12  }
0x354: {  	v42 =	vshll.u32 v35, $0x3;
	v40 =	vor.u32 $0x80, v16;
	[tilespmem:s0+$0x11730] =	vst v29;
	v12 =	vand.u32 $0x7F, v33;
	v14 =	vld.idx.msk [tilespmem:v27+s4+$0x0], $0xffff  }
0x355: {  	v43 =	vand.u32 $0x7F, v35;
	v9 =	vld.idx.msk [tilespmem:v8+s4+$0x0], $0xffff;
	[tilespmem:s0+$0x11720] =	vst v28;
	v13 =	vor.u32 v12, v41;
	v12 =	vand.u32 $0xFFFFFC00, v42  }
0x356: {  	v38 =	vor.u32 $0x300, v11;
	v57 =	vshll.u32 v52, $0x3;
	v8 =	vld.idx.msk [tilespmem:v34+s4+$0x0], $0xffff;
	v17 =	vor.u32 v43, v12;
	[tilespmem:s0+$0x11740] =	vst v15  }
0x357: {  	v44 =	vshll.u32 v37, $0x3;
	v22 =	vand.u32 $0xFFFFFC00, v57;
	v7 =	vld.idx.msk [tilespmem:v7+s4+$0x0], $0xffff;
	[tilespmem:s0+$0x11460] =	vst v23;
	v23 =	vand.u32 $0x7F, v52  }
0x358: {  	v46 =	vand.u32 $0x7F, v37;
	v47 =	vand.u32 $0xFFFFFC00, v44;
	v11 =	vld.idx.msk [tilespmem:v10+s4+$0x0], $0xffff;
	v15 =	vor.u32 v23, v22  }
0x359: {  	v18 =	vld.idx.msk [tilespmem:v40+s4+$0x0], $0xffff;
	[tilespmem:s0+$0x116D0] =	vst v14;
	v14 =	vor.u32 v46, v47  }
0x35a: {  	v49 =	vor.u32 $0x100, v16;
	v50 =	vld.idx.msk [tilespmem:v13+s4+$0x0], $0xffff  }
0x35b: {  	v51 =	vor.u32 $0x80, v13;
	v25 =	vld.idx.msk [tilespmem:v17+s4+$0x0], $0xffff  }
0x35c: {  	v27 =	vshll.u32 v48, $0x3;
	v53 =	vor.u32 $0x80, v17;
	v45 =	vld.idx.msk [tilespmem:v38+s4+$0x0], $0xffff  }
0x35d: {  	v12 =	vand.u32 $0x7F, v48;
	v55 =	vand.u32 $0xFFFFFC00, v27;
	v31 =	vld.idx.msk [tilespmem:v15+s4+$0x0], $0xffff  }
0x35e: {  	s9 =	sshll.u32 s9, $0xB;
	[tilespmem:s0+$0x114E0] =	vst v18;
	v18 =	vor.u32 v12, v55;
	v26 =	vld.idx.msk [tilespmem:v14+s4+$0x0], $0xffff  }
0x35f: {  	s1 =	sand.u32 $0x3FFFF800, s9;
	v54 =	vor.u32 $0x80, v14;
	v19 =	vld.idx.msk [tilespmem:v49+s4+$0x0], $0xffff;
	[tilespmem:s0+$0x11470] =	vst v50  }
0x360: {  	v56 =	vor.u32 $0x180, v16;
	v21 =	vld.idx.msk [tilespmem:v51+s4+$0x0], $0xffff;
	[tilespmem:s1+$0x11000] =	vst v25  }
0x361: {  	v58 =	vor.u32 $0x100, v13;
	[tilespmem:s0+$0x11750] =	vst v45;
	v25 =	vld.idx.msk [tilespmem:v53+s4+$0x0], $0xffff  }
0x362: {  	v59 =	vor.u32 $0x100, v17;
	v12 =	vld.idx.msk [tilespmem:v24+s4+$0x0], $0xffff  }
0x363: {  	v61 =	vld.idx.msk [tilespmem:v18+s4+$0x0], $0xffff;
	[tilespmem:s1+$0x11010] =	vst v26  }
0x364: {  	[tilespmem:s0+$0x11560] =	vst v19;
	v10 =	vld.idx.msk [tilespmem:v54+s4+$0x0], $0xffff  }
0x365: {  	v62 =	vor.u32 $0x80, v18;
	v20 =	vld.idx.msk [tilespmem:v56+s4+$0x0], $0xffff;
	[tilespmem:s0+$0x114F0] =	vst v21  }
0x366: {  	v32 =	vor.u32 $0x80, v15;
	v24 =	vld.idx.msk [tilespmem:v58+s4+$0x0], $0xffff;
	[tilespmem:s1+$0x11080] =	vst v25  }
0x367: {  	[tilespmem:s0+$0x113A0] =	vst v0;
	v60 =	vor.u32 $0x100, v14;
	v22 =	vld.idx.msk [tilespmem:v59+s4+$0x0], $0xffff  }
0x368: {  	[tilespmem:s0+$0x113B0] =	vst v2;
	v63 =	vor.u32 $0x200, v16;
	v59 =	vld [tilespmem:s8+$0x10040]  }
0x369: {  	[tilespmem:s1+$0x11020] =	vst v61;
	v61 =	vld [tilespmem:s8+$0x10050]  }
0x36a: {  	v30 =	vor.u32 $0x180, v13;
	[tilespmem:s1+$0x11030] =	vst v31;
	v21 =	vld.idx.msk [tilespmem:v62+s4+$0x0], $0xffff  }
0x36b: {  	v33 =	vor.u32 $0x180, v17;
	[tilespmem:s1+$0x11090] =	vst v10;
	v10 =	vld.idx.msk [tilespmem:v32+s4+$0x0], $0xffff  }
0x36c: {  	[tilespmem:s0+$0x115E0] =	vst v20;
	v19 =	vld.idx.msk [tilespmem:v60+s4+$0x0], $0xffff  }
0x36d: {  	[tilespmem:s0+$0x113D0] =	vst v3;
	v35 =	vor.u32 $0x100, v18;
	v26 =	vld.idx.msk [tilespmem:v63+s4+$0x0], $0xffff  }
0x36e: {  	v38 =	vor.u32 $0x100, v15;
	[tilespmem:s0+$0x11570] =	vst v24;
	v63 =	vld [tilespmem:s8+$0x10060]  }
0x36f: {  	v27 =	vld.idx.msk [tilespmem:v30+s4+$0x0], $0xffff;
	[tilespmem:s1+$0x11100] =	vst v22  }
0x370: {  	[tilespmem:s0+$0x113C0] =	vst v1;
	v34 =	vor.u32 $0x180, v14;
	v23 =	vld.idx.msk [tilespmem:v33+s4+$0x0], $0xffff  }
0x371: {  	v36 =	vor.u32 $0x280, v16;
	v33 =	vld [tilespmem:s8+$0x10400];
	[tilespmem:s1+$0x110A0] =	vst v21  }
0x372: {  	v37 =	vor.u32 $0x200, v13;
	v24 =	vld.idx.msk [tilespmem:v35+s4+$0x0], $0xffff;
	[tilespmem:s1+$0x110B0] =	vst v10  }
0x373: {  	v39 =	vor.u32 $0x200, v17;
	[tilespmem:s1+$0x11110] =	vst v19;
	v19 =	vld.idx.msk [tilespmem:v38+s4+$0x0], $0xffff  }
0x374: {  	[tilespmem:s0+$0x113F0] =	vst v4;
	v41 =	vor.u32 $0x180, v18;
	v38 =	vld [tilespmem:s8+$0x10410]  }
0x375: {  	v42 =	vor.u32 $0x300, v16;
	v52 =	vor.u32 $0x300, v17;
	v44 =	vor.u32 $0x180, v15;
	[tilespmem:s0+$0x11660] =	vst v26;
	v20 =	vld.idx.msk [tilespmem:v34+s4+$0x0], $0xffff  }
0x376: {  	v40 =	vor.u32 $0x200, v14;
	v45 =	vor.u32 $0x280, v17;
	v32 =	vshll.u32 v63, $0x3;
	v25 =	vld.idx.msk [tilespmem:v36+s4+$0x0], $0xffff;
	[tilespmem:s0+$0x115F0] =	vst v27  }
0x377: {  	v60 =	vor.u32 $0x380, v17;
	v34 =	vand.u32 $0x7F, v63;
	v17 =	vand.u32 $0xFFFFFC00, v32;
	v22 =	vld.idx.msk [tilespmem:v37+s4+$0x0], $0xffff;
	[tilespmem:s1+$0x11180] =	vst v23  }
0x378: {  	v4 =	vor.u32 v34, v17;
	v21 =	vld.idx.msk [tilespmem:v39+s4+$0x0], $0xffff;
	[tilespmem:s1+$0x11120] =	vst v24  }
0x379: {  	v43 =	vor.u32 $0x280, v13;
	v27 =	vld.idx.msk [tilespmem:v41+s4+$0x0], $0xffff;
	[tilespmem:s1+$0x11130] =	vst v19  }
0x37a: {  	[tilespmem:s1+$0x11190] =	vst v20;
	v20 =	vld.idx.msk [tilespmem:v44+s4+$0x0], $0xffff  }
0x37b: {  	v47 =	vor.u32 $0x200, v18;
	[tilespmem:s0+$0x116E0] =	vst v25;
	v26 =	vld.idx.msk [tilespmem:v40+s4+$0x0], $0xffff  }
0x37c: {  	[tilespmem:s0+$0x11790] =	vst v9;
	v51 =	vor.u32 $0x200, v15;
	v10 =	vld.idx.msk [tilespmem:v42+s4+$0x0], $0xffff  }
0x37d: {  	[tilespmem:s0+$0x11670] =	vst v22;
	v44 =	vld.idx.msk [tilespmem:v4+s4+$0x0], $0xffff  }
0x37e: {  	v16 =	vor.u32 $0x380, v16;
	v46 =	vor.u32 $0x280, v14;
	v49 =	vor.u32 $0x300, v13;
	v48 =	vld.idx.msk [tilespmem:v43+s4+$0x0], $0xffff;
	[tilespmem:s1+$0x11200] =	vst v21  }
0x37f: {  	v31 =	vor.u32 $0x380, v18;
	v54 =	vor.u32 $0x280, v18;
	v42 =	vshll.u32 v33, $0x3;
	v50 =	vld.idx.msk [tilespmem:v45+s4+$0x0], $0xffff;
	[tilespmem:s1+$0x111A0] =	vst v27  }
0x380: {  	v62 =	vor.u32 $0x300, v18;
	v18 =	vand.u32 $0x7F, v33;
	v9 =	vand.u32 $0xFFFFFC00, v42;
	v22 =	vld.idx.msk [tilespmem:v47+s4+$0x0], $0xffff;
	[tilespmem:s1+$0x111B0] =	vst v20  }
0x381: {  	[tilespmem:s0+$0x117B0] =	vst v8;
	v9 =	vor.u32 v18, v9;
	v47 =	vshll.u32 v38, $0x3;
	v20 =	vld.idx.msk [tilespmem:v51+s4+$0x0], $0xffff  }
0x382: {  	v45 =	vor.u32 $0x80, v4;
	[tilespmem:s1+$0x11210] =	vst v26;
	v8 =	vand.u32 $0xFFFFFC00, v47;
	v47 =	vld [tilespmem:s8+$0x10420]  }
0x383: {  	v27 =	vshll.u32 v59, $0x3;
	[tilespmem:s0+$0x11760] =	vst v10;
	v25 =	vld.idx.msk [tilespmem:v46+s4+$0x0], $0xffff  }
0x384: {  	v2 =	vand.u32 $0x7F, v59;
	v28 =	vshll.u32 v61, $0x3;
	v3 =	vand.u32 $0xFFFFFC00, v27;
	v10 =	vld.idx.msk [tilespmem:v16+s4+$0x0], $0xffff;
	[tilespmem:s0+$0x116F0] =	vst v48  }
0x385: {  	[tilespmem:s0+$0x113E0] =	vst v5;
	v29 =	vand.u32 $0x7F, v61;
	v30 =	vand.u32 $0xFFFFFC00, v28;
	v2 =	vor.u32 v2, v3;
	v19 =	vld.idx.msk [tilespmem:v49+s4+$0x0], $0xffff  }
0x386: {  	v3 =	vor.u32 v29, v30;
	[tilespmem:s1+$0x11060] =	vst v44;
	v51 =	vld.idx.msk [tilespmem:v9+s4+$0x0], $0xffff  }
0x387: {  	v56 =	vor.u32 $0x280, v15;
	[tilespmem:s1+$0x11280] =	vst v50;
	v18 =	vld.idx.msk [tilespmem:v45+s4+$0x0], $0xffff  }
0x388: {  	v55 =	vld.idx.msk [tilespmem:v52+s4+$0x0], $0xffff;
	[tilespmem:s1+$0x11220] =	vst v22  }
0x389: {  	[tilespmem:s0+$0x11780] =	vst v6;
	v53 =	vor.u32 $0x300, v14;
	v16 =	vld.idx.msk [tilespmem:v54+s4+$0x0], $0xffff  }
0x38a: {  	[tilespmem:s0+$0x117A0] =	vst v7;
	v58 =	vor.u32 $0x380, v13;
	v39 =	vld.idx.msk [tilespmem:v2+s4+$0x0], $0xffff  }
0x38b: {  	v52 =	vor.u32 $0x80, v9;
	[tilespmem:s1+$0x11230] =	vst v20;
	v41 =	vld.idx.msk [tilespmem:v3+s4+$0x0], $0xffff  }
0x38c: {  	[tilespmem:s0+$0x117D0] =	vst v12;
	v23 =	vld.idx.msk [tilespmem:v56+s4+$0x0], $0xffff  }
0x38d: {  	[tilespmem:s1+$0x11290] =	vst v25;
	v25 =	vld [tilespmem:s8+$0x10070]  }
0x38e: {  	v43 =	vor.u32 $0x80, v3;
	v57 =	vld.idx.msk [tilespmem:v53+s4+$0x0], $0xffff;
	[tilespmem:s0+$0x11770] =	vst v19  }
0x38f: {  	v26 =	vor.u32 $0x300, v15;
	[tilespmem:s1+$0x11400] =	vst v51;
	v1 =	vld.idx.msk [tilespmem:v58+s4+$0x0], $0xffff  }
0x390: {  	v53 =	vor.u32 $0x100, v4;
	[tilespmem:s1+$0x11300] =	vst v55;
	v20 =	vld.idx.msk [tilespmem:v52+s4+$0x0], $0xffff  }
0x391: {  	v14 =	vor.u32 $0x380, v14;
	v0 =	vld.idx.msk [tilespmem:v60+s4+$0x0], $0xffff;
	[tilespmem:s1+$0x112A0] =	vst v16  }
0x392: {  	v40 =	vor.u32 $0x80, v2;
	[tilespmem:s1+$0x11050] =	vst v41;
	v16 =	vld.idx.msk [tilespmem:v62+s4+$0x0], $0xffff  }
0x393: {  	[tilespmem:s1+$0x112B0] =	vst v23;
	v13 =	vld.idx.msk [tilespmem:v43+s4+$0x0], $0xffff  }
0x394: {  	v50 =	vor.u32 $0x100, v3;
	[tilespmem:s1+$0x110E0] =	vst v18;
	v35 =	vshll.u32 v25, $0x3;
	v21 =	vld.idx.msk [tilespmem:v26+s4+$0x0], $0xffff  }
0x395: {  	v36 =	vand.u32 $0x7F, v25;
	[tilespmem:s1+$0x11310] =	vst v57;
	v37 =	vand.u32 $0xFFFFFC00, v35;
	v12 =	vld.idx.msk [tilespmem:v53+s4+$0x0], $0xffff  }
0x396: {  	[tilespmem:s1+$0x11040] =	vst v39;
	v5 =	vld.idx.msk [tilespmem:v14+s4+$0x0], $0xffff;
	v6 =	vor.u32 v36, v37  }
0x397: {  	v15 =	vor.u32 $0x380, v15;
	[tilespmem:s1+$0x11320] =	vst v16;
	v16 =	vld.idx.msk [tilespmem:v40+s4+$0x0], $0xffff  }
0x398: {  	v60 =	vor.u32 $0x180, v4;
	v14 =	vand.u32 $0x7F, v38;
	[tilespmem:s1+$0x110D0] =	vst v13;
	v7 =	vld.idx.msk [tilespmem:v31+s4+$0x0], $0xffff  }
0x399: {  	[tilespmem:s0+$0x117C0] =	vst v11;
	v8 =	vor.u32 v14, v8;
	v14 =	vld.idx.msk [tilespmem:v50+s4+$0x0], $0xffff  }
0x39a: {  	v49 =	vor.u32 $0x100, v2;
	[tilespmem:s0+$0x117E0] =	vst v10;
	v50 =	vld [tilespmem:s8+$0x10450]  }
0x39b: {  	[tilespmem:s1+$0x11330] =	vst v21;
	v46 =	vld.idx.msk [tilespmem:v6+s4+$0x0], $0xffff  }
0x39c: {  	v58 =	vor.u32 $0x180, v3;
	[tilespmem:s1+$0x11160] =	vst v12;
	v15 =	vld.idx.msk [tilespmem:v15+s4+$0x0], $0xffff  }
0x39d: {  	[tilespmem:s1+$0x11480] =	vst v20;
	v48 =	vor.u32 $0x80, v6;
	v21 =	vld.idx.msk [tilespmem:v60+s4+$0x0], $0xffff  }
0x39e: {  	v55 =	vld.idx.msk [tilespmem:v8+s4+$0x0], $0xffff;
	[tilespmem:s1+$0x110C0] =	vst v16  }
0x39f: {  	[tilespmem:s0+$0x117F0] =	vst v1;
	v56 =	vor.u32 $0x80, v8;
	v11 =	vld.idx.msk [tilespmem:v49+s4+$0x0], $0xffff  }
0x3a0: {  	[tilespmem:s1+$0x11150] =	vst v14;
	v49 =	vld [tilespmem:s8+$0x10440]  }
0x3a1: {  	v57 =	vor.u32 $0x180, v2;
	[tilespmem:s1+$0x11070] =	vst v46;
	v18 =	vld.idx.msk [tilespmem:v58+s4+$0x0], $0xffff  }
0x3a2: {  	v59 =	vor.u32 $0x100, v9;
	[tilespmem:s1+$0x11380] =	vst v0;
	v17 =	vld.idx.msk [tilespmem:v48+s4+$0x0], $0xffff  }
0x3a3: {  	v24 =	vor.u32 $0x200, v3;
	[tilespmem:s1+$0x11410] =	vst v55;
	v48 =	vld [tilespmem:s8+$0x10430]  }
0x3a4: {  	v54 =	vor.u32 $0x100, v6;
	[tilespmem:s1+$0x11390] =	vst v5;
	v13 =	vld.idx.msk [tilespmem:v56+s4+$0x0], $0xffff  }
0x3a5: {  	v56 =	vld [tilespmem:s8+$0x10460];
	[tilespmem:s1+$0x11140] =	vst v11  }
0x3a6: {  	v26 =	vor.u32 $0x200, v4;
	v19 =	vld.idx.msk [tilespmem:v57+s4+$0x0], $0xffff;
	[tilespmem:s1+$0x111D0] =	vst v18  }
0x3a7: {  	v62 =	vor.u32 $0x100, v8;
	[tilespmem:s1+$0x110F0] =	vst v17;
	v17 =	vld.idx.msk [tilespmem:v59+s4+$0x0], $0xffff  }
0x3a8: {  	v63 =	vor.u32 $0x200, v2;
	[tilespmem:s1+$0x113A0] =	vst v7;
	v12 =	vld.idx.msk [tilespmem:v24+s4+$0x0], $0xffff  }
0x3a9: {  	v25 =	vor.u32 $0x180, v9;
	[tilespmem:s1+$0x111E0] =	vst v21;
	v16 =	vld.idx.msk [tilespmem:v54+s4+$0x0], $0xffff  }
0x3aa: {  	v30 =	vor.u32 $0x280, v3;
	v57 =	vld [tilespmem:s8+$0x10470];
	[tilespmem:s1+$0x11490] =	vst v13  }
0x3ab: {  	v61 =	vor.u32 $0x180, v6;
	v13 =	vld.idx.msk [tilespmem:v26+s4+$0x0], $0xffff;
	[tilespmem:s1+$0x111C0] =	vst v19  }
0x3ac: {  	v32 =	vor.u32 $0x280, v4;
	v14 =	vld.idx.msk [tilespmem:v62+s4+$0x0], $0xffff;
	v62 =	vshll.u32 v50, $0x3;
	[tilespmem:s1+$0x11500] =	vst v17  }
0x3ad: {  	v28 =	vor.u32 $0x180, v8;
	v10 =	vand.u32 $0x7F, v50;
	v5 =	vand.u32 $0xFFFFFC00, v62;
	v20 =	vld.idx.msk [tilespmem:v63+s4+$0x0], $0xffff;
	[tilespmem:s1+$0x11250] =	vst v12  }
0x3ae: {  	v63 =	vor.u32 v10, v5;
	[tilespmem:s1+$0x11170] =	vst v16;
	v16 =	vld.idx.msk [tilespmem:v25+s4+$0x0], $0xffff  }
0x3af: {  	v29 =	vor.u32 $0x280, v2;
	[tilespmem:s1+$0x113B0] =	vst v15;
	v21 =	vld.idx.msk [tilespmem:v30+s4+$0x0], $0xffff  }
0x3b0: {  	v31 =	vor.u32 $0x200, v9;
	[tilespmem:s1+$0x11260] =	vst v13;
	v11 =	vld.idx.msk [tilespmem:v61+s4+$0x0], $0xffff  }
0x3b1: {  	v36 =	vor.u32 $0x300, v3;
	[tilespmem:s1+$0x11510] =	vst v14;
	v14 =	vld.idx.msk [tilespmem:v32+s4+$0x0], $0xffff  }
0x3b2: {  	v27 =	vor.u32 $0x200, v6;
	v18 =	vld.idx.msk [tilespmem:v28+s4+$0x0], $0xffff;
	[tilespmem:s1+$0x11240] =	vst v20  }
0x3b3: {  	v38 =	vor.u32 $0x300, v4;
	v24 =	vld.idx.msk [tilespmem:v63+s4+$0x0], $0xffff;
	[tilespmem:s1+$0x11580] =	vst v16  }
0x3b4: {  	v34 =	vor.u32 $0x200, v8;
	v17 =	vld.idx.msk [tilespmem:v29+s4+$0x0], $0xffff;
	[tilespmem:s1+$0x112D0] =	vst v21  }
0x3b5: {  	v35 =	vor.u32 $0x300, v2;
	v53 =	vand.u32 $0x7F, v47;
	[tilespmem:s1+$0x111F0] =	vst v11;
	v11 =	vld.idx.msk [tilespmem:v31+s4+$0x0], $0xffff  }
0x3b6: {  	v37 =	vor.u32 $0x280, v9;
	v3 =	vor.u32 $0x380, v3;
	v4 =	vor.u32 $0x380, v4;
	v41 =	vld.idx.msk [tilespmem:v36+s4+$0x0], $0xffff;
	[tilespmem:s1+$0x112E0] =	vst v14  }
0x3b7: {  	v33 =	vor.u32 $0x280, v6;
	v55 =	vshll.u32 v48, $0x3;
	v54 =	vshll.u32 v47, $0x3;
	v19 =	vld.idx.msk [tilespmem:v27+s4+$0x0], $0xffff;
	[tilespmem:s1+$0x11590] =	vst v18  }
0x3b8: {  	v15 =	vand.u32 $0xFFFFFC00, v55;
	v1 =	vand.u32 $0xFFFFFC00, v54;
	v13 =	vand.u32 $0x7F, v48;
	v14 =	vld.idx.msk [tilespmem:v38+s4+$0x0], $0xffff;
	[tilespmem:s1+$0x11450] =	vst v24  }
0x3b9: {  	v0 =	vor.u32 v53, v1;
	v1 =	vor.u32 v13, v15;
	v15 =	vshll.u32 v57, $0x3;
	v12 =	vld.idx.msk [tilespmem:v34+s4+$0x0], $0xffff;
	[tilespmem:s1+$0x112C0] =	vst v17  }
0x3ba: {  	v40 =	vor.u32 $0x280, v8;
	v10 =	vand.u32 $0xFFFFFC00, v15;
	v17 =	vand.u32 $0x7F, v57;
	v16 =	vld.idx.msk [tilespmem:v35+s4+$0x0], $0xffff;
	[tilespmem:s1+$0x11600] =	vst v11  }
0x3bb: {  	v51 =	vor.u32 $0x380, v9;
	v43 =	vor.u32 $0x300, v9;
	[tilespmem:s1+$0x11350] =	vst v41;
	v9 =	vor.u32 v17, v10;
	v42 =	vld.idx.msk [tilespmem:v37+s4+$0x0], $0xffff  }
0x3bc: {  	v2 =	vor.u32 $0x380, v2;
	[tilespmem:s1+$0x11270] =	vst v19;
	v59 =	vld.idx.msk [tilespmem:v3+s4+$0x0], $0xffff  }
0x3bd: {  	[tilespmem:s1+$0x11360] =	vst v14;
	v20 =	vld.idx.msk [tilespmem:v33+s4+$0x0], $0xffff  }
0x3be: {  	[tilespmem:s1+$0x11610] =	vst v12;
	v4 =	vld.idx.msk [tilespmem:v4+s4+$0x0], $0xffff  }
0x3bf: {  	v39 =	vor.u32 $0x300, v6;
	v12 =	vshll.u32 v56, $0x3;
	v45 =	vld.idx.msk [tilespmem:v40+s4+$0x0], $0xffff;
	[tilespmem:s1+$0x11340] =	vst v16  }
0x3c0: {  	v46 =	vor.u32 $0x300, v8;
	v14 =	vand.u32 $0x7F, v56;
	v5 =	vand.u32 $0xFFFFFC00, v12;
	v28 =	vld.idx.msk [tilespmem:v9+s4+$0x0], $0xffff;
	[tilespmem:s1+$0x11680] =	vst v42  }
0x3c1: {  	v61 =	vshll.u32 v49, $0x3;
	v5 =	vor.u32 v14, v5;
	v58 =	vld.idx.msk [tilespmem:v2+s4+$0x0], $0xffff;
	[tilespmem:s1+$0x113D0] =	vst v59  }
0x3c2: {  	v60 =	vand.u32 $0x7F, v49;
	v3 =	vand.u32 $0xFFFFFC00, v61;
	[tilespmem:s1+$0x112F0] =	vst v20;
	v18 =	vld.idx.msk [tilespmem:v43+s4+$0x0], $0xffff  }
0x3c3: {  	v3 =	vor.u32 v60, v3;
	[tilespmem:s1+$0x113E0] =	vst v4;
	v20 =	vld.idx.msk [tilespmem:v1+s4+$0x0], $0xffff  }
0x3c4: {  	v44 =	vld.idx.msk [tilespmem:v39+s4+$0x0], $0xffff;
	[tilespmem:s1+$0x11690] =	vst v45  }
0x3c5: {  	v6 =	vor.u32 $0x380, v6;
	v52 =	vld.idx.msk [tilespmem:v46+s4+$0x0], $0xffff;
	[tilespmem:s1+$0x11470] =	vst v28  }
0x3c6: {  	v8 =	vor.u32 $0x380, v8;
	v26 =	vld.idx.msk [tilespmem:v5+s4+$0x0], $0xffff;
	[tilespmem:s1+$0x113C0] =	vst v58  }
0x3c7: {  	v27 =	vor.u32 $0x80, v5;
	[tilespmem:s1+$0x11700] =	vst v18;
	v18 =	vld.idx.msk [tilespmem:v0+s4+$0x0], $0xffff  }
0x3c8: {  	v19 =	vor.u32 $0x80, v0;
	v22 =	vld.idx.msk [tilespmem:v3+s4+$0x0], $0xffff;
	[tilespmem:s1+$0x11430] =	vst v20  }
0x3c9: {  	v23 =	vor.u32 $0x80, v3;
	[tilespmem:s1+$0x11370] =	vst v44;
	v7 =	vld.idx.msk [tilespmem:v51+s4+$0x0], $0xffff  }
0x3ca: {  	v29 =	vor.u32 $0x80, v9;
	v6 =	vld.idx.msk [tilespmem:v6+s4+$0x0], $0xffff;
	[tilespmem:s1+$0x11710] =	vst v52  }
0x3cb: {  	v21 =	vor.u32 $0x80, v1;
	[tilespmem:s1+$0x11460] =	vst v26;
	v8 =	vld.idx.msk [tilespmem:v8+s4+$0x0], $0xffff  }
0x3cc: {  	v25 =	vor.u32 $0x80, v63;
	v11 =	vld.idx.msk [tilespmem:v27+s4+$0x0], $0xffff;
	[tilespmem:s1+$0x11420] =	vst v18  }
0x3cd: {  	v34 =	vor.u32 $0x100, v5;
	[tilespmem:s1+$0x11440] =	vst v22;
	v4 =	vld.idx.msk [tilespmem:v19+s4+$0x0], $0xffff  }
0x3ce: {  	v30 =	vor.u32 $0x100, v0;
	[tilespmem:s1+$0x11780] =	vst v7;
	v7 =	vld.idx.msk [tilespmem:v23+s4+$0x0], $0xffff  }
0x3cf: {  	v32 =	vor.u32 $0x100, v3;
	v10 =	vld.idx.msk [tilespmem:v29+s4+$0x0], $0xffff;
	[tilespmem:s1+$0x113F0] =	vst v6  }
0x3d0: {  	v35 =	vor.u32 $0x100, v9;
	v6 =	vld.idx.msk [tilespmem:v21+s4+$0x0], $0xffff;
	[tilespmem:s1+$0x11790] =	vst v8  }
0x3d1: {  	v31 =	vor.u32 $0x100, v1;
	v8 =	vld.idx.msk [tilespmem:v25+s4+$0x0], $0xffff;
	[tilespmem:s1+$0x114E0] =	vst v11  }
0x3d2: {  	v33 =	vor.u32 $0x100, v63;
	[tilespmem:s1+$0x114A0] =	vst v4;
	v4 =	vld.idx.msk [tilespmem:v34+s4+$0x0], $0xffff  }
0x3d3: {  	v40 =	vor.u32 $0x180, v5;
	[tilespmem:s1+$0x114C0] =	vst v7;
	v12 =	vld.idx.msk [tilespmem:v30+s4+$0x0], $0xffff  }
0x3d4: {  	v36 =	vor.u32 $0x180, v0;
	[tilespmem:s1+$0x114F0] =	vst v10;
	v14 =	vld.idx.msk [tilespmem:v32+s4+$0x0], $0xffff  }
0x3d5: {  	v38 =	vor.u32 $0x180, v3;
	[tilespmem:s1+$0x114B0] =	vst v6;
	v6 =	vld.idx.msk [tilespmem:v35+s4+$0x0], $0xffff  }
0x3d6: {  	v41 =	vor.u32 $0x180, v9;
	v13 =	vld.idx.msk [tilespmem:v31+s4+$0x0], $0xffff;
	[tilespmem:s1+$0x114D0] =	vst v8  }
0x3d7: {  	v37 =	vor.u32 $0x180, v1;
	v15 =	vld.idx.msk [tilespmem:v33+s4+$0x0], $0xffff;
	[tilespmem:s1+$0x11560] =	vst v4  }
0x3d8: {  	v39 =	vor.u32 $0x180, v63;
	[tilespmem:s1+$0x11520] =	vst v12;
	v12 =	vld.idx.msk [tilespmem:v40+s4+$0x0], $0xffff  }
0x3d9: {  	v46 =	vor.u32 $0x200, v5;
	[tilespmem:s1+$0x11540] =	vst v14;
	v7 =	vld.idx.msk [tilespmem:v36+s4+$0x0], $0xffff  }
0x3da: {  	v42 =	vor.u32 $0x200, v0;
	[tilespmem:s1+$0x11570] =	vst v6;
	v11 =	vld.idx.msk [tilespmem:v38+s4+$0x0], $0xffff  }
0x3db: {  	v44 =	vor.u32 $0x200, v3;
	[tilespmem:s1+$0x11530] =	vst v13;
	v13 =	vld.idx.msk [tilespmem:v41+s4+$0x0], $0xffff  }
0x3dc: {  	v47 =	vor.u32 $0x200, v9;
	v8 =	vld.idx.msk [tilespmem:v37+s4+$0x0], $0xffff;
	[tilespmem:s1+$0x11550] =	vst v15  }
0x3dd: {  	v43 =	vor.u32 $0x200, v1;
	v10 =	vld.idx.msk [tilespmem:v39+s4+$0x0], $0xffff;
	[tilespmem:s1+$0x115E0] =	vst v12  }
0x3de: {  	v45 =	vor.u32 $0x200, v63;
	[tilespmem:s1+$0x115A0] =	vst v7;
	v7 =	vld.idx.msk [tilespmem:v46+s4+$0x0], $0xffff  }
0x3df: {  	v52 =	vor.u32 $0x280, v5;
	[tilespmem:s1+$0x115C0] =	vst v11;
	v14 =	vld.idx.msk [tilespmem:v42+s4+$0x0], $0xffff  }
0x3e0: {  	v48 =	vor.u32 $0x280, v0;
	[tilespmem:s1+$0x115F0] =	vst v13;
	v4 =	vld.idx.msk [tilespmem:v44+s4+$0x0], $0xffff  }
0x3e1: {  	v50 =	vor.u32 $0x280, v3;
	[tilespmem:s1+$0x115B0] =	vst v8;
	v8 =	vld.idx.msk [tilespmem:v47+s4+$0x0], $0xffff  }
0x3e2: {  	v53 =	vor.u32 $0x280, v9;
	v15 =	vld.idx.msk [tilespmem:v43+s4+$0x0], $0xffff;
	[tilespmem:s1+$0x115D0] =	vst v10  }
0x3e3: {  	v49 =	vor.u32 $0x280, v1;
	v6 =	vld.idx.msk [tilespmem:v45+s4+$0x0], $0xffff;
	[tilespmem:s1+$0x11660] =	vst v7  }
0x3e4: {  	v51 =	vor.u32 $0x280, v63;
	[tilespmem:s1+$0x11620] =	vst v14;
	v14 =	vld.idx.msk [tilespmem:v52+s4+$0x0], $0xffff  }
0x3e5: {  	v58 =	vor.u32 $0x300, v5;
	[tilespmem:s1+$0x11640] =	vst v4;
	v11 =	vld.idx.msk [tilespmem:v48+s4+$0x0], $0xffff  }
0x3e6: {  	v54 =	vor.u32 $0x300, v0;
	[tilespmem:s1+$0x11670] =	vst v8;
	v12 =	vld.idx.msk [tilespmem:v50+s4+$0x0], $0xffff  }
0x3e7: {  	v56 =	vor.u32 $0x300, v3;
	[tilespmem:s1+$0x11630] =	vst v15;
	v15 =	vld.idx.msk [tilespmem:v53+s4+$0x0], $0xffff  }
0x3e8: {  	v59 =	vor.u32 $0x300, v9;
	v10 =	vld.idx.msk [tilespmem:v49+s4+$0x0], $0xffff;
	[tilespmem:s1+$0x11650] =	vst v6  }
0x3e9: {  	v55 =	vor.u32 $0x300, v1;
	v13 =	vld.idx.msk [tilespmem:v51+s4+$0x0], $0xffff;
	[tilespmem:s1+$0x116E0] =	vst v14  }
0x3ea: {  	v57 =	vor.u32 $0x300, v63;
	[tilespmem:s1+$0x116A0] =	vst v11;
	v11 =	vld.idx.msk [tilespmem:v58+s4+$0x0], $0xffff  }
0x3eb: {  	v60 =	vor.u32 $0x380, v5;
	[tilespmem:s1+$0x116C0] =	vst v12;
	v4 =	vld.idx.msk [tilespmem:v54+s4+$0x0], $0xffff  }
0x3ec: {  	v0 =	vor.u32 $0x380, v0;
	[tilespmem:s1+$0x116F0] =	vst v15;
	v7 =	vld.idx.msk [tilespmem:v56+s4+$0x0], $0xffff  }
0x3ed: {  	v3 =	vor.u32 $0x380, v3;
	[tilespmem:s1+$0x116B0] =	vst v10;
	v61 =	vld.idx.msk [tilespmem:v59+s4+$0x0], $0xffff  }
0x3ee: {  	v62 =	vor.u32 $0x380, v9;
	v6 =	vld.idx.msk [tilespmem:v55+s4+$0x0], $0xffff;
	[tilespmem:s1+$0x116D0] =	vst v13  }
0x3ef: {  	v1 =	vor.u32 $0x380, v1;
	v8 =	vld.idx.msk [tilespmem:v57+s4+$0x0], $0xffff;
	[tilespmem:s1+$0x11760] =	vst v11  }
0x3f0: {  	v2 =	vor.u32 $0x380, v63;
	[tilespmem:s1+$0x11720] =	vst v4;
	v4 =	vld.idx.msk [tilespmem:v60+s4+$0x0], $0xffff  }
0x3f1: {  	[tilespmem:s1+$0x11740] =	vst v7;
	v0 =	vld.idx.msk [tilespmem:v0+s4+$0x0], $0xffff  }
0x3f2: {  	[tilespmem:s1+$0x11770] =	vst v61;
	v3 =	vld.idx.msk [tilespmem:v3+s4+$0x0], $0xffff  }
0x3f3: {  	[tilespmem:s1+$0x11730] =	vst v6;
	v63 =	vld.idx.msk [tilespmem:v62+s4+$0x0], $0xffff  }
0x3f4: {  	v1 =	vld.idx.msk [tilespmem:v1+s4+$0x0], $0xffff;
	[tilespmem:s1+$0x11750] =	vst v8  }
0x3f5: {  	p0 =	slt.u32 s31, $0x60;
	v2 =	vld.idx.msk [tilespmem:v2+s4+$0x0], $0xffff;
	[tilespmem:s1+$0x117E0] =	vst v4  }
.Ltmp2:
0x3f6: {  	[tilespmem:s1+$0x117A0] =	vst v0;
	(pc) =	sbr.rel @p0 .LBB2_7-.Ltmp2, $4  }
0x3f7: {  	[tilespmem:s1+$0x117C0] =	vst v3  }
0x3f8: {  	[tilespmem:s1+$0x117F0] =	vst v63  }
0x3f9: {  	s9 =	sadd.s32 $0x20, s31;
	[tilespmem:s1+$0x117B0] =	vst v1  }
0x3fa: {  	s31 =	smov.u32 s9;
	[tilespmem:s1+$0x117D0] =	vst v2  }
0x3fb: {  	s0 =	sshll.u32 s28, $0x14  }
0x3fc: {  	s0 =	sor.u32 s6, s0  }
0x3fd: {  	s0 =	sshrl.u32 s0, $0x3  }
0x3fe: {  	s31 =	smin.u32 s30, $0xE8;
	s0 =	sadd.s32 s3, s0  }
0x3ff: {  	[hbm4b:s0+s19] =	stream.strided.scatter [tilespmem:s20], [sflag:$0x3], $0x4000, s15, s19, $0x38;
	[tilespmem:$0x19000] =	vst v63  }
0x400: {  	s0 =	sshll.u32 s31, $0xA  }
0x401: {  	s0 =	sadd.s32 s13, s0  }
0x402: {  	s0 =	sshrl.u32 s0, $0x3  }
0x403: {  	s30 =	simm.s32 $0x0;
	s0 =	sadd.s32 s2, s0  }
0x404: {  	[tilespmem:s15], [sflag:$0x1] =	stream.linear.gather [hbm4b:s0+s30], $0x800, $0x38;
	[tilespmem:$0x19000] =	vst v63  }
0x405: {  	_ =	swait.ge [sflag:s21], $0x800  }
0x406: {  	[sflag:s21] =	ssyncset.done $0x0  }
0x407: {  	[sflag:s21] =	ssyncadd.s32 $0xFFFFF800  }
0x408: {  	_ =	swait.ge [sflag:s24], $0x4000  }
0x409: {  	[sflag:s24] =	ssyncset.done $0x0  }
0x40a: {  	[sflag:s24] =	ssyncadd.s32 $0xFFFFC000  }
.LBB2_9:
0x40b: {  	s0 =	sshll.u32 s30, $0x3  }
0x40c: {  	s1 =	sand.u32 $0x3FFFFFF8, s0  }
0x40d: {  	v0 =	vld [tilespmem:s1+$0x10800]  }
0x40e: {  	v1 =	vld [tilespmem:s1+$0x10810];
	_ =	sdelay $0x3  }
0x40f: {  	v2 =	vshll.u32 v0, $0x3  }
0x410: {  	v0 =	vand.u32 $0x7F, v0;
	v3 =	vshll.u32 v1, $0x3;
	v2 =	vand.u32 $0xFFFFFC00, v2  }
0x411: {  	v20 =	vand.u32 $0x7F, v1;
	v21 =	vand.u32 $0xFFFFFC00, v3;
	v2 =	vor.u32 v0, v2  }
0x412: {  	v1 =	vor.u32 v20, v21;
	_ =	sdelay $0x3  }
0x413: {  	v22 =	vld.idx.msk [tilespmem:v2+s4+$0x0], $0xffff  }
0x414: {  	v23 =	vor.u32 $0x80, v2;
	v4 =	vld.idx.msk [tilespmem:v1+s4+$0x0], $0xffff  }
0x415: {  	v5 =	vor.u32 $0x80, v1  }
0x416: {  	s31 =	sshll.u32 s30, $0x7  }
0x417: {  	s0 =	sand.u32 $0x3FFFFF80, s31  }
0x418: {  	[tilespmem:s0+$0x15000] =	vst v22  }
0x419: {  	[tilespmem:s0+$0x15010] =	vst v4;
	v0 =	vld.idx.msk [tilespmem:v23+s4+$0x0], $0xffff  }
0x41a: {  	v24 =	vor.u32 $0x100, v2;
	v4 =	vld.idx.msk [tilespmem:v5+s4+$0x0], $0xffff  }
0x41b: {  	v6 =	vld [tilespmem:s1+$0x10820];
	v25 =	vor.u32 $0x100, v1;
	_ =	sdelay $0x2  }
0x41c: {  	[tilespmem:s0+$0x15080] =	vst v0  }
0x41d: {  	[tilespmem:s0+$0x15090] =	vst v4;
	v3 =	vld.idx.msk [tilespmem:v24+s4+$0x0], $0xffff  }
0x41e: {  	v27 =	vshll.u32 v6, $0x3;
	v26 =	vor.u32 $0x180, v2;
	v5 =	vld.idx.msk [tilespmem:v25+s4+$0x0], $0xffff  }
0x41f: {  	v6 =	vand.u32 $0x7F, v6;
	v7 =	vor.u32 $0x180, v1;
	v0 =	vand.u32 $0xFFFFFC00, v27  }
0x420: {  	v0 =	vor.u32 v6, v0;
	_ =	sdelay $0x1  }
0x421: {  	[tilespmem:s0+$0x15100] =	vst v3  }
0x422: {  	[tilespmem:s0+$0x15110] =	vst v5;
	v3 =	vld.idx.msk [tilespmem:v26+s4+$0x0], $0xffff  }
0x423: {  	v28 =	vor.u32 $0x200, v2;
	v5 =	vld.idx.msk [tilespmem:v7+s4+$0x0], $0xffff  }
0x424: {  	v29 =	vor.u32 $0x200, v1;
	v30 =	vld.idx.msk [tilespmem:v0+s4+$0x0], $0xffff  }
0x425: {  	v8 =	vor.u32 $0x80, v0;
	_ =	sdelay $0x1  }
0x426: {  	[tilespmem:s0+$0x15180] =	vst v3  }
0x427: {  	[tilespmem:s0+$0x15190] =	vst v5;
	v3 =	vld.idx.msk [tilespmem:v28+s4+$0x0], $0xffff  }
0x428: {  	v31 =	vor.u32 $0x280, v2;
	[tilespmem:s0+$0x15020] =	vst v30;
	v5 =	vld.idx.msk [tilespmem:v29+s4+$0x0], $0xffff  }
0x429: {  	v32 =	vor.u32 $0x280, v1;
	v7 =	vld.idx.msk [tilespmem:v8+s4+$0x0], $0xffff  }
0x42a: {  	v33 =	vor.u32 $0x100, v0;
	_ =	sdelay $0x1  }
0x42b: {  	[tilespmem:s0+$0x15200] =	vst v3  }
0x42c: {  	[tilespmem:s0+$0x15210] =	vst v5;
	v3 =	vld.idx.msk [tilespmem:v31+s4+$0x0], $0xffff  }
0x42d: {  	v34 =	vor.u32 $0x300, v2;
	[tilespmem:s0+$0x150A0] =	vst v7;
	v5 =	vld.idx.msk [tilespmem:v32+s4+$0x0], $0xffff  }
0x42e: {  	v35 =	vor.u32 $0x300, v1;
	v7 =	vld.idx.msk [tilespmem:v33+s4+$0x0], $0xffff  }
0x42f: {  	v36 =	vor.u32 $0x180, v0;
	_ =	sdelay $0x1  }
0x430: {  	[tilespmem:s0+$0x15280] =	vst v3  }
0x431: {  	[tilespmem:s0+$0x15290] =	vst v5;
	v3 =	vld.idx.msk [tilespmem:v34+s4+$0x0], $0xffff  }
0x432: {  	v2 =	vor.u32 $0x380, v2;
	[tilespmem:s0+$0x15120] =	vst v7;
	v37 =	vld.idx.msk [tilespmem:v35+s4+$0x0], $0xffff  }
0x433: {  	v1 =	vor.u32 $0x380, v1;
	v38 =	vld.idx.msk [tilespmem:v36+s4+$0x0], $0xffff  }
0x434: {  	v39 =	vor.u32 $0x200, v0;
	_ =	sdelay $0x1  }
0x435: {  	[tilespmem:s0+$0x15300] =	vst v3  }
0x436: {  	[tilespmem:s0+$0x15310] =	vst v37;
	v2 =	vld.idx.msk [tilespmem:v2+s4+$0x0], $0xffff  }
0x437: {  	[tilespmem:s0+$0x151A0] =	vst v38;
	v1 =	vld.idx.msk [tilespmem:v1+s4+$0x0], $0xffff  }
0x438: {  	v40 =	vld.idx.msk [tilespmem:v39+s4+$0x0], $0xffff;
	_ =	sdelay $0x2  }
0x439: {  	[tilespmem:s0+$0x15380] =	vst v2  }
0x43a: {  	[tilespmem:s0+$0x15390] =	vst v1  }
0x43b: {  	[tilespmem:s0+$0x15220] =	vst v40  }
0x43c: {  	v41 =	vld [tilespmem:s1+$0x10830]  }
0x43d: {  	v3 =	vld [tilespmem:s1+$0x10850]  }
0x43e: {  	v42 =	vld [tilespmem:s1+$0x10840]  }
0x43f: {  	v15 =	vor.u32 $0x280, v0;
	v47 =	vld [tilespmem:s1+$0x10860]  }
0x440: {  	v50 =	vld [tilespmem:s1+$0x10870]  }
0x441: {  	v16 =	vor.u32 $0x300, v0;
	v43 =	vshll.u32 v41, $0x3  }
0x442: {  	v1 =	vand.u32 $0x7F, v41;
	v45 =	vshll.u32 v3, $0x3;
	v4 =	vand.u32 $0xFFFFFC00, v43  }
0x443: {  	v3 =	vand.u32 $0x7F, v3;
	v46 =	vand.u32 $0xFFFFFC00, v45;
	v1 =	vor.u32 v1, v4  }
0x444: {  	v15 =	vld.idx.msk [tilespmem:v15+s4+$0x0], $0xffff;
	v44 =	vshll.u32 v42, $0x3;
	v2 =	vand.u32 $0x7F, v42;
	v3 =	vor.u32 v3, v46  }
0x445: {  	v11 =	vshll.u32 v47, $0x3;
	v52 =	vshll.u32 v50, $0x3;
	v4 =	vand.u32 $0xFFFFFC00, v44  }
0x446: {  	v7 =	vand.u32 $0x7F, v50;
	v5 =	vand.u32 $0xFFFFFC00, v52;
	v2 =	vor.u32 v2, v4  }
0x447: {  	v37 =	vld [tilespmem:s1+$0x10C00];
	v11 =	vand.u32 $0xFFFFFC00, v11;
	v5 =	vor.u32 v7, v5;
	v4 =	vand.u32 $0x7F, v47  }
0x448: {  	v4 =	vor.u32 v4, v11;
	v48 =	vld.idx.msk [tilespmem:v1+s4+$0x0], $0xffff  }
0x449: {  	[tilespmem:s0+$0x152A0] =	vst v15;
	v49 =	vor.u32 $0x80, v1;
	v10 =	vld.idx.msk [tilespmem:v3+s4+$0x0], $0xffff  }
0x44a: {  	v15 =	vld.idx.msk [tilespmem:v16+s4+$0x0], $0xffff;
	v12 =	vor.u32 $0x80, v3  }
0x44b: {  	v51 =	vld.idx.msk [tilespmem:v2+s4+$0x0], $0xffff  }
0x44c: {  	v9 =	vor.u32 $0x80, v2;
	v59 =	vld.idx.msk [tilespmem:v5+s4+$0x0], $0xffff  }
0x44d: {  	v60 =	vor.u32 $0x80, v5;
	v57 =	vld.idx.msk [tilespmem:v4+s4+$0x0], $0xffff;
	[tilespmem:s0+$0x15030] =	vst v48  }
0x44e: {  	v58 =	vor.u32 $0x80, v4;
	[tilespmem:s0+$0x15050] =	vst v10;
	v6 =	vld.idx.msk [tilespmem:v49+s4+$0x0], $0xffff  }
0x44f: {  	v53 =	vor.u32 $0x100, v1;
	v55 =	vld.idx.msk [tilespmem:v12+s4+$0x0], $0xffff  }
0x450: {  	v43 =	vld [tilespmem:s1+$0x10C10];
	v56 =	vor.u32 $0x100, v3;
	[tilespmem:s0+$0x15040] =	vst v51  }
0x451: {  	[tilespmem:s0+$0x15070] =	vst v59;
	v8 =	vld.idx.msk [tilespmem:v9+s4+$0x0], $0xffff  }
0x452: {  	v54 =	vor.u32 $0x100, v2;
	v20 =	vld.idx.msk [tilespmem:v60+s4+$0x0], $0xffff;
	[tilespmem:s0+$0x15060] =	vst v57  }
0x453: {  	v22 =	vor.u32 $0x100, v5;
	[tilespmem:s0+$0x150B0] =	vst v6;
	v6 =	vld.idx.msk [tilespmem:v58+s4+$0x0], $0xffff  }
0x454: {  	v62 =	vor.u32 $0x100, v4;
	[tilespmem:s0+$0x150D0] =	vst v55;
	v11 =	vld.idx.msk [tilespmem:v53+s4+$0x0], $0xffff  }
0x455: {  	v13 =	vor.u32 $0x180, v1;
	v10 =	vld.idx.msk [tilespmem:v56+s4+$0x0], $0xffff  }
0x456: {  	v45 =	vld [tilespmem:s1+$0x10C20];
	v61 =	vor.u32 $0x180, v3;
	[tilespmem:s0+$0x150C0] =	vst v8  }
0x457: {  	[tilespmem:s0+$0x150F0] =	vst v20;
	v7 =	vld.idx.msk [tilespmem:v54+s4+$0x0], $0xffff  }
0x458: {  	v14 =	vor.u32 $0x180, v2;
	v27 =	vld.idx.msk [tilespmem:v22+s4+$0x0], $0xffff;
	[tilespmem:s0+$0x150E0] =	vst v6  }
0x459: {  	v29 =	vor.u32 $0x180, v5;
	[tilespmem:s0+$0x15130] =	vst v11;
	v11 =	vld.idx.msk [tilespmem:v62+s4+$0x0], $0xffff  }
0x45a: {  	v25 =	vor.u32 $0x180, v4;
	[tilespmem:s0+$0x15150] =	vst v10;
	v13 =	vld.idx.msk [tilespmem:v13+s4+$0x0], $0xffff  }
0x45b: {  	v63 =	vor.u32 $0x200, v1;
	v12 =	vld.idx.msk [tilespmem:v61+s4+$0x0], $0xffff  }
0x45c: {  	v24 =	vor.u32 $0x200, v3;
	v47 =	vld [tilespmem:s1+$0x10C30];
	[tilespmem:s0+$0x15140] =	vst v7  }
0x45d: {  	v0 =	vor.u32 $0x380, v0;
	[tilespmem:s0+$0x15170] =	vst v27;
	v21 =	vld.idx.msk [tilespmem:v14+s4+$0x0], $0xffff  }
0x45e: {  	v23 =	vor.u32 $0x200, v2;
	v9 =	vld.idx.msk [tilespmem:v29+s4+$0x0], $0xffff;
	[tilespmem:s0+$0x15160] =	vst v11  }
0x45f: {  	[tilespmem:s0+$0x151B0] =	vst v13;
	v13 =	vld.idx.msk [tilespmem:v25+s4+$0x0], $0xffff  }
0x460: {  	v32 =	vor.u32 $0x200, v4;
	[tilespmem:s0+$0x151D0] =	vst v12;
	v8 =	vld.idx.msk [tilespmem:v63+s4+$0x0], $0xffff  }
0x461: {  	v33 =	vor.u32 $0x200, v5;
	[tilespmem:s0+$0x15320] =	vst v15;
	v6 =	vld.idx.msk [tilespmem:v24+s4+$0x0], $0xffff  }
0x462: {  	v26 =	vor.u32 $0x280, v1;
	v0 =	vld.idx.msk [tilespmem:v0+s4+$0x0], $0xffff;
	[tilespmem:s0+$0x151C0] =	vst v21  }
0x463: {  	v31 =	vor.u32 $0x280, v3;
	[tilespmem:s0+$0x151F0] =	vst v9;
	v28 =	vld.idx.msk [tilespmem:v23+s4+$0x0], $0xffff  }
0x464: {  	v30 =	vor.u32 $0x280, v2;
	v59 =	vld [tilespmem:s1+$0x10C40];
	[tilespmem:s0+$0x151E0] =	vst v13  }
0x465: {  	[tilespmem:s0+$0x15230] =	vst v8;
	v8 =	vld.idx.msk [tilespmem:v32+s4+$0x0], $0xffff  }
0x466: {  	v38 =	vor.u32 $0x280, v4;
	[tilespmem:s0+$0x15250] =	vst v6;
	v6 =	vld.idx.msk [tilespmem:v33+s4+$0x0], $0xffff  }
0x467: {  	v39 =	vor.u32 $0x280, v5;
	v7 =	vld.idx.msk [tilespmem:v26+s4+$0x0], $0xffff  }
0x468: {  	v34 =	vor.u32 $0x300, v1;
	[tilespmem:s0+$0x15240] =	vst v28;
	v11 =	vld.idx.msk [tilespmem:v31+s4+$0x0], $0xffff  }
0x469: {  	v40 =	vshll.u32 v37, $0x3;
	v36 =	vor.u32 $0x300, v3;
	v10 =	vld.idx.msk [tilespmem:v30+s4+$0x0], $0xffff  }
0x46a: {  	v42 =	vand.u32 $0x7F, v37;
	v35 =	vor.u32 $0x300, v2;
	v63 =	vld [tilespmem:s1+$0x10C50];
	[tilespmem:s0+$0x15260] =	vst v8;
	v8 =	vand.u32 $0xFFFFFC00, v40  }
0x46b: {  	[tilespmem:s0+$0x15270] =	vst v6;
	v41 =	vld.idx.msk [tilespmem:v38+s4+$0x0], $0xffff;
	v6 =	vor.u32 v42, v8  }
0x46c: {  	v46 =	vor.u32 $0x300, v4;
	v17 =	vshll.u32 v43, $0x3;
	[tilespmem:s0+$0x152B0] =	vst v7;
	v9 =	vld.idx.msk [tilespmem:v39+s4+$0x0], $0xffff  }
0x46d: {  	v48 =	vor.u32 $0x300, v5;
	v51 =	vand.u32 $0xFFFFFC00, v17;
	[tilespmem:s0+$0x152D0] =	vst v11;
	v8 =	vand.u32 $0x7F, v43;
	v7 =	vld.idx.msk [tilespmem:v34+s4+$0x0], $0xffff  }
0x46e: {  	[tilespmem:s0+$0x152C0] =	vst v10;
	v11 =	vld.idx.msk [tilespmem:v36+s4+$0x0], $0xffff;
	v8 =	vor.u32 v8, v51  }
0x46f: {  	v1 =	vor.u32 $0x380, v1;
	v10 =	vld.idx.msk [tilespmem:v35+s4+$0x0], $0xffff  }
0x470: {  	v3 =	vor.u32 $0x380, v3;
	v56 =	vshll.u32 v47, $0x3;
	v49 =	vld.idx.msk [tilespmem:v6+s4+$0x0], $0xffff;
	[tilespmem:s0+$0x152E0] =	vst v41  }
0x471: {  	v44 =	vor.u32 $0x380, v2;
	v58 =	vand.u32 $0x7F, v47;
	v12 =	vand.u32 $0xFFFFFC00, v56;
	[tilespmem:s0+$0x152F0] =	vst v9;
	v53 =	vld.idx.msk [tilespmem:v46+s4+$0x0], $0xffff  }
0x472: {  	v52 =	vshll.u32 v45, $0x3;
	v9 =	vor.u32 v58, v12;
	v57 =	vld.idx.msk [tilespmem:v48+s4+$0x0], $0xffff  }
0x473: {  	v55 =	vand.u32 $0xFFFFFC00, v52;
	v54 =	vand.u32 $0x7F, v45;
	v50 =	vor.u32 $0x80, v6;
	[tilespmem:s0+$0x15330] =	vst v7;
	v61 =	vld.idx.msk [tilespmem:v8+s4+$0x0], $0xffff  }
0x474: {  	[tilespmem:s0+$0x15350] =	vst v11;
	v7 =	vor.u32 v54, v55;
	v2 =	vld.idx.msk [tilespmem:v1+s4+$0x0], $0xffff  }
0x475: {  	v4 =	vor.u32 $0x380, v4;
	[tilespmem:s0+$0x15340] =	vst v10;
	v3 =	vld.idx.msk [tilespmem:v3+s4+$0x0], $0xffff  }
0x476: {  	v21 =	vshll.u32 v59, $0x3;
	v62 =	vor.u32 $0x80, v8;
	v1 =	vld.idx.msk [tilespmem:v44+s4+$0x0], $0xffff  }
0x477: {  	v18 =	vor.u32 $0x380, v5;
	v25 =	vand.u32 $0x7F, v59;
	v26 =	vand.u32 $0xFFFFFC00, v21;
	[tilespmem:s0+$0x15400] =	vst v49;
	v20 =	vld.idx.msk [tilespmem:v9+s4+$0x0], $0xffff  }
0x478: {  	v10 =	vor.u32 v25, v26;
	v11 =	vld.idx.msk [tilespmem:v50+s4+$0x0], $0xffff  }
0x479: {  	v22 =	vor.u32 $0x80, v9;
	v19 =	vld.idx.msk [tilespmem:v7+s4+$0x0], $0xffff;
	[tilespmem:s0+$0x15360] =	vst v53  }
0x47a: {  	v60 =	vor.u32 $0x100, v6;
	[tilespmem:s0+$0x15410] =	vst v61;
	v5 =	vld.idx.msk [tilespmem:v4+s4+$0x0], $0xffff  }
0x47b: {  	v24 =	vor.u32 $0x80, v7;
	[tilespmem:s0+$0x15370] =	vst v57;
	v15 =	vld.idx.msk [tilespmem:v62+s4+$0x0], $0xffff  }
0x47c: {  	v4 =	vld.idx.msk [tilespmem:v18+s4+$0x0], $0xffff  }
0x47d: {  	v33 =	vld.idx.msk [tilespmem:v10+s4+$0x0], $0xffff;
	[tilespmem:s0+$0x15430] =	vst v20  }
0x47e: {  	v28 =	vshll.u32 v63, $0x3;
	v29 =	vor.u32 $0x100, v8;
	[tilespmem:s0+$0x15480] =	vst v11;
	v31 =	vld.idx.msk [tilespmem:v22+s4+$0x0], $0xffff  }
0x47f: {  	v17 =	vand.u32 $0x7F, v63;
	v34 =	vor.u32 $0x80, v10;
	[tilespmem:s0+$0x15420] =	vst v19;
	v11 =	vand.u32 $0xFFFFFC00, v28;
	v12 =	vld.idx.msk [tilespmem:v60+s4+$0x0], $0xffff  }
0x480: {  	v13 =	vld.idx.msk [tilespmem:v24+s4+$0x0], $0xffff;
	v11 =	vor.u32 v17, v11  }
0x481: {  	v32 =	vor.u32 $0x100, v9;
	[tilespmem:s0+$0x15490] =	vst v15;
	v24 =	vld [tilespmem:s1+$0x10C60]  }
0x482: {  	v27 =	vor.u32 $0x180, v6;
	[tilespmem:s0+$0x15440] =	vst v33;
	v33 =	vld [tilespmem:s1+$0x10C70]  }
0x483: {  	v30 =	vor.u32 $0x100, v7;
	v16 =	vld.idx.msk [tilespmem:v29+s4+$0x0], $0xffff  }
0x484: {  	v36 =	vor.u32 $0x180, v8;
	v15 =	vld.idx.msk [tilespmem:v34+s4+$0x0], $0xffff  }
0x485: {  	v42 =	vor.u32 $0x100, v10;
	[tilespmem:s0+$0x154B0] =	vst v31;
	v37 =	vld.idx.msk [tilespmem:v11+s4+$0x0], $0xffff  }
0x486: {  	[tilespmem:s0+$0x15500] =	vst v12;
	v12 =	vld.idx.msk [tilespmem:v32+s4+$0x0], $0xffff  }
0x487: {  	s8 =	sshrl.u32 s30, $0x4;
	v38 =	vor.u32 $0x80, v11;
	[tilespmem:s0+$0x154A0] =	vst v13;
	v14 =	vld.idx.msk [tilespmem:v27+s4+$0x0], $0xffff  }
0x488: {  	s9 =	sor.u32 $0x1, s8;
	v40 =	vor.u32 $0x180, v9;
	v17 =	vld.idx.msk [tilespmem:v30+s4+$0x0], $0xffff;
	[tilespmem:s0+$0x15510] =	vst v16  }
0x489: {  	s8 =	sshll.u32 s9, $0x7;
	v35 =	vor.u32 $0x200, v6;
	[tilespmem:s0+$0x154C0] =	vst v15;
	v21 =	vld.idx.msk [tilespmem:v36+s4+$0x0], $0xffff  }
0x48a: {  	s31 =	sand.u32 $0x3FFFFF80, s8;
	v39 =	vor.u32 $0x180, v7;
	v16 =	vld.idx.msk [tilespmem:v42+s4+$0x0], $0xffff  }
0x48b: {  	[tilespmem:s0+$0x15450] =	vst v37;
	v37 =	vld [tilespmem:s31+$0x10810]  }
0x48c: {  	v44 =	vor.u32 $0x200, v8;
	[tilespmem:s0+$0x15530] =	vst v12;
	v45 =	vld.idx.msk [tilespmem:v38+s4+$0x0], $0xffff  }
0x48d: {  	v50 =	vor.u32 $0x180, v10;
	[tilespmem:s0+$0x15580] =	vst v14;
	v14 =	vld.idx.msk [tilespmem:v40+s4+$0x0], $0xffff  }
0x48e: {  	v47 =	vor.u32 $0x100, v11;
	[tilespmem:s0+$0x15520] =	vst v17;
	v41 =	vld.idx.msk [tilespmem:v35+s4+$0x0], $0xffff  }
0x48f: {  	v49 =	vor.u32 $0x200, v9;
	v46 =	vld.idx.msk [tilespmem:v39+s4+$0x0], $0xffff  }
0x490: {  	v43 =	vor.u32 $0x280, v6;
	[tilespmem:s0+$0x15590] =	vst v21;
	v35 =	vld [tilespmem:s31+$0x10800]  }
0x491: {  	v48 =	vor.u32 $0x200, v7;
	[tilespmem:s0+$0x15540] =	vst v16;
	v13 =	vld.idx.msk [tilespmem:v44+s4+$0x0], $0xffff  }
0x492: {  	v56 =	vld.idx.msk [tilespmem:v50+s4+$0x0], $0xffff;
	[tilespmem:s0+$0x154D0] =	vst v45  }
0x493: {  	v58 =	vor.u32 $0x200, v10;
	[tilespmem:s0+$0x155B0] =	vst v14;
	v12 =	vld.idx.msk [tilespmem:v47+s4+$0x0], $0xffff  }
0x494: {  	v52 =	vor.u32 $0x280, v8;
	[tilespmem:s0+$0x15600] =	vst v41;
	v15 =	vld.idx.msk [tilespmem:v49+s4+$0x0], $0xffff  }
0x495: {  	v53 =	vor.u32 $0x180, v11;
	[tilespmem:s0+$0x155A0] =	vst v46;
	v19 =	vld.idx.msk [tilespmem:v43+s4+$0x0], $0xffff  }
0x496: {  	v55 =	vor.u32 $0x280, v9;
	v18 =	vld.idx.msk [tilespmem:v48+s4+$0x0], $0xffff  }
0x497: {  	[tilespmem:s0+$0x155C0] =	vst v56;
	v48 =	vld [tilespmem:s31+$0x10820]  }
0x498: {  	v54 =	vor.u32 $0x280, v7;
	[tilespmem:s0+$0x15610] =	vst v13;
	v13 =	vld.idx.msk [tilespmem:v58+s4+$0x0], $0xffff  }
0x499: {  	v25 =	vor.u32 $0x280, v10;
	v17 =	vld.idx.msk [tilespmem:v52+s4+$0x0], $0xffff;
	[tilespmem:s0+$0x15550] =	vst v12  }
0x49a: {  	v51 =	vor.u32 $0x300, v6;
	[tilespmem:s0+$0x15630] =	vst v15;
	v12 =	vld.idx.msk [tilespmem:v53+s4+$0x0], $0xffff  }
0x49b: {  	v61 =	vor.u32 $0x300, v8;
	[tilespmem:s0+$0x15680] =	vst v19;
	v16 =	vld.idx.msk [tilespmem:v55+s4+$0x0], $0xffff  }
0x49c: {  	v60 =	vor.u32 $0x200, v11;
	v52 =	vld [tilespmem:s31+$0x10830];
	[tilespmem:s0+$0x15620] =	vst v18  }
0x49d: {  	v63 =	vor.u32 $0x300, v9;
	v59 =	vld.idx.msk [tilespmem:v54+s4+$0x0], $0xffff;
	[tilespmem:s0+$0x15640] =	vst v13  }
0x49e: {  	v62 =	vor.u32 $0x300, v7;
	v30 =	vshll.u32 v24, $0x3;
	[tilespmem:s0+$0x15690] =	vst v17;
	v31 =	vld.idx.msk [tilespmem:v25+s4+$0x0], $0xffff  }
0x49f: {  	v32 =	vand.u32 $0x7F, v24;
	v36 =	vor.u32 $0x300, v10;
	v57 =	vld.idx.msk [tilespmem:v51+s4+$0x0], $0xffff;
	v13 =	vand.u32 $0xFFFFFC00, v30;
	[tilespmem:s0+$0x155D0] =	vst v12  }
0x4a0: {  	v26 =	vld.idx.msk [tilespmem:v61+s4+$0x0], $0xffff;
	[tilespmem:s0+$0x156B0] =	vst v16;
	v16 =	vor.u32 v32, v13  }
0x4a1: {  	v6 =	vor.u32 $0x380, v6;
	v12 =	vld.idx.msk [tilespmem:v60+s4+$0x0], $0xffff  }
0x4a2: {  	v27 =	vor.u32 $0x280, v11;
	[tilespmem:s0+$0x156A0] =	vst v59;
	v29 =	vld.idx.msk [tilespmem:v63+s4+$0x0], $0xffff  }
0x4a3: {  	v8 =	vor.u32 $0x380, v8;
	v28 =	vld.idx.msk [tilespmem:v62+s4+$0x0], $0xffff;
	[tilespmem:s0+$0x156C0] =	vst v31  }
0x4a4: {  	v34 =	vor.u32 $0x380, v9;
	[tilespmem:s0+$0x15700] =	vst v57;
	v15 =	vld.idx.msk [tilespmem:v36+s4+$0x0], $0xffff  }
0x4a5: {  	v7 =	vor.u32 $0x380, v7;
	v39 =	vshll.u32 v33, $0x3;
	[tilespmem:s0+$0x15710] =	vst v26;
	v23 =	vld.idx.msk [tilespmem:v16+s4+$0x0], $0xffff  }
0x4a6: {  	v24 =	vor.u32 $0x380, v11;
	v10 =	vor.u32 $0x380, v10;
	v41 =	vand.u32 $0xFFFFFC00, v39;
	v6 =	vld.idx.msk [tilespmem:v6+s4+$0x0], $0xffff;
	[tilespmem:s0+$0x15650] =	vst v12  }
0x4a7: {  	v42 =	vshll.u32 v35, $0x3;
	v40 =	vor.u32 $0x80, v16;
	[tilespmem:s0+$0x15730] =	vst v29;
	v12 =	vand.u32 $0x7F, v33;
	v14 =	vld.idx.msk [tilespmem:v27+s4+$0x0], $0xffff  }
0x4a8: {  	v43 =	vand.u32 $0x7F, v35;
	v9 =	vld.idx.msk [tilespmem:v8+s4+$0x0], $0xffff;
	[tilespmem:s0+$0x15720] =	vst v28;
	v13 =	vor.u32 v12, v41;
	v12 =	vand.u32 $0xFFFFFC00, v42  }
0x4a9: {  	v38 =	vor.u32 $0x300, v11;
	v57 =	vshll.u32 v52, $0x3;
	v8 =	vld.idx.msk [tilespmem:v34+s4+$0x0], $0xffff;
	v17 =	vor.u32 v43, v12;
	[tilespmem:s0+$0x15740] =	vst v15  }
0x4aa: {  	v44 =	vshll.u32 v37, $0x3;
	v22 =	vand.u32 $0xFFFFFC00, v57;
	v7 =	vld.idx.msk [tilespmem:v7+s4+$0x0], $0xffff;
	[tilespmem:s0+$0x15460] =	vst v23;
	v23 =	vand.u32 $0x7F, v52  }
0x4ab: {  	v46 =	vand.u32 $0x7F, v37;
	v47 =	vand.u32 $0xFFFFFC00, v44;
	v11 =	vld.idx.msk [tilespmem:v10+s4+$0x0], $0xffff;
	v15 =	vor.u32 v23, v22  }
0x4ac: {  	v18 =	vld.idx.msk [tilespmem:v40+s4+$0x0], $0xffff;
	[tilespmem:s0+$0x156D0] =	vst v14;
	v14 =	vor.u32 v46, v47  }
0x4ad: {  	v49 =	vor.u32 $0x100, v16;
	v50 =	vld.idx.msk [tilespmem:v13+s4+$0x0], $0xffff  }
0x4ae: {  	v51 =	vor.u32 $0x80, v13;
	v25 =	vld.idx.msk [tilespmem:v17+s4+$0x0], $0xffff  }
0x4af: {  	v27 =	vshll.u32 v48, $0x3;
	v53 =	vor.u32 $0x80, v17;
	v45 =	vld.idx.msk [tilespmem:v38+s4+$0x0], $0xffff  }
0x4b0: {  	v12 =	vand.u32 $0x7F, v48;
	v55 =	vand.u32 $0xFFFFFC00, v27;
	v31 =	vld.idx.msk [tilespmem:v15+s4+$0x0], $0xffff  }
0x4b1: {  	s9 =	sshll.u32 s9, $0xB;
	[tilespmem:s0+$0x154E0] =	vst v18;
	v18 =	vor.u32 v12, v55;
	v26 =	vld.idx.msk [tilespmem:v14+s4+$0x0], $0xffff  }
0x4b2: {  	s1 =	sand.u32 $0x3FFFF800, s9;
	v54 =	vor.u32 $0x80, v14;
	v19 =	vld.idx.msk [tilespmem:v49+s4+$0x0], $0xffff;
	[tilespmem:s0+$0x15470] =	vst v50  }
0x4b3: {  	v56 =	vor.u32 $0x180, v16;
	v21 =	vld.idx.msk [tilespmem:v51+s4+$0x0], $0xffff;
	[tilespmem:s1+$0x15000] =	vst v25  }
0x4b4: {  	v58 =	vor.u32 $0x100, v13;
	[tilespmem:s0+$0x15750] =	vst v45;
	v25 =	vld.idx.msk [tilespmem:v53+s4+$0x0], $0xffff  }
0x4b5: {  	v59 =	vor.u32 $0x100, v17;
	v12 =	vld.idx.msk [tilespmem:v24+s4+$0x0], $0xffff  }
0x4b6: {  	v61 =	vld.idx.msk [tilespmem:v18+s4+$0x0], $0xffff;
	[tilespmem:s1+$0x15010] =	vst v26  }
0x4b7: {  	[tilespmem:s0+$0x15560] =	vst v19;
	v10 =	vld.idx.msk [tilespmem:v54+s4+$0x0], $0xffff  }
0x4b8: {  	v62 =	vor.u32 $0x80, v18;
	v20 =	vld.idx.msk [tilespmem:v56+s4+$0x0], $0xffff;
	[tilespmem:s0+$0x154F0] =	vst v21  }
0x4b9: {  	v32 =	vor.u32 $0x80, v15;
	v24 =	vld.idx.msk [tilespmem:v58+s4+$0x0], $0xffff;
	[tilespmem:s1+$0x15080] =	vst v25  }
0x4ba: {  	[tilespmem:s0+$0x153A0] =	vst v0;
	v60 =	vor.u32 $0x100, v14;
	v22 =	vld.idx.msk [tilespmem:v59+s4+$0x0], $0xffff  }
0x4bb: {  	[tilespmem:s0+$0x153B0] =	vst v2;
	v63 =	vor.u32 $0x200, v16;
	v59 =	vld [tilespmem:s31+$0x10840]  }
0x4bc: {  	[tilespmem:s1+$0x15020] =	vst v61;
	v61 =	vld [tilespmem:s31+$0x10850]  }
0x4bd: {  	v30 =	vor.u32 $0x180, v13;
	[tilespmem:s1+$0x15030] =	vst v31;
	v21 =	vld.idx.msk [tilespmem:v62+s4+$0x0], $0xffff  }
0x4be: {  	v33 =	vor.u32 $0x180, v17;
	[tilespmem:s1+$0x15090] =	vst v10;
	v10 =	vld.idx.msk [tilespmem:v32+s4+$0x0], $0xffff  }
0x4bf: {  	[tilespmem:s0+$0x155E0] =	vst v20;
	v19 =	vld.idx.msk [tilespmem:v60+s4+$0x0], $0xffff  }
0x4c0: {  	[tilespmem:s0+$0x153D0] =	vst v3;
	v35 =	vor.u32 $0x100, v18;
	v26 =	vld.idx.msk [tilespmem:v63+s4+$0x0], $0xffff  }
0x4c1: {  	v38 =	vor.u32 $0x100, v15;
	[tilespmem:s0+$0x15570] =	vst v24;
	v63 =	vld [tilespmem:s31+$0x10860]  }
0x4c2: {  	v27 =	vld.idx.msk [tilespmem:v30+s4+$0x0], $0xffff;
	[tilespmem:s1+$0x15100] =	vst v22  }
0x4c3: {  	[tilespmem:s0+$0x153C0] =	vst v1;
	v34 =	vor.u32 $0x180, v14;
	v23 =	vld.idx.msk [tilespmem:v33+s4+$0x0], $0xffff  }
0x4c4: {  	v36 =	vor.u32 $0x280, v16;
	v33 =	vld [tilespmem:s31+$0x10C00];
	[tilespmem:s1+$0x150A0] =	vst v21  }
0x4c5: {  	v37 =	vor.u32 $0x200, v13;
	v24 =	vld.idx.msk [tilespmem:v35+s4+$0x0], $0xffff;
	[tilespmem:s1+$0x150B0] =	vst v10  }
0x4c6: {  	v39 =	vor.u32 $0x200, v17;
	[tilespmem:s1+$0x15110] =	vst v19;
	v19 =	vld.idx.msk [tilespmem:v38+s4+$0x0], $0xffff  }
0x4c7: {  	[tilespmem:s0+$0x153F0] =	vst v4;
	v41 =	vor.u32 $0x180, v18;
	v38 =	vld [tilespmem:s31+$0x10C10]  }
0x4c8: {  	v42 =	vor.u32 $0x300, v16;
	v52 =	vor.u32 $0x300, v17;
	v44 =	vor.u32 $0x180, v15;
	[tilespmem:s0+$0x15660] =	vst v26;
	v20 =	vld.idx.msk [tilespmem:v34+s4+$0x0], $0xffff  }
0x4c9: {  	v40 =	vor.u32 $0x200, v14;
	v45 =	vor.u32 $0x280, v17;
	v32 =	vshll.u32 v63, $0x3;
	v25 =	vld.idx.msk [tilespmem:v36+s4+$0x0], $0xffff;
	[tilespmem:s0+$0x155F0] =	vst v27  }
0x4ca: {  	v60 =	vor.u32 $0x380, v17;
	v34 =	vand.u32 $0x7F, v63;
	v17 =	vand.u32 $0xFFFFFC00, v32;
	v22 =	vld.idx.msk [tilespmem:v37+s4+$0x0], $0xffff;
	[tilespmem:s1+$0x15180] =	vst v23  }
0x4cb: {  	v4 =	vor.u32 v34, v17;
	v21 =	vld.idx.msk [tilespmem:v39+s4+$0x0], $0xffff;
	[tilespmem:s1+$0x15120] =	vst v24  }
0x4cc: {  	v43 =	vor.u32 $0x280, v13;
	v27 =	vld.idx.msk [tilespmem:v41+s4+$0x0], $0xffff;
	[tilespmem:s1+$0x15130] =	vst v19  }
0x4cd: {  	[tilespmem:s1+$0x15190] =	vst v20;
	v20 =	vld.idx.msk [tilespmem:v44+s4+$0x0], $0xffff  }
0x4ce: {  	v47 =	vor.u32 $0x200, v18;
	[tilespmem:s0+$0x156E0] =	vst v25;
	v26 =	vld.idx.msk [tilespmem:v40+s4+$0x0], $0xffff  }
0x4cf: {  	[tilespmem:s0+$0x15790] =	vst v9;
	v51 =	vor.u32 $0x200, v15;
	v10 =	vld.idx.msk [tilespmem:v42+s4+$0x0], $0xffff  }
0x4d0: {  	[tilespmem:s0+$0x15670] =	vst v22;
	v44 =	vld.idx.msk [tilespmem:v4+s4+$0x0], $0xffff  }
0x4d1: {  	v16 =	vor.u32 $0x380, v16;
	v46 =	vor.u32 $0x280, v14;
	v49 =	vor.u32 $0x300, v13;
	v48 =	vld.idx.msk [tilespmem:v43+s4+$0x0], $0xffff;
	[tilespmem:s1+$0x15200] =	vst v21  }
0x4d2: {  	v31 =	vor.u32 $0x380, v18;
	v54 =	vor.u32 $0x280, v18;
	v42 =	vshll.u32 v33, $0x3;
	v50 =	vld.idx.msk [tilespmem:v45+s4+$0x0], $0xffff;
	[tilespmem:s1+$0x151A0] =	vst v27  }
0x4d3: {  	v62 =	vor.u32 $0x300, v18;
	v18 =	vand.u32 $0x7F, v33;
	v9 =	vand.u32 $0xFFFFFC00, v42;
	v22 =	vld.idx.msk [tilespmem:v47+s4+$0x0], $0xffff;
	[tilespmem:s1+$0x151B0] =	vst v20  }
0x4d4: {  	[tilespmem:s0+$0x157B0] =	vst v8;
	v9 =	vor.u32 v18, v9;
	v47 =	vshll.u32 v38, $0x3;
	v20 =	vld.idx.msk [tilespmem:v51+s4+$0x0], $0xffff  }
0x4d5: {  	v45 =	vor.u32 $0x80, v4;
	[tilespmem:s1+$0x15210] =	vst v26;
	v8 =	vand.u32 $0xFFFFFC00, v47;
	v47 =	vld [tilespmem:s31+$0x10C20]  }
0x4d6: {  	v27 =	vshll.u32 v59, $0x3;
	[tilespmem:s0+$0x15760] =	vst v10;
	v25 =	vld.idx.msk [tilespmem:v46+s4+$0x0], $0xffff  }
0x4d7: {  	v2 =	vand.u32 $0x7F, v59;
	v28 =	vshll.u32 v61, $0x3;
	v3 =	vand.u32 $0xFFFFFC00, v27;
	v10 =	vld.idx.msk [tilespmem:v16+s4+$0x0], $0xffff;
	[tilespmem:s0+$0x156F0] =	vst v48  }
0x4d8: {  	[tilespmem:s0+$0x153E0] =	vst v5;
	v29 =	vand.u32 $0x7F, v61;
	v30 =	vand.u32 $0xFFFFFC00, v28;
	v2 =	vor.u32 v2, v3;
	v19 =	vld.idx.msk [tilespmem:v49+s4+$0x0], $0xffff  }
0x4d9: {  	v3 =	vor.u32 v29, v30;
	[tilespmem:s1+$0x15060] =	vst v44;
	v51 =	vld.idx.msk [tilespmem:v9+s4+$0x0], $0xffff  }
0x4da: {  	v56 =	vor.u32 $0x280, v15;
	[tilespmem:s1+$0x15280] =	vst v50;
	v18 =	vld.idx.msk [tilespmem:v45+s4+$0x0], $0xffff  }
0x4db: {  	v55 =	vld.idx.msk [tilespmem:v52+s4+$0x0], $0xffff;
	[tilespmem:s1+$0x15220] =	vst v22  }
0x4dc: {  	[tilespmem:s0+$0x15780] =	vst v6;
	v53 =	vor.u32 $0x300, v14;
	v16 =	vld.idx.msk [tilespmem:v54+s4+$0x0], $0xffff  }
0x4dd: {  	[tilespmem:s0+$0x157A0] =	vst v7;
	v58 =	vor.u32 $0x380, v13;
	v39 =	vld.idx.msk [tilespmem:v2+s4+$0x0], $0xffff  }
0x4de: {  	v52 =	vor.u32 $0x80, v9;
	[tilespmem:s1+$0x15230] =	vst v20;
	v41 =	vld.idx.msk [tilespmem:v3+s4+$0x0], $0xffff  }
0x4df: {  	[tilespmem:s0+$0x157D0] =	vst v12;
	v23 =	vld.idx.msk [tilespmem:v56+s4+$0x0], $0xffff  }
0x4e0: {  	[tilespmem:s1+$0x15290] =	vst v25;
	v25 =	vld [tilespmem:s31+$0x10870]  }
0x4e1: {  	v43 =	vor.u32 $0x80, v3;
	v57 =	vld.idx.msk [tilespmem:v53+s4+$0x0], $0xffff;
	[tilespmem:s0+$0x15770] =	vst v19  }
0x4e2: {  	v26 =	vor.u32 $0x300, v15;
	[tilespmem:s1+$0x15400] =	vst v51;
	v1 =	vld.idx.msk [tilespmem:v58+s4+$0x0], $0xffff  }
0x4e3: {  	v53 =	vor.u32 $0x100, v4;
	[tilespmem:s1+$0x15300] =	vst v55;
	v20 =	vld.idx.msk [tilespmem:v52+s4+$0x0], $0xffff  }
0x4e4: {  	v14 =	vor.u32 $0x380, v14;
	v0 =	vld.idx.msk [tilespmem:v60+s4+$0x0], $0xffff;
	[tilespmem:s1+$0x152A0] =	vst v16  }
0x4e5: {  	v40 =	vor.u32 $0x80, v2;
	[tilespmem:s1+$0x15050] =	vst v41;
	v16 =	vld.idx.msk [tilespmem:v62+s4+$0x0], $0xffff  }
0x4e6: {  	[tilespmem:s1+$0x152B0] =	vst v23;
	v13 =	vld.idx.msk [tilespmem:v43+s4+$0x0], $0xffff  }
0x4e7: {  	v50 =	vor.u32 $0x100, v3;
	[tilespmem:s1+$0x150E0] =	vst v18;
	v35 =	vshll.u32 v25, $0x3;
	v21 =	vld.idx.msk [tilespmem:v26+s4+$0x0], $0xffff  }
0x4e8: {  	v36 =	vand.u32 $0x7F, v25;
	[tilespmem:s1+$0x15310] =	vst v57;
	v37 =	vand.u32 $0xFFFFFC00, v35;
	v12 =	vld.idx.msk [tilespmem:v53+s4+$0x0], $0xffff  }
0x4e9: {  	[tilespmem:s1+$0x15040] =	vst v39;
	v5 =	vld.idx.msk [tilespmem:v14+s4+$0x0], $0xffff;
	v6 =	vor.u32 v36, v37  }
0x4ea: {  	v15 =	vor.u32 $0x380, v15;
	[tilespmem:s1+$0x15320] =	vst v16;
	v16 =	vld.idx.msk [tilespmem:v40+s4+$0x0], $0xffff  }
0x4eb: {  	v60 =	vor.u32 $0x180, v4;
	v14 =	vand.u32 $0x7F, v38;
	[tilespmem:s1+$0x150D0] =	vst v13;
	v7 =	vld.idx.msk [tilespmem:v31+s4+$0x0], $0xffff  }
0x4ec: {  	[tilespmem:s0+$0x157C0] =	vst v11;
	v8 =	vor.u32 v14, v8;
	v14 =	vld.idx.msk [tilespmem:v50+s4+$0x0], $0xffff  }
0x4ed: {  	v49 =	vor.u32 $0x100, v2;
	[tilespmem:s0+$0x157E0] =	vst v10;
	v50 =	vld [tilespmem:s31+$0x10C50]  }
0x4ee: {  	[tilespmem:s1+$0x15330] =	vst v21;
	v46 =	vld.idx.msk [tilespmem:v6+s4+$0x0], $0xffff  }
0x4ef: {  	v58 =	vor.u32 $0x180, v3;
	[tilespmem:s1+$0x15160] =	vst v12;
	v15 =	vld.idx.msk [tilespmem:v15+s4+$0x0], $0xffff  }
0x4f0: {  	[tilespmem:s1+$0x15480] =	vst v20;
	v48 =	vor.u32 $0x80, v6;
	v21 =	vld.idx.msk [tilespmem:v60+s4+$0x0], $0xffff  }
0x4f1: {  	v55 =	vld.idx.msk [tilespmem:v8+s4+$0x0], $0xffff;
	[tilespmem:s1+$0x150C0] =	vst v16  }
0x4f2: {  	[tilespmem:s0+$0x157F0] =	vst v1;
	v56 =	vor.u32 $0x80, v8;
	v11 =	vld.idx.msk [tilespmem:v49+s4+$0x0], $0xffff  }
0x4f3: {  	[tilespmem:s1+$0x15150] =	vst v14;
	v49 =	vld [tilespmem:s31+$0x10C40]  }
0x4f4: {  	v57 =	vor.u32 $0x180, v2;
	[tilespmem:s1+$0x15070] =	vst v46;
	v18 =	vld.idx.msk [tilespmem:v58+s4+$0x0], $0xffff  }
0x4f5: {  	v59 =	vor.u32 $0x100, v9;
	[tilespmem:s1+$0x15380] =	vst v0;
	v17 =	vld.idx.msk [tilespmem:v48+s4+$0x0], $0xffff  }
0x4f6: {  	v24 =	vor.u32 $0x200, v3;
	[tilespmem:s1+$0x15410] =	vst v55;
	v48 =	vld [tilespmem:s31+$0x10C30]  }
0x4f7: {  	v54 =	vor.u32 $0x100, v6;
	[tilespmem:s1+$0x15390] =	vst v5;
	v13 =	vld.idx.msk [tilespmem:v56+s4+$0x0], $0xffff  }
0x4f8: {  	v56 =	vld [tilespmem:s31+$0x10C60];
	[tilespmem:s1+$0x15140] =	vst v11  }
0x4f9: {  	v26 =	vor.u32 $0x200, v4;
	v19 =	vld.idx.msk [tilespmem:v57+s4+$0x0], $0xffff;
	[tilespmem:s1+$0x151D0] =	vst v18  }
0x4fa: {  	v62 =	vor.u32 $0x100, v8;
	[tilespmem:s1+$0x150F0] =	vst v17;
	v17 =	vld.idx.msk [tilespmem:v59+s4+$0x0], $0xffff  }
0x4fb: {  	v63 =	vor.u32 $0x200, v2;
	[tilespmem:s1+$0x153A0] =	vst v7;
	v12 =	vld.idx.msk [tilespmem:v24+s4+$0x0], $0xffff  }
0x4fc: {  	v25 =	vor.u32 $0x180, v9;
	[tilespmem:s1+$0x151E0] =	vst v21;
	v16 =	vld.idx.msk [tilespmem:v54+s4+$0x0], $0xffff  }
0x4fd: {  	v30 =	vor.u32 $0x280, v3;
	v57 =	vld [tilespmem:s31+$0x10C70];
	[tilespmem:s1+$0x15490] =	vst v13  }
0x4fe: {  	v61 =	vor.u32 $0x180, v6;
	v13 =	vld.idx.msk [tilespmem:v26+s4+$0x0], $0xffff;
	[tilespmem:s1+$0x151C0] =	vst v19  }
0x4ff: {  	v32 =	vor.u32 $0x280, v4;
	v14 =	vld.idx.msk [tilespmem:v62+s4+$0x0], $0xffff;
	v62 =	vshll.u32 v50, $0x3;
	[tilespmem:s1+$0x15500] =	vst v17  }
0x500: {  	v28 =	vor.u32 $0x180, v8;
	v10 =	vand.u32 $0x7F, v50;
	v5 =	vand.u32 $0xFFFFFC00, v62;
	v20 =	vld.idx.msk [tilespmem:v63+s4+$0x0], $0xffff;
	[tilespmem:s1+$0x15250] =	vst v12  }
0x501: {  	v63 =	vor.u32 v10, v5;
	[tilespmem:s1+$0x15170] =	vst v16;
	v16 =	vld.idx.msk [tilespmem:v25+s4+$0x0], $0xffff  }
0x502: {  	v29 =	vor.u32 $0x280, v2;
	[tilespmem:s1+$0x153B0] =	vst v15;
	v21 =	vld.idx.msk [tilespmem:v30+s4+$0x0], $0xffff  }
0x503: {  	v31 =	vor.u32 $0x200, v9;
	[tilespmem:s1+$0x15260] =	vst v13;
	v11 =	vld.idx.msk [tilespmem:v61+s4+$0x0], $0xffff  }
0x504: {  	v36 =	vor.u32 $0x300, v3;
	[tilespmem:s1+$0x15510] =	vst v14;
	v14 =	vld.idx.msk [tilespmem:v32+s4+$0x0], $0xffff  }
0x505: {  	v27 =	vor.u32 $0x200, v6;
	v18 =	vld.idx.msk [tilespmem:v28+s4+$0x0], $0xffff;
	[tilespmem:s1+$0x15240] =	vst v20  }
0x506: {  	v38 =	vor.u32 $0x300, v4;
	v24 =	vld.idx.msk [tilespmem:v63+s4+$0x0], $0xffff;
	[tilespmem:s1+$0x15580] =	vst v16  }
0x507: {  	v34 =	vor.u32 $0x200, v8;
	v17 =	vld.idx.msk [tilespmem:v29+s4+$0x0], $0xffff;
	[tilespmem:s1+$0x152D0] =	vst v21  }
0x508: {  	v35 =	vor.u32 $0x300, v2;
	v53 =	vand.u32 $0x7F, v47;
	[tilespmem:s1+$0x151F0] =	vst v11;
	v11 =	vld.idx.msk [tilespmem:v31+s4+$0x0], $0xffff  }
0x509: {  	v37 =	vor.u32 $0x280, v9;
	v3 =	vor.u32 $0x380, v3;
	v4 =	vor.u32 $0x380, v4;
	v41 =	vld.idx.msk [tilespmem:v36+s4+$0x0], $0xffff;
	[tilespmem:s1+$0x152E0] =	vst v14  }
0x50a: {  	v33 =	vor.u32 $0x280, v6;
	v55 =	vshll.u32 v48, $0x3;
	v54 =	vshll.u32 v47, $0x3;
	v19 =	vld.idx.msk [tilespmem:v27+s4+$0x0], $0xffff;
	[tilespmem:s1+$0x15590] =	vst v18  }
0x50b: {  	v15 =	vand.u32 $0xFFFFFC00, v55;
	v1 =	vand.u32 $0xFFFFFC00, v54;
	v13 =	vand.u32 $0x7F, v48;
	v14 =	vld.idx.msk [tilespmem:v38+s4+$0x0], $0xffff;
	[tilespmem:s1+$0x15450] =	vst v24  }
0x50c: {  	v0 =	vor.u32 v53, v1;
	v1 =	vor.u32 v13, v15;
	v15 =	vshll.u32 v57, $0x3;
	v12 =	vld.idx.msk [tilespmem:v34+s4+$0x0], $0xffff;
	[tilespmem:s1+$0x152C0] =	vst v17  }
0x50d: {  	v40 =	vor.u32 $0x280, v8;
	v10 =	vand.u32 $0xFFFFFC00, v15;
	v17 =	vand.u32 $0x7F, v57;
	v16 =	vld.idx.msk [tilespmem:v35+s4+$0x0], $0xffff;
	[tilespmem:s1+$0x15600] =	vst v11  }
0x50e: {  	v51 =	vor.u32 $0x380, v9;
	v43 =	vor.u32 $0x300, v9;
	[tilespmem:s1+$0x15350] =	vst v41;
	v9 =	vor.u32 v17, v10;
	v42 =	vld.idx.msk [tilespmem:v37+s4+$0x0], $0xffff  }
0x50f: {  	v2 =	vor.u32 $0x380, v2;
	[tilespmem:s1+$0x15270] =	vst v19;
	v59 =	vld.idx.msk [tilespmem:v3+s4+$0x0], $0xffff  }
0x510: {  	[tilespmem:s1+$0x15360] =	vst v14;
	v20 =	vld.idx.msk [tilespmem:v33+s4+$0x0], $0xffff  }
0x511: {  	[tilespmem:s1+$0x15610] =	vst v12;
	v4 =	vld.idx.msk [tilespmem:v4+s4+$0x0], $0xffff  }
0x512: {  	v39 =	vor.u32 $0x300, v6;
	v12 =	vshll.u32 v56, $0x3;
	v45 =	vld.idx.msk [tilespmem:v40+s4+$0x0], $0xffff;
	[tilespmem:s1+$0x15340] =	vst v16  }
0x513: {  	v46 =	vor.u32 $0x300, v8;
	v14 =	vand.u32 $0x7F, v56;
	v5 =	vand.u32 $0xFFFFFC00, v12;
	v28 =	vld.idx.msk [tilespmem:v9+s4+$0x0], $0xffff;
	[tilespmem:s1+$0x15680] =	vst v42  }
0x514: {  	v61 =	vshll.u32 v49, $0x3;
	v5 =	vor.u32 v14, v5;
	v58 =	vld.idx.msk [tilespmem:v2+s4+$0x0], $0xffff;
	[tilespmem:s1+$0x153D0] =	vst v59  }
0x515: {  	v60 =	vand.u32 $0x7F, v49;
	v3 =	vand.u32 $0xFFFFFC00, v61;
	[tilespmem:s1+$0x152F0] =	vst v20;
	v18 =	vld.idx.msk [tilespmem:v43+s4+$0x0], $0xffff  }
0x516: {  	v3 =	vor.u32 v60, v3;
	[tilespmem:s1+$0x153E0] =	vst v4;
	v20 =	vld.idx.msk [tilespmem:v1+s4+$0x0], $0xffff  }
0x517: {  	v44 =	vld.idx.msk [tilespmem:v39+s4+$0x0], $0xffff;
	[tilespmem:s1+$0x15690] =	vst v45  }
0x518: {  	v6 =	vor.u32 $0x380, v6;
	v52 =	vld.idx.msk [tilespmem:v46+s4+$0x0], $0xffff;
	[tilespmem:s1+$0x15470] =	vst v28  }
0x519: {  	v8 =	vor.u32 $0x380, v8;
	v26 =	vld.idx.msk [tilespmem:v5+s4+$0x0], $0xffff;
	[tilespmem:s1+$0x153C0] =	vst v58  }
0x51a: {  	v27 =	vor.u32 $0x80, v5;
	[tilespmem:s1+$0x15700] =	vst v18;
	v18 =	vld.idx.msk [tilespmem:v0+s4+$0x0], $0xffff  }
0x51b: {  	v19 =	vor.u32 $0x80, v0;
	v22 =	vld.idx.msk [tilespmem:v3+s4+$0x0], $0xffff;
	[tilespmem:s1+$0x15430] =	vst v20  }
0x51c: {  	v23 =	vor.u32 $0x80, v3;
	[tilespmem:s1+$0x15370] =	vst v44;
	v7 =	vld.idx.msk [tilespmem:v51+s4+$0x0], $0xffff  }
0x51d: {  	v29 =	vor.u32 $0x80, v9;
	v6 =	vld.idx.msk [tilespmem:v6+s4+$0x0], $0xffff;
	[tilespmem:s1+$0x15710] =	vst v52  }
0x51e: {  	v21 =	vor.u32 $0x80, v1;
	[tilespmem:s1+$0x15460] =	vst v26;
	v8 =	vld.idx.msk [tilespmem:v8+s4+$0x0], $0xffff  }
0x51f: {  	v25 =	vor.u32 $0x80, v63;
	v11 =	vld.idx.msk [tilespmem:v27+s4+$0x0], $0xffff;
	[tilespmem:s1+$0x15420] =	vst v18  }
0x520: {  	v34 =	vor.u32 $0x100, v5;
	[tilespmem:s1+$0x15440] =	vst v22;
	v4 =	vld.idx.msk [tilespmem:v19+s4+$0x0], $0xffff  }
0x521: {  	v30 =	vor.u32 $0x100, v0;
	[tilespmem:s1+$0x15780] =	vst v7;
	v7 =	vld.idx.msk [tilespmem:v23+s4+$0x0], $0xffff  }
0x522: {  	v32 =	vor.u32 $0x100, v3;
	v10 =	vld.idx.msk [tilespmem:v29+s4+$0x0], $0xffff;
	[tilespmem:s1+$0x153F0] =	vst v6  }
0x523: {  	v35 =	vor.u32 $0x100, v9;
	v6 =	vld.idx.msk [tilespmem:v21+s4+$0x0], $0xffff;
	[tilespmem:s1+$0x15790] =	vst v8  }
0x524: {  	v31 =	vor.u32 $0x100, v1;
	v8 =	vld.idx.msk [tilespmem:v25+s4+$0x0], $0xffff;
	[tilespmem:s1+$0x154E0] =	vst v11  }
0x525: {  	v33 =	vor.u32 $0x100, v63;
	[tilespmem:s1+$0x154A0] =	vst v4;
	v4 =	vld.idx.msk [tilespmem:v34+s4+$0x0], $0xffff  }
0x526: {  	v40 =	vor.u32 $0x180, v5;
	[tilespmem:s1+$0x154C0] =	vst v7;
	v12 =	vld.idx.msk [tilespmem:v30+s4+$0x0], $0xffff  }
0x527: {  	v36 =	vor.u32 $0x180, v0;
	[tilespmem:s1+$0x154F0] =	vst v10;
	v14 =	vld.idx.msk [tilespmem:v32+s4+$0x0], $0xffff  }
0x528: {  	v38 =	vor.u32 $0x180, v3;
	[tilespmem:s1+$0x154B0] =	vst v6;
	v6 =	vld.idx.msk [tilespmem:v35+s4+$0x0], $0xffff  }
0x529: {  	v41 =	vor.u32 $0x180, v9;
	v13 =	vld.idx.msk [tilespmem:v31+s4+$0x0], $0xffff;
	[tilespmem:s1+$0x154D0] =	vst v8  }
0x52a: {  	v37 =	vor.u32 $0x180, v1;
	v15 =	vld.idx.msk [tilespmem:v33+s4+$0x0], $0xffff;
	[tilespmem:s1+$0x15560] =	vst v4  }
0x52b: {  	v39 =	vor.u32 $0x180, v63;
	[tilespmem:s1+$0x15520] =	vst v12;
	v12 =	vld.idx.msk [tilespmem:v40+s4+$0x0], $0xffff  }
0x52c: {  	v46 =	vor.u32 $0x200, v5;
	[tilespmem:s1+$0x15540] =	vst v14;
	v7 =	vld.idx.msk [tilespmem:v36+s4+$0x0], $0xffff  }
0x52d: {  	v42 =	vor.u32 $0x200, v0;
	[tilespmem:s1+$0x15570] =	vst v6;
	v11 =	vld.idx.msk [tilespmem:v38+s4+$0x0], $0xffff  }
0x52e: {  	v44 =	vor.u32 $0x200, v3;
	[tilespmem:s1+$0x15530] =	vst v13;
	v13 =	vld.idx.msk [tilespmem:v41+s4+$0x0], $0xffff  }
0x52f: {  	v47 =	vor.u32 $0x200, v9;
	v8 =	vld.idx.msk [tilespmem:v37+s4+$0x0], $0xffff;
	[tilespmem:s1+$0x15550] =	vst v15  }
0x530: {  	v43 =	vor.u32 $0x200, v1;
	v10 =	vld.idx.msk [tilespmem:v39+s4+$0x0], $0xffff;
	[tilespmem:s1+$0x155E0] =	vst v12  }
0x531: {  	v45 =	vor.u32 $0x200, v63;
	[tilespmem:s1+$0x155A0] =	vst v7;
	v7 =	vld.idx.msk [tilespmem:v46+s4+$0x0], $0xffff  }
0x532: {  	v52 =	vor.u32 $0x280, v5;
	[tilespmem:s1+$0x155C0] =	vst v11;
	v14 =	vld.idx.msk [tilespmem:v42+s4+$0x0], $0xffff  }
0x533: {  	v48 =	vor.u32 $0x280, v0;
	[tilespmem:s1+$0x155F0] =	vst v13;
	v4 =	vld.idx.msk [tilespmem:v44+s4+$0x0], $0xffff  }
0x534: {  	v50 =	vor.u32 $0x280, v3;
	[tilespmem:s1+$0x155B0] =	vst v8;
	v8 =	vld.idx.msk [tilespmem:v47+s4+$0x0], $0xffff  }
0x535: {  	v53 =	vor.u32 $0x280, v9;
	v15 =	vld.idx.msk [tilespmem:v43+s4+$0x0], $0xffff;
	[tilespmem:s1+$0x155D0] =	vst v10  }
0x536: {  	v49 =	vor.u32 $0x280, v1;
	v6 =	vld.idx.msk [tilespmem:v45+s4+$0x0], $0xffff;
	[tilespmem:s1+$0x15660] =	vst v7  }
0x537: {  	v51 =	vor.u32 $0x280, v63;
	[tilespmem:s1+$0x15620] =	vst v14;
	v14 =	vld.idx.msk [tilespmem:v52+s4+$0x0], $0xffff  }
0x538: {  	v58 =	vor.u32 $0x300, v5;
	[tilespmem:s1+$0x15640] =	vst v4;
	v11 =	vld.idx.msk [tilespmem:v48+s4+$0x0], $0xffff  }
0x539: {  	v54 =	vor.u32 $0x300, v0;
	[tilespmem:s1+$0x15670] =	vst v8;
	v12 =	vld.idx.msk [tilespmem:v50+s4+$0x0], $0xffff  }
0x53a: {  	v56 =	vor.u32 $0x300, v3;
	[tilespmem:s1+$0x15630] =	vst v15;
	v15 =	vld.idx.msk [tilespmem:v53+s4+$0x0], $0xffff  }
0x53b: {  	v59 =	vor.u32 $0x300, v9;
	v10 =	vld.idx.msk [tilespmem:v49+s4+$0x0], $0xffff;
	[tilespmem:s1+$0x15650] =	vst v6  }
0x53c: {  	v55 =	vor.u32 $0x300, v1;
	v13 =	vld.idx.msk [tilespmem:v51+s4+$0x0], $0xffff;
	[tilespmem:s1+$0x156E0] =	vst v14  }
0x53d: {  	v57 =	vor.u32 $0x300, v63;
	[tilespmem:s1+$0x156A0] =	vst v11;
	v11 =	vld.idx.msk [tilespmem:v58+s4+$0x0], $0xffff  }
0x53e: {  	v60 =	vor.u32 $0x380, v5;
	[tilespmem:s1+$0x156C0] =	vst v12;
	v4 =	vld.idx.msk [tilespmem:v54+s4+$0x0], $0xffff  }
0x53f: {  	v0 =	vor.u32 $0x380, v0;
	[tilespmem:s1+$0x156F0] =	vst v15;
	v7 =	vld.idx.msk [tilespmem:v56+s4+$0x0], $0xffff  }
0x540: {  	v3 =	vor.u32 $0x380, v3;
	[tilespmem:s1+$0x156B0] =	vst v10;
	v61 =	vld.idx.msk [tilespmem:v59+s4+$0x0], $0xffff  }
0x541: {  	v62 =	vor.u32 $0x380, v9;
	v6 =	vld.idx.msk [tilespmem:v55+s4+$0x0], $0xffff;
	[tilespmem:s1+$0x156D0] =	vst v13  }
0x542: {  	v1 =	vor.u32 $0x380, v1;
	v8 =	vld.idx.msk [tilespmem:v57+s4+$0x0], $0xffff;
	[tilespmem:s1+$0x15760] =	vst v11  }
0x543: {  	v2 =	vor.u32 $0x380, v63;
	[tilespmem:s1+$0x15720] =	vst v4;
	v4 =	vld.idx.msk [tilespmem:v60+s4+$0x0], $0xffff  }
0x544: {  	[tilespmem:s1+$0x15740] =	vst v7;
	v0 =	vld.idx.msk [tilespmem:v0+s4+$0x0], $0xffff  }
0x545: {  	[tilespmem:s1+$0x15770] =	vst v61;
	v3 =	vld.idx.msk [tilespmem:v3+s4+$0x0], $0xffff  }
0x546: {  	[tilespmem:s1+$0x15730] =	vst v6;
	v63 =	vld.idx.msk [tilespmem:v62+s4+$0x0], $0xffff  }
0x547: {  	v1 =	vld.idx.msk [tilespmem:v1+s4+$0x0], $0xffff;
	[tilespmem:s1+$0x15750] =	vst v8  }
0x548: {  	p0 =	slt.u32 s30, $0x60;
	v2 =	vld.idx.msk [tilespmem:v2+s4+$0x0], $0xffff;
	[tilespmem:s1+$0x157E0] =	vst v4  }
.Ltmp3:
0x549: {  	[tilespmem:s1+$0x157A0] =	vst v0;
	(pc) =	sbr.rel @p0 .LBB2_9-.Ltmp3, $4  }
0x54a: {  	[tilespmem:s1+$0x157C0] =	vst v3  }
0x54b: {  	[tilespmem:s1+$0x157F0] =	vst v63  }
0x54c: {  	s31 =	sadd.s32 $0x20, s30;
	[tilespmem:s1+$0x157B0] =	vst v1  }
0x54d: {  	s30 =	smov.u32 s31;
	[tilespmem:s1+$0x157D0] =	vst v2  }
0x54e: {  	p0 =	sne.s32 s28, $0xF  }
.Ltmp4:
0x54f: {  	s0 =	sshll.u32 s29, $0x10;
	(pc) =	sbr.rel @p0 .LBB2_6-.Ltmp4, $4  }
0x550: {  	s0 =	sor.u32 s6, s0  }
0x551: {  	s0 =	sshrl.u32 s0, $0x3  }
0x552: {  	s0 =	sadd.s32 s3, s0  }
0x553: {  	[hbm4b:s0+s19] =	stream.strided.scatter [tilespmem:s22], [sflag:$0x4], $0x4000, s15, s19, $0x38;
	[tilespmem:$0x19000] =	vst v63  }
0x554: {  	_ =	swait.ge [sflag:s18], $0x800  }
0x555: {  	[sflag:s18] =	ssyncset.done $0x0  }
0x556: {  	s25 =	sadd.s32 $0x1, s25;
	[sflag:s18] =	ssyncadd.s32 $0xFFFFF800  }
0x557: {  	p0 =	sne.s32 s25, s14;
	_ =	swait.ge [sflag:s23], $0x4000  }
.Ltmp5:
0x558: {  	[sflag:s23] =	ssyncset.done $0x0;
	(pc) =	sbr.rel @p0 .LBB2_1-.Ltmp5, $4  }
0x559: {  	[sflag:s23] =	ssyncadd.s32 $0xFFFFC000  }
0x55a: {  	_ =	swait.ge [sflag:s24], $0x4000  }
0x55b: {  	[sflag:s24] =	ssyncset.done $0x0  }
0x55c: {  	[sflag:s24] =	ssyncadd.s32 $0xFFFFC000  }
0x55d: {  	_ =	sfence.sel $0x180000  }
0x55e: {  	[bflag:$0x0] =	sbarrier.arrive $0xFFFF  }
0x55f: {  	_ =	strace $0x90000047  }
0x560: {  	s0 =	stileid.u32;
	[bflag:$0x2] =	sbarrier.arrive $0xFFFF  }
0x561: {  	p0 =	sne.s32 s0, $0x0;
	s0 =	rddreg [dreg:$0x3]  }
0x562: {  	s0 =	sadd.s32 @!p0 $0x100000, s0  }
0x563: {  	[sflag:s0] =	ssyncadd.tile.s32 @!p0 $0x1;
	_ =	shalt  }
.Lfunc_end2:
_tile_overlayer_lowered:
.L_overlay_start_2:
0x564: {  	(tag) =	ssettag $0x2  }
0x565: {  	s0 =	rddreg [dreg:$0x0];
	s2 =	stileid.u32  }
0x566: {  	s1 =	rddreg [dreg:$0x1];
	p0 =	sne.s32 s2, $0x0  }
0x567: {  	s3 =	rddreg [dreg:$0x2];
	[bflag:$0x3] =	sbarrier.arrive $0xFFFF;
	s2 =	simm.s32 @!p0 $0x1C06  }
0x568: {  	[timem:s3], [sflag:s2] =	dma.local @!p0 [hbm:s0], s1  }
0x569: {  	s0 =	simm.s32 @!p0 $0x6  }
0x56a: {  	_ =	swait.ge @!p0 [sflag:s0], s1  }
0x56b: {  	s1 =	ssub.s32 @!p0 $0x0, s1;
	[sflag:s0] =	ssyncset.done @!p0 $0x0  }
0x56c: {  	[sflag:s0] =	ssyncadd.s32 @!p0 s1  }
0x56d: {  	[bflag:$0x3] =	sbarrier.arrive $0xFFFF  }
0x56e: {  	_ =	shalt  }

</sc_bundles>
